<compile_context>
chip_gen: v7x
topology: tpu7x:2x2x1
jax: 0.10.2.dev20260603
libtpu: 0.0.44.dev20260713+nightly
codegen_flags: <defaults>
</compile_context>

<pallas_src>
import jax
import jax.numpy as jnp
from jax import lax
from jax.experimental import pallas as pl
from jax.experimental.pallas import tpu as pltpu
from jax.experimental.pallas import tpu_sc as plsc

N = 10000
E = 320000
IN = 128
HID = 256
FEAT = 16

NC = 2
NS = 16
NW = NC * NS

_MESH = plsc.VectorSubcoreMesh(core_axis_name="c", subcore_axis_name="s")


def _pack_pairs(lo_f32, hi_f32):
    lo = lax.bitcast_convert_type(lo_f32.astype(jnp.bfloat16), jnp.uint16)
    hi = lax.bitcast_convert_type(hi_f32.astype(jnp.bfloat16), jnp.uint16)
    word = lo.astype(jnp.uint32) | (hi.astype(jnp.uint32) << 16)
    return lax.bitcast_convert_type(word, jnp.int32)
_SC_PARAMS = pltpu.CompilerParams(needs_layout_passes=False)

_ETA = E // NW
_CHA = 80
_NCA = _ETA // _CHA
_RCH = 80
_NRC = N // _RCH


def _own_rows(sid, body):
    nch = jnp.where(sid < _NRC % NS, _NRC // NS + 1, _NRC // NS)

    def f(k, c):
        r0 = pl.multiple_of((sid + NS * k) * _RCH, 8)
        body(r0)
        return c
    lax.fori_loop(0, nch, f, 0)


_DW = 8


def _sc_agg0(src_h, dst_h, x_h, outp_h, outd_h,
             idx_s0, idx_d0, idx_s1, idx_d1, rows0, rows1, zb, dacc,
             semis0, semis1, semid0, semid1, semr0, semr1, semsc0, semsc1,
             acc):
    cc = lax.axis_index("c")
    sid = lax.axis_index("s")
    wid = sid * NC + cc
    zv = jnp.zeros((16,), jnp.float32)
    ov = jnp.ones((16,), jnp.float32)
    slots = [(idx_s0, idx_d0, rows0, semis0, semid0, semr0, semsc0),
             (idx_s1, idx_d1, rows1, semis1, semid1, semr1, semsc1)]

    def zrow(r, carry):
        for j in range(IN // 16):
            zb[r, pl.ds(j * 16, 16)] = zv
        return carry
    lax.fori_loop(0, _RCH, zrow, 0)

    def zdrow(r, carry):
        dacc[pl.ds(pl.multiple_of(r * 16, 16), 16)] = zv
        return carry
    lax.fori_loop(0, N // 16, zdrow, 0)

    _own_rows(sid, lambda r0: pltpu.sync_copy(zb, acc.at[pl.ds(r0, _RCH)]))
    plsc.subcore_barrier()

    base = cc * (E // NC) + sid * _ETA

    def issue_idx_s(k, sl):
        off = pl.multiple_of(base + k * _CHA, 8)
        pltpu.async_copy(src_h.at[pl.ds(off, _CHA)], sl[0], sl[3])

    def issue_idx_d(k, sl):
        off = pl.multiple_of(base + k * _CHA, 8)
        pltpu.async_copy(dst_h.at[pl.ds(off, _CHA)], sl[1], sl[4])

    def drain_idx_s(sl):
        pltpu.make_async_copy(src_h.at[pl.ds(0, _CHA)], sl[0], sl[3]).wait()

    def drain_idx_d(sl):
        pltpu.make_async_copy(dst_h.at[pl.ds(0, _CHA)], sl[1], sl[4]).wait()

    def issue_gather(sl):
        pltpu.async_copy(x_h.at[sl[0]], sl[2], sl[5])

    def drain_gather(sl):
        pltpu.make_async_copy(x_h.at[pl.ds(0, _CHA)], sl[2], sl[5]).wait()

    def issue_scat(sl):
        pltpu.async_copy(sl[2], acc.at[sl[1]], sl[6], add=True)

    def drain_scat(sl):
        pltpu.make_async_copy(sl[2], acc.at[sl[1]], sl[6]).wait()

    issue_idx_s(0, slots[0])
    issue_idx_s(1, slots[1])
    issue_idx_d(0, slots[0])
    drain_idx_s(slots[0])
    issue_gather(slots[0])

    def chunkpair(i, carry):
        kk = i * 2
        for b in range(2):
            me, ot = slots[b], slots[1 - b]
            k = kk + b

            @pl.when(k < _NCA)
            def _():
                @pl.when(k >= 1)
                def _():
                    drain_scat(ot)

                @pl.when(k + 1 < _NCA)
                def _():
                    drain_idx_s(ot)
                    issue_gather(ot)
                    issue_idx_d(k + 1, ot)
                drain_gather(me)
                drain_idx_d(me)
                issue_scat(me)

                def dcount(i2, c2):
                    iv = me[1][pl.ds(pl.multiple_of(i2 * 16, 16), 16)]
                    plsc.addupdate_scatter(dacc, [iv], ov)
                    return c2
                lax.fori_loop(0, _CHA // 16, dcount, 0)

                @pl.when(k + 2 < _NCA)
                def _():
                    issue_idx_s(k + 2, me)
        return carry
    lax.fori_loop(0, (_NCA + 1) // 2, chunkpair, 0)
    drain_scat(slots[0])
    plsc.subcore_barrier()

    def ochunk(r0):
        pltpu.sync_copy(acc.at[pl.ds(r0, _RCH)], zb)
        pltpu.sync_copy(zb, outp_h.at[cc, pl.ds(r0, _RCH)])
    _own_rows(sid, ochunk)
    pltpu.sync_copy(dacc, outd_h.at[wid])


_agg0_call = pl.kernel(
    _sc_agg0,
    out_type=(jax.ShapeDtypeStruct((NC, N, IN), jnp.float32),
              jax.ShapeDtypeStruct((NW, N), jnp.float32)),
    mesh=_MESH,
    compiler_params=_SC_PARAMS,
    scratch_types=[
        pltpu.VMEM((_CHA,), jnp.int32),
        pltpu.VMEM((_CHA,), jnp.int32),
        pltpu.VMEM((_CHA,), jnp.int32),
        pltpu.VMEM((_CHA,), jnp.int32),
        pltpu.VMEM((_CHA, IN), jnp.float32),
        pltpu.VMEM((_CHA, IN), jnp.float32),
        pltpu.VMEM((_RCH, IN), jnp.float32),
        pltpu.VMEM((N,), jnp.float32),
        pltpu.SemaphoreType.DMA,
        pltpu.SemaphoreType.DMA,
        pltpu.SemaphoreType.DMA,
        pltpu.SemaphoreType.DMA,
        pltpu.SemaphoreType.DMA,
        pltpu.SemaphoreType.DMA,
        pltpu.SemaphoreType.DMA,
        pltpu.SemaphoreType.DMA,
        pltpu.VMEM_SHARED((N, IN), jnp.float32),
    ],
)

_ETB = E // NS
_CHB = 80
_NCB = _ETB // _CHB


def _sc_agg1(src_h, dst_h, h1a_h, h1b_h, out_h,
             idx_s0, idx_d0, idx_s1, idx_d1, rows0, rows1, zb,
             semis0, semis1, semid0, semid1, semr0, semr1, semsc0, semsc1,
             acc):
    cc = lax.axis_index("c")
    sid = lax.axis_index("s")
    zv = jnp.zeros((16,), jnp.float32)
    slots = [(idx_s0, idx_d0, rows0, semis0, semid0, semr0, semsc0),
             (idx_s1, idx_d1, rows1, semis1, semid1, semr1, semsc1)]

    def zrow(r, carry):
        for j in range(IN // 16):
            zb[r, pl.ds(j * 16, 16)] = zv
        return carry
    lax.fori_loop(0, _RCH, zrow, 0)
    _own_rows(sid, lambda r0: pltpu.sync_copy(zb, acc.at[pl.ds(r0, _RCH)]))
    plsc.subcore_barrier()

    base = sid * _ETB

    def issue_idx_s(k, sl):
        off = pl.multiple_of(base + k * _CHB, 8)
        pltpu.async_copy(src_h.at[pl.ds(off, _CHB)], sl[0], sl[3])

    def issue_idx_d(k, sl):
        off = pl.multiple_of(base + k * _CHB, 8)
        pltpu.async_copy(dst_h.at[pl.ds(off, _CHB)], sl[1], sl[4])

    def drain_idx_s(sl):
        pltpu.make_async_copy(src_h.at[pl.ds(0, _CHB)], sl[0], sl[3]).wait()

    def drain_idx_d(sl):
        pltpu.make_async_copy(dst_h.at[pl.ds(0, _CHB)], sl[1], sl[4]).wait()

    def issue_gather(sl):
        @pl.when(cc == 0)
        def _():
            pltpu.async_copy(h1a_h.at[sl[0]], sl[2], sl[5])

        @pl.when(cc == 1)
        def _():
            pltpu.async_copy(h1b_h.at[sl[0]], sl[2], sl[5])

    def drain_gather(sl):
        pltpu.make_async_copy(h1a_h.at[pl.ds(0, _CHB)], sl[2], sl[5]).wait()

    def issue_scat(sl):
        pltpu.async_copy(sl[2], acc.at[sl[1]], sl[6], add=True)

    def drain_scat(sl):
        pltpu.make_async_copy(sl[2], acc.at[sl[1]], sl[6]).wait()

    issue_idx_s(0, slots[0])
    issue_idx_s(1, slots[1])
    issue_idx_d(0, slots[0])
    drain_idx_s(slots[0])
    issue_gather(slots[0])

    def chunkpair(i, carry):
        kk = i * 2
        for b in range(2):
            me, ot = slots[b], slots[1 - b]
            k = kk + b

            @pl.when(k >= 1)
            def _():
                drain_scat(ot)

            @pl.when(k + 1 < _NCB)
            def _():
                drain_idx_s(ot)
                issue_gather(ot)
                issue_idx_d(k + 1, ot)
            drain_gather(me)
            drain_idx_d(me)
            issue_scat(me)

            @pl.when(k + 2 < _NCB)
            def _():
                issue_idx_s(k + 2, me)
        return carry
    lax.fori_loop(0, _NCB // 2, chunkpair, 0)
    drain_scat(slots[1])
    plsc.subcore_barrier()

    def ochunk(r0):
        pltpu.sync_copy(acc.at[pl.ds(r0, _RCH)], zb)
        pltpu.sync_copy(zb, out_h.at[cc, pl.ds(r0, _RCH)])
    _own_rows(sid, ochunk)


_agg1_call = pl.kernel(
    _sc_agg1,
    out_type=jax.ShapeDtypeStruct((NC, N, IN), jnp.float32),
    mesh=_MESH,
    compiler_params=_SC_PARAMS,
    scratch_types=[
        pltpu.VMEM((_CHB,), jnp.int32),
        pltpu.VMEM((_CHB,), jnp.int32),
        pltpu.VMEM((_CHB,), jnp.int32),
        pltpu.VMEM((_CHB,), jnp.int32),
        pltpu.VMEM((_CHB, IN), jnp.float32),
        pltpu.VMEM((_CHB, IN), jnp.float32),
        pltpu.VMEM((_RCH, IN), jnp.float32),
        pltpu.SemaphoreType.DMA,
        pltpu.SemaphoreType.DMA,
        pltpu.SemaphoreType.DMA,
        pltpu.SemaphoreType.DMA,
        pltpu.SemaphoreType.DMA,
        pltpu.SemaphoreType.DMA,
        pltpu.SemaphoreType.DMA,
        pltpu.SemaphoreType.DMA,
        pltpu.VMEM_SHARED((N, IN), jnp.float32),
    ],
)

_ETC = E // NW
_CHC = 80
_NCC = _ETC // _CHC


def _sc_cls(src_h, dst_h, a_h, b_h, g_h,
            idx_s0, idx_d0, idx_s1, idx_d1,
            rowsa0, rowsb0, outg0, rowsa1, rowsb1, outg1,
            semi0, semi1, semg0, semg1, semo0, semo1):
    cc = lax.axis_index("c")
    sid = lax.axis_index("s")
    wid = sid * NC + cc
    base = wid * _ETC
    slots = [(idx_s0, idx_d0, rowsa0, rowsb0, outg0, semi0, semg0, semo0),
             (idx_s1, idx_d1, rowsa1, rowsb1, outg1, semi1, semg1, semo1)]

    def issue_idx(k, sl):
        off = pl.multiple_of(base + k * _CHC, 8)
        pltpu.async_copy(src_h.at[pl.ds(off, _CHC)], sl[0], sl[5])
        pltpu.async_copy(dst_h.at[pl.ds(off, _CHC)], sl[1], sl[5])

    def drain_idx(sl):
        pltpu.make_async_copy(src_h.at[pl.ds(0, _CHC)], sl[0], sl[5]).wait()
        pltpu.make_async_copy(src_h.at[pl.ds(0, _CHC)], sl[1], sl[5]).wait()

    def issue_gathers(sl):
        pltpu.async_copy(a_h.at[sl[0]], sl[2], sl[6])
        pltpu.async_copy(b_h.at[sl[1]], sl[3], sl[6])

    def drain_gathers(sl):
        for r in (sl[2], sl[3]):
            pltpu.make_async_copy(a_h.at[pl.ds(0, _CHC)], r, sl[6]).wait()

    issue_idx(0, slots[0])
    issue_idx(1, slots[1])
    drain_idx(slots[0])
    issue_gathers(slots[0])

    def chunkpair(i, carry):
        kk = i * 2
        for b in range(2):
            me, ot = slots[b], slots[1 - b]
            k = kk + b

            @pl.when(k < _NCC)
            def _():
                @pl.when(k + 1 < _NCC)
                def _():
                    drain_idx(ot)
                    issue_gathers(ot)
                drain_gathers(me)
                @pl.when(k >= 2)
                def _():
                    pltpu.make_async_copy(
                        me[4], g_h.at[pl.ds(0, _CHC)], me[7]).wait()

                rowsa, rowsb, outg = me[2], me[3], me[4]

                def edge(e, c3):
                    for j in range(HID // 32):
                        sl_ = pl.ds(j * 16, 16)
                        a = plsc.bitcast(rowsa[e, sl_], jnp.bfloat16)
                        b_ = plsc.bitcast(rowsb[e, sl_], jnp.bfloat16)
                        outg[e, sl_] = plsc.bitcast(a + b_, jnp.int32)
                    return c3
                lax.fori_loop(0, _CHC, edge, 0)
                off = pl.multiple_of(base + k * _CHC, 8)
                pltpu.async_copy(outg, g_h.at[pl.ds(off, _CHC)], me[7])

                @pl.when(k + 2 < _NCC)
                def _():
                    issue_idx(k + 2, me)
        return carry
    lax.fori_loop(0, (_NCC + 1) // 2, chunkpair, 0)
    for sl in slots:
        pltpu.make_async_copy(sl[4], g_h.at[pl.ds(0, _CHC)], sl[7]).wait()


_cls_call = pl.kernel(
    _sc_cls,
    out_type=jax.ShapeDtypeStruct((E, HID // 2), jnp.int32),
    mesh=_MESH,
    compiler_params=_SC_PARAMS,
    scratch_types=[
        pltpu.VMEM((_CHC,), jnp.int32),
        pltpu.VMEM((_CHC,), jnp.int32),
        pltpu.VMEM((_CHC,), jnp.int32),
        pltpu.VMEM((_CHC,), jnp.int32),
        pltpu.VMEM((_CHC, HID // 2), jnp.int32),
        pltpu.VMEM((_CHC, HID // 2), jnp.int32),
        pltpu.VMEM((_CHC, HID // 2), jnp.int32),
        pltpu.VMEM((_CHC, HID // 2), jnp.int32),
        pltpu.VMEM((_CHC, HID // 2), jnp.int32),
        pltpu.VMEM((_CHC, HID // 2), jnp.int32),
        pltpu.SemaphoreType.DMA,
        pltpu.SemaphoreType.DMA,
        pltpu.SemaphoreType.DMA,
        pltpu.SemaphoreType.DMA,
        pltpu.SemaphoreType.DMA,
        pltpu.SemaphoreType.DMA,
    ],
)

_R = 400


def _tc_l0(p_ref, d_ref, x_ref, wl_ref, bl_ref, wr_ref, oa_ref, ob_ref):
    deg = jnp.sum(d_ref[...], axis=1)
    inv = 1.0 / jnp.maximum(deg, 1.0)
    mean = (p_ref[0] + p_ref[1]) * inv[:, None]
    h = mean @ wl_ref[...] + bl_ref[...] + x_ref[...] @ wr_ref[...]
    h = jnp.maximum(h, 0.0)
    oa_ref[...] = h[:, :IN]
    ob_ref[...] = h[:, IN:]


def _tc_l0_call(p, degp, x, Wl0, bl0, Wr0):
    return pl.pallas_call(
        _tc_l0,
        grid=(N // _R,),
        in_specs=[
            pl.BlockSpec((NC, _R, IN), lambda i: (0, i, 0)),
            pl.BlockSpec((_R, NW), lambda i: (i, 0)),
            pl.BlockSpec((_R, IN), lambda i: (i, 0)),
            pl.BlockSpec((IN, HID), lambda i: (0, 0)),
            pl.BlockSpec((1, HID), lambda i: (0, 0)),
            pl.BlockSpec((IN, HID), lambda i: (0, 0)),
        ],
        out_specs=[
            pl.BlockSpec((_R, IN), lambda i: (i, 0)),
            pl.BlockSpec((_R, IN), lambda i: (i, 0)),
        ],
        out_shape=[
            jax.ShapeDtypeStruct((N, IN), jnp.float32),
            jax.ShapeDtypeStruct((N, IN), jnp.float32),
        ],
    )(p, degp, x, Wl0, bl0.reshape(1, HID), Wr0)




def _tc_l1(agg_ref, d_ref, ha_ref, hb_ref, wl_ref, bl_ref, wr_ref,
           wa_ref, wb_ref, a_ref, b_ref):
    deg = jnp.sum(d_ref[...], axis=1)
    inv = 1.0 / jnp.maximum(deg, 1.0)
    aggc = jnp.concatenate([agg_ref[0], agg_ref[1]], axis=-1)
    mean = aggc * inv[:, None]
    h1c = jnp.concatenate([ha_ref[...], hb_ref[...]], axis=-1)
    h2 = mean @ wl_ref[...] + bl_ref[...] + h1c @ wr_ref[...]
    h2 = jnp.maximum(h2, 0.0)
    av = h2 @ wa_ref[...]
    bv = h2 @ wb_ref[...]
    a_ref[...] = _pack_pairs(av[:, :HID // 2], av[:, HID // 2:])
    b_ref[...] = _pack_pairs(bv[:, :HID // 2], bv[:, HID // 2:])


def _tc_l1_call(agg1, degp, h1a, h1b, Wl1, bl1, Wr1, W1a, W1b):
    return pl.pallas_call(
        _tc_l1,
        grid=(N // _R,),
        in_specs=[
            pl.BlockSpec((NC, _R, IN), lambda i: (0, i, 0)),
            pl.BlockSpec((_R, NW), lambda i: (i, 0)),
            pl.BlockSpec((_R, IN), lambda i: (i, 0)),
            pl.BlockSpec((_R, IN), lambda i: (i, 0)),
            pl.BlockSpec((HID, HID), lambda i: (0, 0)),
            pl.BlockSpec((1, HID), lambda i: (0, 0)),
            pl.BlockSpec((HID, HID), lambda i: (0, 0)),
            pl.BlockSpec((HID, HID), lambda i: (0, 0)),
            pl.BlockSpec((HID, HID), lambda i: (0, 0)),
        ],
        out_specs=[
            pl.BlockSpec((_R, HID // 2), lambda i: (i, 0)),
            pl.BlockSpec((_R, HID // 2), lambda i: (i, 0)),
        ],
        out_shape=[
            jax.ShapeDtypeStruct((N, HID // 2), jnp.int32),
            jax.ShapeDtypeStruct((N, HID // 2), jnp.int32),
        ],
    )(agg1, degp, h1a, h1b, Wl1, bl1.reshape(1, HID), Wr1, W1a, W1b)


_ER = E // 8
_RC = 400


def _tc_fin(g_ref, f_ref, w_ref, b_ref, m_ref, o_ref):
    y = (jnp.dot(f_ref[...], w_ref[...], preferred_element_type=jnp.float32)
         + b_ref[...]).astype(jnp.bfloat16)
    u = lax.bitcast_convert_type(g_ref[...], jnp.uint32)
    parts = []
    for m in range(8):
        w = u[:, m * (HID // 2):(m + 1) * (HID // 2)]
        lo = lax.bitcast_convert_type(
            (w & 0xFFFF).astype(jnp.uint16), jnp.bfloat16)
        hi = lax.bitcast_convert_type(
            (w >> 16).astype(jnp.uint16), jnp.bfloat16)
        parts += [lo, hi]
    z = jnp.concatenate(parts, axis=-1)
    hdn = jnp.maximum(z + y, jnp.bfloat16(0))
    o_ref[...] = jnp.dot(hdn, m_ref[...], preferred_element_type=jnp.float32)


def _tc_fin_call(gr, featr, W1cB, b1big, M2):
    return pl.pallas_call(
        _tc_fin,
        grid=(_ER // _RC,),
        in_specs=[
            pl.BlockSpec((_RC, 8 * HID // 2), lambda i: (i, 0)),
            pl.BlockSpec((_RC, IN), lambda i: (i, 0)),
            pl.BlockSpec((IN, 8 * HID), lambda i: (0, 0)),
            pl.BlockSpec((1, 8 * HID), lambda i: (0, 0)),
            pl.BlockSpec((8 * HID, 8), lambda i: (0, 0)),
        ],
        out_specs=pl.BlockSpec((_RC, 8), lambda i: (i, 0)),
        out_shape=jax.ShapeDtypeStruct((_ER, 8), jnp.float32),
    )(gr, featr, W1cB, b1big, M2)




def kernel(x, edge_index, feat_batch, Wl0, bl0, Wr0, Wl1, bl1, Wr1, W1, b1, W2, b2):
    src = edge_index[0].astype(jnp.int32)
    dst = edge_index[1].astype(jnp.int32)

    W1a = W1[:HID]
    W1b = W1[HID:2 * HID]
    W1c = W1[2 * HID:]
    zero16 = jnp.zeros((FEAT, HID), jnp.float32)
    W1cB = jnp.concatenate(
        [jnp.concatenate([W1c if i == k else zero16 for k in range(8)], axis=1)
         for i in range(8)], axis=0)
    b1big = jnp.tile(b1, 8).reshape(1, 8 * HID)
    featr = feat_batch.reshape(_ER, IN).astype(jnp.bfloat16)
    M2 = (jnp.eye(8, dtype=jnp.float32)[:, None, :]
          * W2.reshape(1, HID, 1)).reshape(8 * HID, 8)
    t8 = jnp.arange(HID // 2, dtype=jnp.int32)
    perm = jnp.concatenate([t8, t8 + HID // 2])
    colperm = (jnp.arange(8, dtype=jnp.int32)[:, None] * HID
               + perm[None, :]).reshape(8 * HID)
    W1cB = W1cB[:, colperm].astype(jnp.bfloat16)
    b1big = b1big[:, colperm]
    M2 = M2[colperm, :].astype(jnp.bfloat16)

    p0, degp = _agg0_call(src, dst, x)
    degp = degp.T
    h1a, h1b = _tc_l0_call(p0, degp, x, Wl0, bl0, Wr0)
    agg1 = _agg1_call(src, dst, h1a, h1b)
    A, B = _tc_l1_call(agg1, degp, h1a, h1b, Wl1, bl1, Wr1, W1a, W1b)
    G = _cls_call(src, dst, A, B)
    logits8 = _tc_fin_call(G.reshape(_ER, 8 * HID // 2), featr, W1cB,
                           b1big, M2)
    return logits8.reshape(E) + b2[0]

# --- scband reference (transcript-rebuilt; emitter-appended) ---
"""Pipeline reference for scband-graph-sage-t-70858370449756 (READ-ONLY COPY).

The authoritative reference and input builder live on the scoring server;
editing this copy changes nothing except your own understanding.
"""

import jax, jax.numpy as jnp
import numpy as np

N_NODES = 10000
N_EDGES = 320000
IN_DIM = 128
HID = 256
FEAT = 16


def setup_inputs(seed: int = 0) -> dict:
    key = jax.random.key(seed)
    ks = jax.random.split(key, 16)
    x = jax.random.normal(ks[0], (N_NODES, IN_DIM), dtype=jnp.float32)
    edge_index = jax.random.randint(ks[1], (2, N_EDGES), 0, N_NODES, dtype=jnp.int64 if jax.config.jax_enable_x64 else jnp.int32)
    feat_batch = jax.random.normal(ks[2], (N_EDGES, FEAT), dtype=jnp.float32)
    def p(k, shape):
        return jax.random.normal(k, shape, dtype=jnp.float32) * 0.05
    # SAGEConv layer 0: lin_l (neighbors, with bias), lin_r (root, no bias)
    Wl0 = p(ks[3], (IN_DIM, HID)); bl0 = jnp.zeros((HID,), jnp.float32)
    Wr0 = p(ks[4], (IN_DIM, HID))
    # SAGEConv layer 1
    Wl1 = p(ks[5], (HID, HID)); bl1 = jnp.zeros((HID,), jnp.float32)
    Wr1 = p(ks[6], (HID, HID))
    # classifier MLP: Linear(2*HID+FEAT, HID) -> ReLU -> Linear(HID, 1)
    W1 = p(ks[7], (2 * HID + FEAT, HID)); b1 = jnp.zeros((HID,), jnp.float32)
    W2 = p(ks[8], (HID, 1)); b2 = jnp.zeros((1,), jnp.float32)
    return {"x": x, "edge_index": edge_index, "feat_batch": feat_batch,
            "Wl0": Wl0, "bl0": bl0, "Wr0": Wr0,
            "Wl1": Wl1, "bl1": bl1, "Wr1": Wr1,
            "W1": W1, "b1": b1, "W2": W2, "b2": b2}


def _sage_conv(h, src, dst, Wl, bl, Wr):
    # mean aggregation of source features onto destination nodes
    msgs = jnp.take(h, src, axis=0)
    sums = jax.ops.segment_sum(msgs, dst, num_segments=N_NODES)
    counts = jax.ops.segment_sum(jnp.ones((src.shape[0],), h.dtype), dst, num_segments=N_NODES)
    mean = sums / jnp.clip(counts, 1.0, None)[:, None]
    return mean @ Wl + bl + h @ Wr


def reference(x, edge_index, feat_batch, Wl0, bl0, Wr0, Wl1, bl1, Wr1, W1, b1, W2, b2):
    src = edge_index[0]
    dst = edge_index[1]
    # encoder (dropout is identity in eval mode)
    h = _sage_conv(x, src, dst, Wl0, bl0, Wr0)
    h = jax.nn.relu(h)
    h = _sage_conv(h, src, dst, Wl1, bl1, Wr1)
    h = jax.nn.relu(h)
    # temporal classifier over the same edges
    z = jnp.concatenate([jnp.take(h, src, axis=0), jnp.take(h, dst, axis=0), feat_batch], axis=-1)
    hdn = jax.nn.relu(z @ W1 + b1)
    logits = (hdn @ W2 + b2).reshape(-1)
    return logits

if __name__ == "__main__":
    import jax
    _d = setup_inputs()
    print(jax.jit(kernel)(*tuple(_d.values())))

</pallas_src>

<mosaic_0001>
#map = affine_map<(d0, d1) -> (0)>
#map1 = affine_map<(d0, d1) -> (0, 0)>
#map2 = affine_map<(d0, d1) -> (0, 0, 0)>
module attributes {stable_mosaic.version = 14 : i64} {
  func.func @_sc_agg1(%arg0: i32, %arg1: i32, %arg2: memref<320000xi32, #tpu.memory_space<hbm>>, %arg3: memref<320000xi32, #tpu.memory_space<hbm>>, %arg4: memref<10000x128xf32, #tpu.memory_space<hbm>>, %arg5: memref<10000x128xf32, #tpu.memory_space<hbm>>, %arg6: memref<2x10000x128xf32, #tpu.memory_space<hbm>>, %arg7: memref<80xi32, #tpu.memory_space<vmem>>, %arg8: memref<80xi32, #tpu.memory_space<vmem>>, %arg9: memref<80xi32, #tpu.memory_space<vmem>>, %arg10: memref<80xi32, #tpu.memory_space<vmem>>, %arg11: memref<80x128xf32, #tpu.memory_space<vmem>>, %arg12: memref<80x128xf32, #tpu.memory_space<vmem>>, %arg13: memref<80x128xf32, #tpu.memory_space<vmem>>, %arg14: memref<!tpu.dma_semaphore, #tpu.memory_space<semaphore_mem>>, %arg15: memref<!tpu.dma_semaphore, #tpu.memory_space<semaphore_mem>>, %arg16: memref<!tpu.dma_semaphore, #tpu.memory_space<semaphore_mem>>, %arg17: memref<!tpu.dma_semaphore, #tpu.memory_space<semaphore_mem>>, %arg18: memref<!tpu.dma_semaphore, #tpu.memory_space<semaphore_mem>>, %arg19: memref<!tpu.dma_semaphore, #tpu.memory_space<semaphore_mem>>, %arg20: memref<!tpu.dma_semaphore, #tpu.memory_space<semaphore_mem>>, %arg21: memref<!tpu.dma_semaphore, #tpu.memory_space<semaphore_mem>>, %arg22: memref<10000x128xf32, #tpu.memory_space<vmem_shared>>) attributes {dimension_semantics = [#tpu.dimension_semantics<core_parallel>, #tpu.dimension_semantics<subcore_parallel>], iteration_bounds = array<i64: 2, 16>, scalar_prefetch = 0 : i64, scratch_operands = 16 : i64, tpu.core_type = #tpu.core_type<sc_vector_subcore>, window_params = [{transform_indices = #map}, {transform_indices = #map}, {transform_indices = #map1}, {transform_indices = #map1}, {transform_indices = #map2}]} {
    %broadcast_in_dim3A = arith.constant 0.000000e+00 : f32
    %broadcast_in_dim3A_0 = vector.broadcast %broadcast_in_dim3A : f32 to vector<16xf32>
    %scan3A = arith.constant 0 : i32
    %scan3A_1 = arith.constant 0 : i32
    %scan3A_2 = arith.constant 80 : i32
    %scan3A_3 = arith.addi %scan3A_1, %scan3A_2 : i32
    %scan3A_4 = arith.constant 1 : i32
    scf.for %scan3A_65 = %scan3A_1 to %scan3A_3 step %scan3A_4  : i32 {
      %swap3A = arith.index_cast %scan3A_65 : i32 to index
      %swap3A_66 = arith.constant 0 : index
      %swap3A_67 = tpu.vector_load %arg13[%swap3A, %swap3A_66] {strides = array<i32>} : memref<80x128xf32, #tpu.memory_space<vmem>>, vector<16xf32>,
      tpu.vector_store %arg13[%swap3A, %swap3A_66], %broadcast_in_dim3A_0 {strides = array<i32>} : memref<80x128xf32, #tpu.memory_space<vmem>>, vector<16xf32>,
      %swap3A_68 = arith.index_cast %scan3A_65 : i32 to index
      %swap3A_69 = arith.constant 16 : index
      %swap3A_70 = tpu.vector_load %arg13[%swap3A_68, %swap3A_69] {strides = array<i32>} : memref<80x128xf32, #tpu.memory_space<vmem>>, vector<16xf32>,
      tpu.vector_store %arg13[%swap3A_68, %swap3A_69], %broadcast_in_dim3A_0 {strides = array<i32>} : memref<80x128xf32, #tpu.memory_space<vmem>>, vector<16xf32>,
      %swap3A_71 = arith.index_cast %scan3A_65 : i32 to index
      %swap3A_72 = arith.constant 32 : index
      %swap3A_73 = tpu.vector_load %arg13[%swap3A_71, %swap3A_72] {strides = array<i32>} : memref<80x128xf32, #tpu.memory_space<vmem>>, vector<16xf32>,
      tpu.vector_store %arg13[%swap3A_71, %swap3A_72], %broadcast_in_dim3A_0 {strides = array<i32>} : memref<80x128xf32, #tpu.memory_space<vmem>>, vector<16xf32>,
      %swap3A_74 = arith.index_cast %scan3A_65 : i32 to index
      %swap3A_75 = arith.constant 48 : index
      %swap3A_76 = tpu.vector_load %arg13[%swap3A_74, %swap3A_75] {strides = array<i32>} : memref<80x128xf32, #tpu.memory_space<vmem>>, vector<16xf32>,
      tpu.vector_store %arg13[%swap3A_74, %swap3A_75], %broadcast_in_dim3A_0 {strides = array<i32>} : memref<80x128xf32, #tpu.memory_space<vmem>>, vector<16xf32>,
      %swap3A_77 = arith.index_cast %scan3A_65 : i32 to index
      %swap3A_78 = arith.constant 64 : index
      %swap3A_79 = tpu.vector_load %arg13[%swap3A_77, %swap3A_78] {strides = array<i32>} : memref<80x128xf32, #tpu.memory_space<vmem>>, vector<16xf32>,
      tpu.vector_store %arg13[%swap3A_77, %swap3A_78], %broadcast_in_dim3A_0 {strides = array<i32>} : memref<80x128xf32, #tpu.memory_space<vmem>>, vector<16xf32>,
      %swap3A_80 = arith.index_cast %scan3A_65 : i32 to index
      %swap3A_81 = arith.constant 80 : index
      %swap3A_82 = tpu.vector_load %arg13[%swap3A_80, %swap3A_81] {strides = array<i32>} : memref<80x128xf32, #tpu.memory_space<vmem>>, vector<16xf32>,
      tpu.vector_store %arg13[%swap3A_80, %swap3A_81], %broadcast_in_dim3A_0 {strides = array<i32>} : memref<80x128xf32, #tpu.memory_space<vmem>>, vector<16xf32>,
      %swap3A_83 = arith.index_cast %scan3A_65 : i32 to index
      %swap3A_84 = arith.constant 96 : index
      %swap3A_85 = tpu.vector_load %arg13[%swap3A_83, %swap3A_84] {strides = array<i32>} : memref<80x128xf32, #tpu.memory_space<vmem>>, vector<16xf32>,
      tpu.vector_store %arg13[%swap3A_83, %swap3A_84], %broadcast_in_dim3A_0 {strides = array<i32>} : memref<80x128xf32, #tpu.memory_space<vmem>>, vector<16xf32>,
      %swap3A_86 = arith.index_cast %scan3A_65 : i32 to index
      %swap3A_87 = arith.constant 112 : index
      %swap3A_88 = tpu.vector_load %arg13[%swap3A_86, %swap3A_87] {strides = array<i32>} : memref<80x128xf32, #tpu.memory_space<vmem>>, vector<16xf32>,
      tpu.vector_store %arg13[%swap3A_86, %swap3A_87], %broadcast_in_dim3A_0 {strides = array<i32>} : memref<80x128xf32, #tpu.memory_space<vmem>>, vector<16xf32>,
    }
    %scan3A_5 = arith.constant 80 : i32
    %lt3A = arith.constant 13 : i32
    %lt3A_6 = arith.cmpi slt, %arg1, %lt3A : i32
    %jit3A = arith.constant 8 : i32
    %jit3A_7 = arith.constant 7 : i32
    %select_n3A = arith.select %lt3A_6, %jit3A, %jit3A_7 : i32
    %while3A = arith.constant 0 : i32
    %while3A_8 = arith.constant 0 : i32
    %while3A_9 = arith.subi %select_n3A, %while3A_8 : i32
    %while3A_10 = arith.addi %while3A_8, %while3A_9 : i32
    %while3A_11 = arith.constant 1 : i32
    %while3A_12 = arith.divsi %while3A_9, %while3A_11 : i32
    %while3A_13 = arith.muli %while3A_12, %while3A_11 : i32
    %while3A_14 = arith.addi %while3A_8, %while3A_13 : i32
    %while3A_15 = arith.constant 1 : i32
    scf.for %while3A_65 = %while3A_8 to %while3A_14 step %while3A_15  : i32 {
      %mul3A_66 = arith.constant 16 : i32
      %mul3A_67 = arith.muli %mul3A_66, %while3A_65 : i32
      %add3A_68 = arith.addi %arg1, %mul3A_67 : i32
      %mul3A_69 = arith.constant 80 : i32
      %mul3A_70 = arith.muli %add3A_68, %mul3A_69 : i32
      %multiple_of3A_71 = tpu.assume_multiple %mul3A_70, 8 : i32
      "tpu.region"() ({
        %run_scoped3A = tpu.sem_alloc : memref<!tpu.dma_semaphore, #tpu.memory_space<semaphore_mem>>
        %dma_start3A_72 = arith.constant 0 : i32
        %dma_start3A_73 = tpu.memref_slice %arg22[%multiple_of3A_71, %dma_start3A_72] : memref<10000x128xf32, #tpu.memory_space<vmem_shared>> -> memref<80x128xf32, #tpu.memory_space<vmem_shared>>
        %dma_start3A_74 = arith.constant 0 : i32
        %dma_start3A_75 = tpu.memref_slice %arg22[%multiple_of3A_71, %dma_start3A_74] : memref<10000x128xf32, #tpu.memory_space<vmem_shared>> -> memref<80x128xf32, #tpu.memory_space<vmem_shared>>
        tpu.enqueue_dma source(%arg13 : memref<80x128xf32, #tpu.memory_space<vmem>>) target(%dma_start3A_75 : memref<80x128xf32, #tpu.memory_space<vmem_shared>>) target_semaphore(%run_scoped3A : memref<!tpu.dma_semaphore, #tpu.memory_space<semaphore_mem>>)
        %dma_wait3A_76 = arith.constant 0 : i32
        %dma_wait3A_77 = tpu.memref_slice %arg22[%multiple_of3A_71, %dma_wait3A_76] : memref<10000x128xf32, #tpu.memory_space<vmem_shared>> -> memref<80x128xf32, #tpu.memory_space<vmem_shared>>
        %dma_wait3A_78 = arith.constant 0 : i32
        %dma_wait3A_79 = tpu.memref_slice %arg22[%multiple_of3A_71, %dma_wait3A_78] : memref<10000x128xf32, #tpu.memory_space<vmem_shared>> -> memref<80x128xf32, #tpu.memory_space<vmem_shared>>
        tpu.wait_dma2 semaphore(%run_scoped3A : memref<!tpu.dma_semaphore, #tpu.memory_space<semaphore_mem>>) src(%arg13 : memref<80x128xf32, #tpu.memory_space<vmem>>) dst(%dma_wait3A_79 : memref<80x128xf32, #tpu.memory_space<vmem_shared>>)
        tpu.yield
      }) : () -> ()
    }
    %while3A_16 = arith.constant 1 : i32
    scf.for %while3A_65 = %while3A_14 to %while3A_10 step %while3A_16  : i32 {
      %mul3A_66 = arith.constant 16 : i32
      %mul3A_67 = arith.muli %mul3A_66, %while3A_65 : i32
      %add3A_68 = arith.addi %arg1, %mul3A_67 : i32
      %mul3A_69 = arith.constant 80 : i32
      %mul3A_70 = arith.muli %add3A_68, %mul3A_69 : i32
      %multiple_of3A_71 = tpu.assume_multiple %mul3A_70, 8 : i32
      "tpu.region"() ({
        %run_scoped3A = tpu.sem_alloc : memref<!tpu.dma_semaphore, #tpu.memory_space<semaphore_mem>>
        %dma_start3A_72 = arith.constant 0 : i32
        %dma_start3A_73 = tpu.memref_slice %arg22[%multiple_of3A_71, %dma_start3A_72] : memref<10000x128xf32, #tpu.memory_space<vmem_shared>> -> memref<80x128xf32, #tpu.memory_space<vmem_shared>>
        %dma_start3A_74 = arith.constant 0 : i32
        %dma_start3A_75 = tpu.memref_slice %arg22[%multiple_of3A_71, %dma_start3A_74] : memref<10000x128xf32, #tpu.memory_space<vmem_shared>> -> memref<80x128xf32, #tpu.memory_space<vmem_shared>>
        tpu.enqueue_dma source(%arg13 : memref<80x128xf32, #tpu.memory_space<vmem>>) target(%dma_start3A_75 : memref<80x128xf32, #tpu.memory_space<vmem_shared>>) target_semaphore(%run_scoped3A : memref<!tpu.dma_semaphore, #tpu.memory_space<semaphore_mem>>)
        %dma_wait3A_76 = arith.constant 0 : i32
        %dma_wait3A_77 = tpu.memref_slice %arg22[%multiple_of3A_71, %dma_wait3A_76] : memref<10000x128xf32, #tpu.memory_space<vmem_shared>> -> memref<80x128xf32, #tpu.memory_space<vmem_shared>>
        %dma_wait3A_78 = arith.constant 0 : i32
        %dma_wait3A_79 = tpu.memref_slice %arg22[%multiple_of3A_71, %dma_wait3A_78] : memref<10000x128xf32, #tpu.memory_space<vmem_shared>> -> memref<80x128xf32, #tpu.memory_space<vmem_shared>>
        tpu.wait_dma2 semaphore(%run_scoped3A : memref<!tpu.dma_semaphore, #tpu.memory_space<semaphore_mem>>) src(%arg13 : memref<80x128xf32, #tpu.memory_space<vmem>>) dst(%dma_wait3A_79 : memref<80x128xf32, #tpu.memory_space<vmem_shared>>)
        tpu.yield
      }) : () -> ()
    }
    %barrier3A = arith.constant 0 : index
    tpu.barrier barrier_id(%barrier3A)
    %mul3A = arith.constant 20000 : i32
    %mul3A_17 = arith.muli %arg1, %mul3A : i32
    %add3A = arith.constant 0 : i32
    %add3A_18 = arith.addi %mul3A_17, %add3A : i32
    %multiple_of3A = tpu.assume_multiple %add3A_18, 8 : i32
    %dma_start3A = tpu.memref_slice %arg2[%multiple_of3A] : memref<320000xi32, #tpu.memory_space<hbm>> -> memref<80xi32, #tpu.memory_space<hbm>>
    %dma_start3A_19 = tpu.memref_slice %arg2[%multiple_of3A] : memref<320000xi32, #tpu.memory_space<hbm>> -> memref<80xi32, #tpu.memory_space<hbm>>
    tpu.enqueue_dma source(%dma_start3A_19 : memref<80xi32, #tpu.memory_space<hbm>>) target(%arg7 : memref<80xi32, #tpu.memory_space<vmem>>) target_semaphore(%arg14 : memref<!tpu.dma_semaphore, #tpu.memory_space<semaphore_mem>>)
    %add3A_20 = arith.constant 80 : i32
    %add3A_21 = arith.addi %mul3A_17, %add3A_20 : i32
    %multiple_of3A_22 = tpu.assume_multiple %add3A_21, 8 : i32
    %dma_start3A_23 = tpu.memref_slice %arg2[%multiple_of3A_22] : memref<320000xi32, #tpu.memory_space<hbm>> -> memref<80xi32, #tpu.memory_space<hbm>>
    %dma_start3A_24 = tpu.memref_slice %arg2[%multiple_of3A_22] : memref<320000xi32, #tpu.memory_space<hbm>> -> memref<80xi32, #tpu.memory_space<hbm>>
    tpu.enqueue_dma source(%dma_start3A_24 : memref<80xi32, #tpu.memory_space<hbm>>) target(%arg9 : memref<80xi32, #tpu.memory_space<vmem>>) target_semaphore(%arg15 : memref<!tpu.dma_semaphore, #tpu.memory_space<semaphore_mem>>)
    %add3A_25 = arith.constant 0 : i32
    %add3A_26 = arith.addi %mul3A_17, %add3A_25 : i32
    %multiple_of3A_27 = tpu.assume_multiple %add3A_26, 8 : i32
    %dma_start3A_28 = tpu.memref_slice %arg3[%multiple_of3A_27] : memref<320000xi32, #tpu.memory_space<hbm>> -> memref<80xi32, #tpu.memory_space<hbm>>
    %dma_start3A_29 = tpu.memref_slice %arg3[%multiple_of3A_27] : memref<320000xi32, #tpu.memory_space<hbm>> -> memref<80xi32, #tpu.memory_space<hbm>>
    tpu.enqueue_dma source(%dma_start3A_29 : memref<80xi32, #tpu.memory_space<hbm>>) target(%arg8 : memref<80xi32, #tpu.memory_space<vmem>>) target_semaphore(%arg16 : memref<!tpu.dma_semaphore, #tpu.memory_space<semaphore_mem>>)
    %dma_wait3A = arith.constant 0 : i32
    %dma_wait3A_30 = tpu.memref_slice %arg2[%dma_wait3A] : memref<320000xi32, #tpu.memory_space<hbm>> -> memref<80xi32, #tpu.memory_space<hbm>>
    %dma_wait3A_31 = arith.constant 0 : i32
    %dma_wait3A_32 = tpu.memref_slice %arg2[%dma_wait3A_31] : memref<320000xi32, #tpu.memory_space<hbm>> -> memref<80xi32, #tpu.memory_space<hbm>>
    tpu.wait_dma2 semaphore(%arg14 : memref<!tpu.dma_semaphore, #tpu.memory_space<semaphore_mem>>) src(%dma_wait3A_32 : memref<80xi32, #tpu.memory_space<hbm>>) dst(%arg7 : memref<80xi32, #tpu.memory_space<vmem>>)
    %eq3A = arith.constant 0 : i32
    %eq3A_33 = arith.cmpi eq, %arg0, %eq3A : i32
    %convert_element_type3A = arith.extui %eq3A_33 : i1 to i32
    %cond3A = arith.constant 0 : i32
    %cond3A_34 = arith.cmpi ne, %convert_element_type3A, %cond3A : i32
    scf.if %cond3A_34 {
      %dma_start3A_65 = arith.constant 0 : i32
      %dma_start3A_66 = arith.constant 0 : i32
      %dma_start3A_67 = tpu.memref_slice %arg4[%dma_start3A_65, %dma_start3A_66] : memref<10000x128xf32, #tpu.memory_space<hbm>> -> memref<10000x128xf32, #tpu.memory_space<hbm>>
      tpu.enqueue_indirect_dma source(%dma_start3A_67 : memref<10000x128xf32, #tpu.memory_space<hbm>>) target(%arg11 : memref<80x128xf32, #tpu.memory_space<vmem>>) offsets(%arg7 : memref<80xi32, #tpu.memory_space<vmem>>) semaphore(%arg18 : memref<!tpu.dma_semaphore, #tpu.memory_space<semaphore_mem>>)
    } else {
    }
    %eq3A_35 = arith.constant 1 : i32
    %eq3A_36 = arith.cmpi eq, %arg0, %eq3A_35 : i32
    %convert_element_type3A_37 = arith.extui %eq3A_36 : i1 to i32
    %cond3A_38 = arith.constant 0 : i32
    %cond3A_39 = arith.cmpi ne, %convert_element_type3A_37, %cond3A_38 : i32
    scf.if %cond3A_39 {
      %dma_start3A_65 = arith.constant 0 : i32
      %dma_start3A_66 = arith.constant 0 : i32
      %dma_start3A_67 = tpu.memref_slice %arg5[%dma_start3A_65, %dma_start3A_66] : memref<10000x128xf32, #tpu.memory_space<hbm>> -> memref<10000x128xf32, #tpu.memory_space<hbm>>
      tpu.enqueue_indirect_dma source(%dma_start3A_67 : memref<10000x128xf32, #tpu.memory_space<hbm>>) target(%arg11 : memref<80x128xf32, #tpu.memory_space<vmem>>) offsets(%arg7 : memref<80xi32, #tpu.memory_space<vmem>>) semaphore(%arg18 : memref<!tpu.dma_semaphore, #tpu.memory_space<semaphore_mem>>)
    } else {
    }
    %scan3A_40 = arith.constant 0 : i32
    %scan3A_41 = arith.constant 0 : i32
    %scan3A_42 = arith.constant 125 : i32
    %scan3A_43 = arith.addi %scan3A_41, %scan3A_42 : i32
    %scan3A_44 = arith.constant 1 : i32
    scf.for %scan3A_65 = %scan3A_41 to %scan3A_43 step %scan3A_44  : i32 {
      %mul3A_66 = arith.constant 2 : i32
      %mul3A_67 = arith.muli %scan3A_65, %mul3A_66 : i32
      %add3A_68 = arith.constant 0 : i32
      %add3A_69 = arith.addi %mul3A_67, %add3A_68 : i32
      %ge3A = arith.constant 1 : i32
      %ge3A_70 = arith.cmpi sge, %add3A_69, %ge3A : i32
      %convert_element_type3A_71 = arith.extui %ge3A_70 : i1 to i32
      %cond3A_72 = arith.constant 0 : i32
      %cond3A_73 = arith.cmpi ne, %convert_element_type3A_71, %cond3A_72 : i32
      scf.if %cond3A_73 {
        %dma_wait3A_135 = arith.constant 0 : i32
        %dma_wait3A_136 = arith.constant 0 : i32
        %dma_wait3A_137 = tpu.memref_slice %arg22[%dma_wait3A_135, %dma_wait3A_136] : memref<10000x128xf32, #tpu.memory_space<vmem_shared>> -> memref<10000x128xf32, #tpu.memory_space<vmem_shared>>
        tpu.wait_indirect_dma semaphore(%arg21 : memref<!tpu.dma_semaphore, #tpu.memory_space<semaphore_mem>>) src(%arg12 : memref<80x128xf32, #tpu.memory_space<vmem>>) dst(%dma_wait3A_137 : memref<10000x128xf32, #tpu.memory_space<vmem_shared>>)
      } else {
      }
      %add3A_74 = arith.constant 1 : i32
      %add3A_75 = arith.addi %add3A_69, %add3A_74 : i32
      %lt3A_76 = arith.constant 250 : i32
      %lt3A_77 = arith.cmpi slt, %add3A_75, %lt3A_76 : i32
      %convert_element_type3A_78 = arith.extui %lt3A_77 : i1 to i32
      %cond3A_79 = arith.constant 0 : i32
      %cond3A_80 = arith.cmpi ne, %convert_element_type3A_78, %cond3A_79 : i32
      scf.if %cond3A_80 {
        %dma_wait3A_135 = arith.constant 0 : i32
        %dma_wait3A_136 = tpu.memref_slice %arg2[%dma_wait3A_135] : memref<320000xi32, #tpu.memory_space<hbm>> -> memref<80xi32, #tpu.memory_space<hbm>>
        %dma_wait3A_137 = arith.constant 0 : i32
        %dma_wait3A_138 = tpu.memref_slice %arg2[%dma_wait3A_137] : memref<320000xi32, #tpu.memory_space<hbm>> -> memref<80xi32, #tpu.memory_space<hbm>>
        tpu.wait_dma2 semaphore(%arg15 : memref<!tpu.dma_semaphore, #tpu.memory_space<semaphore_mem>>) src(%dma_wait3A_138 : memref<80xi32, #tpu.memory_space<hbm>>) dst(%arg9 : memref<80xi32, #tpu.memory_space<vmem>>)
        %eq3A_139 = arith.constant 0 : i32
        %eq3A_140 = arith.cmpi eq, %arg0, %eq3A_139 : i32
        %convert_element_type3A_141 = arith.extui %eq3A_140 : i1 to i32
        %cond3A_142 = arith.constant 0 : i32
        %cond3A_143 = arith.cmpi ne, %convert_element_type3A_141, %cond3A_142 : i32
        scf.if %cond3A_143 {
          %dma_start3A_157 = arith.constant 0 : i32
          %dma_start3A_158 = arith.constant 0 : i32
          %dma_start3A_159 = tpu.memref_slice %arg4[%dma_start3A_157, %dma_start3A_158] : memref<10000x128xf32, #tpu.memory_space<hbm>> -> memref<10000x128xf32, #tpu.memory_space<hbm>>
          tpu.enqueue_indirect_dma source(%dma_start3A_159 : memref<10000x128xf32, #tpu.memory_space<hbm>>) target(%arg12 : memref<80x128xf32, #tpu.memory_space<vmem>>) offsets(%arg9 : memref<80xi32, #tpu.memory_space<vmem>>) semaphore(%arg19 : memref<!tpu.dma_semaphore, #tpu.memory_space<semaphore_mem>>)
        } else {
        }
        %eq3A_144 = arith.constant 1 : i32
        %eq3A_145 = arith.cmpi eq, %arg0, %eq3A_144 : i32
        %convert_element_type3A_146 = arith.extui %eq3A_145 : i1 to i32
        %cond3A_147 = arith.constant 0 : i32
        %cond3A_148 = arith.cmpi ne, %convert_element_type3A_146, %cond3A_147 : i32
        scf.if %cond3A_148 {
          %dma_start3A_157 = arith.constant 0 : i32
          %dma_start3A_158 = arith.constant 0 : i32
          %dma_start3A_159 = tpu.memref_slice %arg5[%dma_start3A_157, %dma_start3A_158] : memref<10000x128xf32, #tpu.memory_space<hbm>> -> memref<10000x128xf32, #tpu.memory_space<hbm>>
          tpu.enqueue_indirect_dma source(%dma_start3A_159 : memref<10000x128xf32, #tpu.memory_space<hbm>>) target(%arg12 : memref<80x128xf32, #tpu.memory_space<vmem>>) offsets(%arg9 : memref<80xi32, #tpu.memory_space<vmem>>) semaphore(%arg19 : memref<!tpu.dma_semaphore, #tpu.memory_space<semaphore_mem>>)
        } else {
        }
        %add3A_149 = arith.constant 1 : i32
        %add3A_150 = arith.addi %add3A_69, %add3A_149 : i32
        %mul3A_151 = arith.constant 80 : i32
        %mul3A_152 = arith.muli %add3A_150, %mul3A_151 : i32
        %add3A_153 = arith.addi %mul3A_17, %mul3A_152 : i32
        %multiple_of3A_154 = tpu.assume_multiple %add3A_153, 8 : i32
        %dma_start3A_155 = tpu.memref_slice %arg3[%multiple_of3A_154] : memref<320000xi32, #tpu.memory_space<hbm>> -> memref<80xi32, #tpu.memory_space<hbm>>
        %dma_start3A_156 = tpu.memref_slice %arg3[%multiple_of3A_154] : memref<320000xi32, #tpu.memory_space<hbm>> -> memref<80xi32, #tpu.memory_space<hbm>>
        tpu.enqueue_dma source(%dma_start3A_156 : memref<80xi32, #tpu.memory_space<hbm>>) target(%arg10 : memref<80xi32, #tpu.memory_space<vmem>>) target_semaphore(%arg17 : memref<!tpu.dma_semaphore, #tpu.memory_space<semaphore_mem>>)
      } else {
      }
      %dma_wait3A_81 = arith.constant 0 : i32
      %dma_wait3A_82 = arith.constant 0 : i32
      %dma_wait3A_83 = tpu.memref_slice %arg4[%dma_wait3A_81, %dma_wait3A_82] : memref<10000x128xf32, #tpu.memory_space<hbm>> -> memref<80x128xf32, #tpu.memory_space<hbm>>
      %dma_wait3A_84 = arith.constant 0 : i32
      %dma_wait3A_85 = arith.constant 0 : i32
      %dma_wait3A_86 = tpu.memref_slice %arg4[%dma_wait3A_84, %dma_wait3A_85] : memref<10000x128xf32, #tpu.memory_space<hbm>> -> memref<80x128xf32, #tpu.memory_space<hbm>>
      tpu.wait_dma2 semaphore(%arg18 : memref<!tpu.dma_semaphore, #tpu.memory_space<semaphore_mem>>) src(%dma_wait3A_86 : memref<80x128xf32, #tpu.memory_space<hbm>>) dst(%arg11 : memref<80x128xf32, #tpu.memory_space<vmem>>)
      %dma_wait3A_87 = arith.constant 0 : i32
      %dma_wait3A_88 = tpu.memref_slice %arg3[%dma_wait3A_87] : memref<320000xi32, #tpu.memory_space<hbm>> -> memref<80xi32, #tpu.memory_space<hbm>>
      %dma_wait3A_89 = arith.constant 0 : i32
      %dma_wait3A_90 = tpu.memref_slice %arg3[%dma_wait3A_89] : memref<320000xi32, #tpu.memory_space<hbm>> -> memref<80xi32, #tpu.memory_space<hbm>>
      tpu.wait_dma2 semaphore(%arg16 : memref<!tpu.dma_semaphore, #tpu.memory_space<semaphore_mem>>) src(%dma_wait3A_90 : memref<80xi32, #tpu.memory_space<hbm>>) dst(%arg8 : memref<80xi32, #tpu.memory_space<vmem>>)
      %dma_start3A_91 = arith.constant 0 : i32
      %dma_start3A_92 = arith.constant 0 : i32
      %dma_start3A_93 = tpu.memref_slice %arg22[%dma_start3A_91, %dma_start3A_92] : memref<10000x128xf32, #tpu.memory_space<vmem_shared>> -> memref<10000x128xf32, #tpu.memory_space<vmem_shared>>
      tpu.enqueue_indirect_dma source(%arg11 : memref<80x128xf32, #tpu.memory_space<vmem>>) target(%dma_start3A_93 : memref<10000x128xf32, #tpu.memory_space<vmem_shared>>) offsets(%arg8 : memref<80xi32, #tpu.memory_space<vmem>>) semaphore(%arg20 : memref<!tpu.dma_semaphore, #tpu.memory_space<semaphore_mem>>) {add = true}
      %add3A_94 = arith.constant 2 : i32
      %add3A_95 = arith.addi %add3A_69, %add3A_94 : i32
      %lt3A_96 = arith.constant 250 : i32
      %lt3A_97 = arith.cmpi slt, %add3A_95, %lt3A_96 : i32
      %convert_element_type3A_98 = arith.extui %lt3A_97 : i1 to i32
      %cond3A_99 = arith.constant 0 : i32
      %cond3A_100 = arith.cmpi ne, %convert_element_type3A_98, %cond3A_99 : i32
      scf.if %cond3A_100 {
        %add3A_135 = arith.constant 2 : i32
        %add3A_136 = arith.addi %add3A_69, %add3A_135 : i32
        %mul3A_137 = arith.constant 80 : i32
        %mul3A_138 = arith.muli %add3A_136, %mul3A_137 : i32
        %add3A_139 = arith.addi %mul3A_17, %mul3A_138 : i32
        %multiple_of3A_140 = tpu.assume_multiple %add3A_139, 8 : i32
        %dma_start3A_141 = tpu.memref_slice %arg2[%multiple_of3A_140] : memref<320000xi32, #tpu.memory_space<hbm>> -> memref<80xi32, #tpu.memory_space<hbm>>
        %dma_start3A_142 = tpu.memref_slice %arg2[%multiple_of3A_140] : memref<320000xi32, #tpu.memory_space<hbm>> -> memref<80xi32, #tpu.memory_space<hbm>>
        tpu.enqueue_dma source(%dma_start3A_142 : memref<80xi32, #tpu.memory_space<hbm>>) target(%arg7 : memref<80xi32, #tpu.memory_space<vmem>>) target_semaphore(%arg14 : memref<!tpu.dma_semaphore, #tpu.memory_space<semaphore_mem>>)
      } else {
      }
      %add3A_101 = arith.constant 1 : i32
      %add3A_102 = arith.addi %mul3A_67, %add3A_101 : i32
      %ge3A_103 = arith.constant 1 : i32
      %ge3A_104 = arith.cmpi sge, %add3A_102, %ge3A_103 : i32
      %convert_element_type3A_105 = arith.extui %ge3A_104 : i1 to i32
      %cond3A_106 = arith.constant 0 : i32
      %cond3A_107 = arith.cmpi ne, %convert_element_type3A_105, %cond3A_106 : i32
      scf.if %cond3A_107 {
        %dma_wait3A_135 = arith.constant 0 : i32
        %dma_wait3A_136 = arith.constant 0 : i32
        %dma_wait3A_137 = tpu.memref_slice %arg22[%dma_wait3A_135, %dma_wait3A_136] : memref<10000x128xf32, #tpu.memory_space<vmem_shared>> -> memref<10000x128xf32, #tpu.memory_space<vmem_shared>>
        tpu.wait_indirect_dma semaphore(%arg20 : memref<!tpu.dma_semaphore, #tpu.memory_space<semaphore_mem>>) src(%arg11 : memref<80x128xf32, #tpu.memory_space<vmem>>) dst(%dma_wait3A_137 : memref<10000x128xf32, #tpu.memory_space<vmem_shared>>)
      } else {
      }
      %add3A_108 = arith.constant 1 : i32
      %add3A_109 = arith.addi %add3A_102, %add3A_108 : i32
      %lt3A_110 = arith.constant 250 : i32
      %lt3A_111 = arith.cmpi slt, %add3A_109, %lt3A_110 : i32
      %convert_element_type3A_112 = arith.extui %lt3A_111 : i1 to i32
      %cond3A_113 = arith.constant 0 : i32
      %cond3A_114 = arith.cmpi ne, %convert_element_type3A_112, %cond3A_113 : i32
      scf.if %cond3A_114 {
        %dma_wait3A_135 = arith.constant 0 : i32
        %dma_wait3A_136 = tpu.memref_slice %arg2[%dma_wait3A_135] : memref<320000xi32, #tpu.memory_space<hbm>> -> memref<80xi32, #tpu.memory_space<hbm>>
        %dma_wait3A_137 = arith.constant 0 : i32
        %dma_wait3A_138 = tpu.memref_slice %arg2[%dma_wait3A_137] : memref<320000xi32, #tpu.memory_space<hbm>> -> memref<80xi32, #tpu.memory_space<hbm>>
        tpu.wait_dma2 semaphore(%arg14 : memref<!tpu.dma_semaphore, #tpu.memory_space<semaphore_mem>>) src(%dma_wait3A_138 : memref<80xi32, #tpu.memory_space<hbm>>) dst(%arg7 : memref<80xi32, #tpu.memory_space<vmem>>)
        %eq3A_139 = arith.constant 0 : i32
        %eq3A_140 = arith.cmpi eq, %arg0, %eq3A_139 : i32
        %convert_element_type3A_141 = arith.extui %eq3A_140 : i1 to i32
        %cond3A_142 = arith.constant 0 : i32
        %cond3A_143 = arith.cmpi ne, %convert_element_type3A_141, %cond3A_142 : i32
        scf.if %cond3A_143 {
          %dma_start3A_157 = arith.constant 0 : i32
          %dma_start3A_158 = arith.constant 0 : i32
          %dma_start3A_159 = tpu.memref_slice %arg4[%dma_start3A_157, %dma_start3A_158] : memref<10000x128xf32, #tpu.memory_space<hbm>> -> memref<10000x128xf32, #tpu.memory_space<hbm>>
          tpu.enqueue_indirect_dma source(%dma_start3A_159 : memref<10000x128xf32, #tpu.memory_space<hbm>>) target(%arg11 : memref<80x128xf32, #tpu.memory_space<vmem>>) offsets(%arg7 : memref<80xi32, #tpu.memory_space<vmem>>) semaphore(%arg18 : memref<!tpu.dma_semaphore, #tpu.memory_space<semaphore_mem>>)
        } else {
        }
        %eq3A_144 = arith.constant 1 : i32
        %eq3A_145 = arith.cmpi eq, %arg0, %eq3A_144 : i32
        %convert_element_type3A_146 = arith.extui %eq3A_145 : i1 to i32
        %cond3A_147 = arith.constant 0 : i32
        %cond3A_148 = arith.cmpi ne, %convert_element_type3A_146, %cond3A_147 : i32
        scf.if %cond3A_148 {
          %dma_start3A_157 = arith.constant 0 : i32
          %dma_start3A_158 = arith.constant 0 : i32
          %dma_start3A_159 = tpu.memref_slice %arg5[%dma_start3A_157, %dma_start3A_158] : memref<10000x128xf32, #tpu.memory_space<hbm>> -> memref<10000x128xf32, #tpu.memory_space<hbm>>
          tpu.enqueue_indirect_dma source(%dma_start3A_159 : memref<10000x128xf32, #tpu.memory_space<hbm>>) target(%arg11 : memref<80x128xf32, #tpu.memory_space<vmem>>) offsets(%arg7 : memref<80xi32, #tpu.memory_space<vmem>>) semaphore(%arg18 : memref<!tpu.dma_semaphore, #tpu.memory_space<semaphore_mem>>)
        } else {
        }
        %add3A_149 = arith.constant 1 : i32
        %add3A_150 = arith.addi %add3A_102, %add3A_149 : i32
        %mul3A_151 = arith.constant 80 : i32
        %mul3A_152 = arith.muli %add3A_150, %mul3A_151 : i32
        %add3A_153 = arith.addi %mul3A_17, %mul3A_152 : i32
        %multiple_of3A_154 = tpu.assume_multiple %add3A_153, 8 : i32
        %dma_start3A_155 = tpu.memref_slice %arg3[%multiple_of3A_154] : memref<320000xi32, #tpu.memory_space<hbm>> -> memref<80xi32, #tpu.memory_space<hbm>>
        %dma_start3A_156 = tpu.memref_slice %arg3[%multiple_of3A_154] : memref<320000xi32, #tpu.memory_space<hbm>> -> memref<80xi32, #tpu.memory_space<hbm>>
        tpu.enqueue_dma source(%dma_start3A_156 : memref<80xi32, #tpu.memory_space<hbm>>) target(%arg8 : memref<80xi32, #tpu.memory_space<vmem>>) target_semaphore(%arg16 : memref<!tpu.dma_semaphore, #tpu.memory_space<semaphore_mem>>)
      } else {
      }
      %dma_wait3A_115 = arith.constant 0 : i32
      %dma_wait3A_116 = arith.constant 0 : i32
      %dma_wait3A_117 = tpu.memref_slice %arg4[%dma_wait3A_115, %dma_wait3A_116] : memref<10000x128xf32, #tpu.memory_space<hbm>> -> memref<80x128xf32, #tpu.memory_space<hbm>>
      %dma_wait3A_118 = arith.constant 0 : i32
      %dma_wait3A_119 = arith.constant 0 : i32
      %dma_wait3A_120 = tpu.memref_slice %arg4[%dma_wait3A_118, %dma_wait3A_119] : memref<10000x128xf32, #tpu.memory_space<hbm>> -> memref<80x128xf32, #tpu.memory_space<hbm>>
      tpu.wait_dma2 semaphore(%arg19 : memref<!tpu.dma_semaphore, #tpu.memory_space<semaphore_mem>>) src(%dma_wait3A_120 : memref<80x128xf32, #tpu.memory_space<hbm>>) dst(%arg12 : memref<80x128xf32, #tpu.memory_space<vmem>>)
      %dma_wait3A_121 = arith.constant 0 : i32
      %dma_wait3A_122 = tpu.memref_slice %arg3[%dma_wait3A_121] : memref<320000xi32, #tpu.memory_space<hbm>> -> memref<80xi32, #tpu.memory_space<hbm>>
      %dma_wait3A_123 = arith.constant 0 : i32
      %dma_wait3A_124 = tpu.memref_slice %arg3[%dma_wait3A_123] : memref<320000xi32, #tpu.memory_space<hbm>> -> memref<80xi32, #tpu.memory_space<hbm>>
      tpu.wait_dma2 semaphore(%arg17 : memref<!tpu.dma_semaphore, #tpu.memory_space<semaphore_mem>>) src(%dma_wait3A_124 : memref<80xi32, #tpu.memory_space<hbm>>) dst(%arg10 : memref<80xi32, #tpu.memory_space<vmem>>)
      %dma_start3A_125 = arith.constant 0 : i32
      %dma_start3A_126 = arith.constant 0 : i32
      %dma_start3A_127 = tpu.memref_slice %arg22[%dma_start3A_125, %dma_start3A_126] : memref<10000x128xf32, #tpu.memory_space<vmem_shared>> -> memref<10000x128xf32, #tpu.memory_space<vmem_shared>>
      tpu.enqueue_indirect_dma source(%arg12 : memref<80x128xf32, #tpu.memory_space<vmem>>) target(%dma_start3A_127 : memref<10000x128xf32, #tpu.memory_space<vmem_shared>>) offsets(%arg10 : memref<80xi32, #tpu.memory_space<vmem>>) semaphore(%arg21 : memref<!tpu.dma_semaphore, #tpu.memory_space<semaphore_mem>>) {add = true}
      %add3A_128 = arith.constant 2 : i32
      %add3A_129 = arith.addi %add3A_102, %add3A_128 : i32
      %lt3A_130 = arith.constant 250 : i32
      %lt3A_131 = arith.cmpi slt, %add3A_129, %lt3A_130 : i32
      %convert_element_type3A_132 = arith.extui %lt3A_131 : i1 to i32
      %cond3A_133 = arith.constant 0 : i32
      %cond3A_134 = arith.cmpi ne, %convert_element_type3A_132, %cond3A_133 : i32
      scf.if %cond3A_134 {
        %add3A_135 = arith.constant 2 : i32
        %add3A_136 = arith.addi %add3A_102, %add3A_135 : i32
        %mul3A_137 = arith.constant 80 : i32
        %mul3A_138 = arith.muli %add3A_136, %mul3A_137 : i32
        %add3A_139 = arith.addi %mul3A_17, %mul3A_138 : i32
        %multiple_of3A_140 = tpu.assume_multiple %add3A_139, 8 : i32
        %dma_start3A_141 = tpu.memref_slice %arg2[%multiple_of3A_140] : memref<320000xi32, #tpu.memory_space<hbm>> -> memref<80xi32, #tpu.memory_space<hbm>>
        %dma_start3A_142 = tpu.memref_slice %arg2[%multiple_of3A_140] : memref<320000xi32, #tpu.memory_space<hbm>> -> memref<80xi32, #tpu.memory_space<hbm>>
        tpu.enqueue_dma source(%dma_start3A_142 : memref<80xi32, #tpu.memory_space<hbm>>) target(%arg9 : memref<80xi32, #tpu.memory_space<vmem>>) target_semaphore(%arg15 : memref<!tpu.dma_semaphore, #tpu.memory_space<semaphore_mem>>)
      } else {
      }
    }
    %scan3A_45 = arith.constant 125 : i32
    %dma_wait3A_46 = arith.constant 0 : i32
    %dma_wait3A_47 = arith.constant 0 : i32
    %dma_wait3A_48 = tpu.memref_slice %arg22[%dma_wait3A_46, %dma_wait3A_47] : memref<10000x128xf32, #tpu.memory_space<vmem_shared>> -> memref<10000x128xf32, #tpu.memory_space<vmem_shared>>
    tpu.wait_indirect_dma semaphore(%arg21 : memref<!tpu.dma_semaphore, #tpu.memory_space<semaphore_mem>>) src(%arg12 : memref<80x128xf32, #tpu.memory_space<vmem>>) dst(%dma_wait3A_48 : memref<10000x128xf32, #tpu.memory_space<vmem_shared>>)
    %barrier3A_49 = arith.constant 0 : index
    tpu.barrier barrier_id(%barrier3A_49)
    %lt3A_50 = arith.constant 13 : i32
    %lt3A_51 = arith.cmpi slt, %arg1, %lt3A_50 : i32
    %jit3A_52 = arith.constant 8 : i32
    %jit3A_53 = arith.constant 7 : i32
    %select_n3A_54 = arith.select %lt3A_51, %jit3A_52, %jit3A_53 : i32
    %while3A_55 = arith.constant 0 : i32
    %while3A_56 = arith.constant 0 : i32
    %while3A_57 = arith.subi %select_n3A_54, %while3A_56 : i32
    %while3A_58 = arith.addi %while3A_56, %while3A_57 : i32
    %while3A_59 = arith.constant 1 : i32
    %while3A_60 = arith.divsi %while3A_57, %while3A_59 : i32
    %while3A_61 = arith.muli %while3A_60, %while3A_59 : i32
    %while3A_62 = arith.addi %while3A_56, %while3A_61 : i32
    %while3A_63 = arith.constant 1 : i32
    scf.for %while3A_65 = %while3A_56 to %while3A_62 step %while3A_63  : i32 {
      %mul3A_66 = arith.constant 16 : i32
      %mul3A_67 = arith.muli %mul3A_66, %while3A_65 : i32
      %add3A_68 = arith.addi %arg1, %mul3A_67 : i32
      %mul3A_69 = arith.constant 80 : i32
      %mul3A_70 = arith.muli %add3A_68, %mul3A_69 : i32
      %multiple_of3A_71 = tpu.assume_multiple %mul3A_70, 8 : i32
      "tpu.region"() ({
        %run_scoped3A = tpu.sem_alloc : memref<!tpu.dma_semaphore, #tpu.memory_space<semaphore_mem>>
        %dma_start3A_72 = arith.constant 0 : i32
        %dma_start3A_73 = tpu.memref_slice %arg22[%multiple_of3A_71, %dma_start3A_72] : memref<10000x128xf32, #tpu.memory_space<vmem_shared>> -> memref<80x128xf32, #tpu.memory_space<vmem_shared>>
        %dma_start3A_74 = arith.constant 0 : i32
        %dma_start3A_75 = tpu.memref_slice %arg22[%multiple_of3A_71, %dma_start3A_74] : memref<10000x128xf32, #tpu.memory_space<vmem_shared>> -> memref<80x128xf32, #tpu.memory_space<vmem_shared>>
        tpu.enqueue_dma source(%dma_start3A_75 : memref<80x128xf32, #tpu.memory_space<vmem_shared>>) target(%arg13 : memref<80x128xf32, #tpu.memory_space<vmem>>) target_semaphore(%run_scoped3A : memref<!tpu.dma_semaphore, #tpu.memory_space<semaphore_mem>>)
        %dma_wait3A_76 = arith.constant 0 : i32
        %dma_wait3A_77 = tpu.memref_slice %arg22[%multiple_of3A_71, %dma_wait3A_76] : memref<10000x128xf32, #tpu.memory_space<vmem_shared>> -> memref<80x128xf32, #tpu.memory_space<vmem_shared>>
        %dma_wait3A_78 = arith.constant 0 : i32
        %dma_wait3A_79 = tpu.memref_slice %arg22[%multiple_of3A_71, %dma_wait3A_78] : memref<10000x128xf32, #tpu.memory_space<vmem_shared>> -> memref<80x128xf32, #tpu.memory_space<vmem_shared>>
        tpu.wait_dma2 semaphore(%run_scoped3A : memref<!tpu.dma_semaphore, #tpu.memory_space<semaphore_mem>>) src(%dma_wait3A_79 : memref<80x128xf32, #tpu.memory_space<vmem_shared>>) dst(%arg13 : memref<80x128xf32, #tpu.memory_space<vmem>>)
        tpu.yield
      }) : () -> ()
      "tpu.region"() ({
        %run_scoped3A = tpu.sem_alloc : memref<!tpu.dma_semaphore, #tpu.memory_space<semaphore_mem>>
        %dma_start3A_72 = arith.constant 0 : i32
        %dma_start3A_73 = tpu.memref_slice %arg6[%arg0, %multiple_of3A_71, %dma_start3A_72] : memref<2x10000x128xf32, #tpu.memory_space<hbm>> -> memref<1x80x128xf32, #tpu.memory_space<hbm>>
        %dma_start3A_74 = tpu.memref_squeeze %dma_start3A_73 : memref<1x80x128xf32, #tpu.memory_space<hbm>> -> memref<80x128xf32, #tpu.memory_space<hbm>>
        %dma_start3A_75 = arith.constant 0 : i32
        %dma_start3A_76 = tpu.memref_slice %arg6[%arg0, %multiple_of3A_71, %dma_start3A_75] : memref<2x10000x128xf32, #tpu.memory_space<hbm>> -> memref<1x80x128xf32, #tpu.memory_space<hbm>>
        %dma_start3A_77 = tpu.memref_squeeze %dma_start3A_76 : memref<1x80x128xf32, #tpu.memory_space<hbm>> -> memref<80x128xf32, #tpu.memory_space<hbm>>
        tpu.enqueue_dma source(%arg13 : memref<80x128xf32, #tpu.memory_space<vmem>>) target(%dma_start3A_77 : memref<80x128xf32, #tpu.memory_space<hbm>>) target_semaphore(%run_scoped3A : memref<!tpu.dma_semaphore, #tpu.memory_space<semaphore_mem>>)
        %dma_wait3A_78 = arith.constant 0 : i32
        %dma_wait3A_79 = tpu.memref_slice %arg6[%arg0, %multiple_of3A_71, %dma_wait3A_78] : memref<2x10000x128xf32, #tpu.memory_space<hbm>> -> memref<1x80x128xf32, #tpu.memory_space<hbm>>
        %dma_wait3A_80 = tpu.memref_squeeze %dma_wait3A_79 : memref<1x80x128xf32, #tpu.memory_space<hbm>> -> memref<80x128xf32, #tpu.memory_space<hbm>>
        %dma_wait3A_81 = arith.constant 0 : i32
        %dma_wait3A_82 = tpu.memref_slice %arg6[%arg0, %multiple_of3A_71, %dma_wait3A_81] : memref<2x10000x128xf32, #tpu.memory_space<hbm>> -> memref<1x80x128xf32, #tpu.memory_space<hbm>>
        %dma_wait3A_83 = tpu.memref_squeeze %dma_wait3A_82 : memref<1x80x128xf32, #tpu.memory_space<hbm>> -> memref<80x128xf32, #tpu.memory_space<hbm>>
        tpu.wait_dma2 semaphore(%run_scoped3A : memref<!tpu.dma_semaphore, #tpu.memory_space<semaphore_mem>>) src(%arg13 : memref<80x128xf32, #tpu.memory_space<vmem>>) dst(%dma_wait3A_83 : memref<80x128xf32, #tpu.memory_space<hbm>>)
        tpu.yield
      }) : () -> ()
    }
    %while3A_64 = arith.constant 1 : i32
    scf.for %while3A_65 = %while3A_62 to %while3A_58 step %while3A_64  : i32 {
      %mul3A_66 = arith.constant 16 : i32
      %mul3A_67 = arith.muli %mul3A_66, %while3A_65 : i32
      %add3A_68 = arith.addi %arg1, %mul3A_67 : i32
      %mul3A_69 = arith.constant 80 : i32
      %mul3A_70 = arith.muli %add3A_68, %mul3A_69 : i32
      %multiple_of3A_71 = tpu.assume_multiple %mul3A_70, 8 : i32
      "tpu.region"() ({
        %run_scoped3A = tpu.sem_alloc : memref<!tpu.dma_semaphore, #tpu.memory_space<semaphore_mem>>
        %dma_start3A_72 = arith.constant 0 : i32
        %dma_start3A_73 = tpu.memref_slice %arg22[%multiple_of3A_71, %dma_start3A_72] : memref<10000x128xf32, #tpu.memory_space<vmem_shared>> -> memref<80x128xf32, #tpu.memory_space<vmem_shared>>
        %dma_start3A_74 = arith.constant 0 : i32
        %dma_start3A_75 = tpu.memref_slice %arg22[%multiple_of3A_71, %dma_start3A_74] : memref<10000x128xf32, #tpu.memory_space<vmem_shared>> -> memref<80x128xf32, #tpu.memory_space<vmem_shared>>
        tpu.enqueue_dma source(%dma_start3A_75 : memref<80x128xf32, #tpu.memory_space<vmem_shared>>) target(%arg13 : memref<80x128xf32, #tpu.memory_space<vmem>>) target_semaphore(%run_scoped3A : memref<!tpu.dma_semaphore, #tpu.memory_space<semaphore_mem>>)
        %dma_wait3A_76 = arith.constant 0 : i32
        %dma_wait3A_77 = tpu.memref_slice %arg22[%multiple_of3A_71, %dma_wait3A_76] : memref<10000x128xf32, #tpu.memory_space<vmem_shared>> -> memref<80x128xf32, #tpu.memory_space<vmem_shared>>
        %dma_wait3A_78 = arith.constant 0 : i32
        %dma_wait3A_79 = tpu.memref_slice %arg22[%multiple_of3A_71, %dma_wait3A_78] : memref<10000x128xf32, #tpu.memory_space<vmem_shared>> -> memref<80x128xf32, #tpu.memory_space<vmem_shared>>
        tpu.wait_dma2 semaphore(%run_scoped3A : memref<!tpu.dma_semaphore, #tpu.memory_space<semaphore_mem>>) src(%dma_wait3A_79 : memref<80x128xf32, #tpu.memory_space<vmem_shared>>) dst(%arg13 : memref<80x128xf32, #tpu.memory_space<vmem>>)
        tpu.yield
      }) : () -> ()
      "tpu.region"() ({
        %run_scoped3A = tpu.sem_alloc : memref<!tpu.dma_semaphore, #tpu.memory_space<semaphore_mem>>
        %dma_start3A_72 = arith.constant 0 : i32
        %dma_start3A_73 = tpu.memref_slice %arg6[%arg0, %multiple_of3A_71, %dma_start3A_72] : memref<2x10000x128xf32, #tpu.memory_space<hbm>> -> memref<1x80x128xf32, #tpu.memory_space<hbm>>
        %dma_start3A_74 = tpu.memref_squeeze %dma_start3A_73 : memref<1x80x128xf32, #tpu.memory_space<hbm>> -> memref<80x128xf32, #tpu.memory_space<hbm>>
        %dma_start3A_75 = arith.constant 0 : i32
        %dma_start3A_76 = tpu.memref_slice %arg6[%arg0, %multiple_of3A_71, %dma_start3A_75] : memref<2x10000x128xf32, #tpu.memory_space<hbm>> -> memref<1x80x128xf32, #tpu.memory_space<hbm>>
        %dma_start3A_77 = tpu.memref_squeeze %dma_start3A_76 : memref<1x80x128xf32, #tpu.memory_space<hbm>> -> memref<80x128xf32, #tpu.memory_space<hbm>>
        tpu.enqueue_dma source(%arg13 : memref<80x128xf32, #tpu.memory_space<vmem>>) target(%dma_start3A_77 : memref<80x128xf32, #tpu.memory_space<hbm>>) target_semaphore(%run_scoped3A : memref<!tpu.dma_semaphore, #tpu.memory_space<semaphore_mem>>)
        %dma_wait3A_78 = arith.constant 0 : i32
        %dma_wait3A_79 = tpu.memref_slice %arg6[%arg0, %multiple_of3A_71, %dma_wait3A_78] : memref<2x10000x128xf32, #tpu.memory_space<hbm>> -> memref<1x80x128xf32, #tpu.memory_space<hbm>>
        %dma_wait3A_80 = tpu.memref_squeeze %dma_wait3A_79 : memref<1x80x128xf32, #tpu.memory_space<hbm>> -> memref<80x128xf32, #tpu.memory_space<hbm>>
        %dma_wait3A_81 = arith.constant 0 : i32
        %dma_wait3A_82 = tpu.memref_slice %arg6[%arg0, %multiple_of3A_71, %dma_wait3A_81] : memref<2x10000x128xf32, #tpu.memory_space<hbm>> -> memref<1x80x128xf32, #tpu.memory_space<hbm>>
        %dma_wait3A_83 = tpu.memref_squeeze %dma_wait3A_82 : memref<1x80x128xf32, #tpu.memory_space<hbm>> -> memref<80x128xf32, #tpu.memory_space<hbm>>
        tpu.wait_dma2 semaphore(%run_scoped3A : memref<!tpu.dma_semaphore, #tpu.memory_space<semaphore_mem>>) src(%arg13 : memref<80x128xf32, #tpu.memory_space<vmem>>) dst(%dma_wait3A_83 : memref<80x128xf32, #tpu.memory_space<hbm>>)
        tpu.yield
      }) : () -> ()
    }
    return
  }
}

#map = affine_map<(d0, d1) -> (0)>
#map1 = affine_map<(d0, d1) -> (0, 0)>
module attributes {stable_mosaic.version = 14 : i64} {
  func.func @_sc_cls(%arg0: i32, %arg1: i32, %arg2: memref<320000xi32, #tpu.memory_space<hbm>>, %arg3: memref<320000xi32, #tpu.memory_space<hbm>>, %arg4: memref<10000x128xi32, #tpu.memory_space<hbm>>, %arg5: memref<10000x128xi32, #tpu.memory_space<hbm>>, %arg6: memref<320000x128xi32, #tpu.memory_space<hbm>>, %arg7: memref<80xi32, #tpu.memory_space<vmem>>, %arg8: memref<80xi32, #tpu.memory_space<vmem>>, %arg9: memref<80xi32, #tpu.memory_space<vmem>>, %arg10: memref<80xi32, #tpu.memory_space<vmem>>, %arg11: memref<80x128xi32, #tpu.memory_space<vmem>>, %arg12: memref<80x128xi32, #tpu.memory_space<vmem>>, %arg13: memref<80x128xi32, #tpu.memory_space<vmem>>, %arg14: memref<80x128xi32, #tpu.memory_space<vmem>>, %arg15: memref<80x128xi32, #tpu.memory_space<vmem>>, %arg16: memref<80x128xi32, #tpu.memory_space<vmem>>, %arg17: memref<!tpu.dma_semaphore, #tpu.memory_space<semaphore_mem>>, %arg18: memref<!tpu.dma_semaphore, #tpu.memory_space<semaphore_mem>>, %arg19: memref<!tpu.dma_semaphore, #tpu.memory_space<semaphore_mem>>, %arg20: memref<!tpu.dma_semaphore, #tpu.memory_space<semaphore_mem>>, %arg21: memref<!tpu.dma_semaphore, #tpu.memory_space<semaphore_mem>>, %arg22: memref<!tpu.dma_semaphore, #tpu.memory_space<semaphore_mem>>) attributes {dimension_semantics = [#tpu.dimension_semantics<core_parallel>, #tpu.dimension_semantics<subcore_parallel>], iteration_bounds = array<i64: 2, 16>, scalar_prefetch = 0 : i64, scratch_operands = 16 : i64, tpu.core_type = #tpu.core_type<sc_vector_subcore>, window_params = [{transform_indices = #map}, {transform_indices = #map}, {transform_indices = #map1}, {transform_indices = #map1}, {transform_indices = #map1}]} {
    %mul3A = arith.constant 2 : i32
    %mul3A_0 = arith.muli %arg1, %mul3A : i32
    %add3A = arith.addi %mul3A_0, %arg0 : i32
    %mul3A_1 = arith.constant 10000 : i32
    %mul3A_2 = arith.muli %add3A, %mul3A_1 : i32
    %add3A_3 = arith.constant 0 : i32
    %add3A_4 = arith.addi %mul3A_2, %add3A_3 : i32
    %multiple_of3A = tpu.assume_multiple %add3A_4, 8 : i32
    %dma_start3A = tpu.memref_slice %arg2[%multiple_of3A] : memref<320000xi32, #tpu.memory_space<hbm>> -> memref<80xi32, #tpu.memory_space<hbm>>
    %dma_start3A_5 = tpu.memref_slice %arg2[%multiple_of3A] : memref<320000xi32, #tpu.memory_space<hbm>> -> memref<80xi32, #tpu.memory_space<hbm>>
    tpu.enqueue_dma source(%dma_start3A_5 : memref<80xi32, #tpu.memory_space<hbm>>) target(%arg7 : memref<80xi32, #tpu.memory_space<vmem>>) target_semaphore(%arg17 : memref<!tpu.dma_semaphore, #tpu.memory_space<semaphore_mem>>)
    %dma_start3A_6 = tpu.memref_slice %arg3[%multiple_of3A] : memref<320000xi32, #tpu.memory_space<hbm>> -> memref<80xi32, #tpu.memory_space<hbm>>
    %dma_start3A_7 = tpu.memref_slice %arg3[%multiple_of3A] : memref<320000xi32, #tpu.memory_space<hbm>> -> memref<80xi32, #tpu.memory_space<hbm>>
    tpu.enqueue_dma source(%dma_start3A_7 : memref<80xi32, #tpu.memory_space<hbm>>) target(%arg8 : memref<80xi32, #tpu.memory_space<vmem>>) target_semaphore(%arg17 : memref<!tpu.dma_semaphore, #tpu.memory_space<semaphore_mem>>)
    %add3A_8 = arith.constant 80 : i32
    %add3A_9 = arith.addi %mul3A_2, %add3A_8 : i32
    %multiple_of3A_10 = tpu.assume_multiple %add3A_9, 8 : i32
    %dma_start3A_11 = tpu.memref_slice %arg2[%multiple_of3A_10] : memref<320000xi32, #tpu.memory_space<hbm>> -> memref<80xi32, #tpu.memory_space<hbm>>
    %dma_start3A_12 = tpu.memref_slice %arg2[%multiple_of3A_10] : memref<320000xi32, #tpu.memory_space<hbm>> -> memref<80xi32, #tpu.memory_space<hbm>>
    tpu.enqueue_dma source(%dma_start3A_12 : memref<80xi32, #tpu.memory_space<hbm>>) target(%arg9 : memref<80xi32, #tpu.memory_space<vmem>>) target_semaphore(%arg18 : memref<!tpu.dma_semaphore, #tpu.memory_space<semaphore_mem>>)
    %dma_start3A_13 = tpu.memref_slice %arg3[%multiple_of3A_10] : memref<320000xi32, #tpu.memory_space<hbm>> -> memref<80xi32, #tpu.memory_space<hbm>>
    %dma_start3A_14 = tpu.memref_slice %arg3[%multiple_of3A_10] : memref<320000xi32, #tpu.memory_space<hbm>> -> memref<80xi32, #tpu.memory_space<hbm>>
    tpu.enqueue_dma source(%dma_start3A_14 : memref<80xi32, #tpu.memory_space<hbm>>) target(%arg10 : memref<80xi32, #tpu.memory_space<vmem>>) target_semaphore(%arg18 : memref<!tpu.dma_semaphore, #tpu.memory_space<semaphore_mem>>)
    %dma_wait3A = arith.constant 0 : i32
    %dma_wait3A_15 = tpu.memref_slice %arg2[%dma_wait3A] : memref<320000xi32, #tpu.memory_space<hbm>> -> memref<80xi32, #tpu.memory_space<hbm>>
    %dma_wait3A_16 = arith.constant 0 : i32
    %dma_wait3A_17 = tpu.memref_slice %arg2[%dma_wait3A_16] : memref<320000xi32, #tpu.memory_space<hbm>> -> memref<80xi32, #tpu.memory_space<hbm>>
    tpu.wait_dma2 semaphore(%arg17 : memref<!tpu.dma_semaphore, #tpu.memory_space<semaphore_mem>>) src(%dma_wait3A_17 : memref<80xi32, #tpu.memory_space<hbm>>) dst(%arg7 : memref<80xi32, #tpu.memory_space<vmem>>)
    %dma_wait3A_18 = arith.constant 0 : i32
    %dma_wait3A_19 = tpu.memref_slice %arg2[%dma_wait3A_18] : memref<320000xi32, #tpu.memory_space<hbm>> -> memref<80xi32, #tpu.memory_space<hbm>>
    %dma_wait3A_20 = arith.constant 0 : i32
    %dma_wait3A_21 = tpu.memref_slice %arg2[%dma_wait3A_20] : memref<320000xi32, #tpu.memory_space<hbm>> -> memref<80xi32, #tpu.memory_space<hbm>>
    tpu.wait_dma2 semaphore(%arg17 : memref<!tpu.dma_semaphore, #tpu.memory_space<semaphore_mem>>) src(%dma_wait3A_21 : memref<80xi32, #tpu.memory_space<hbm>>) dst(%arg8 : memref<80xi32, #tpu.memory_space<vmem>>)
    %dma_start3A_22 = arith.constant 0 : i32
    %dma_start3A_23 = arith.constant 0 : i32
    %dma_start3A_24 = tpu.memref_slice %arg4[%dma_start3A_22, %dma_start3A_23] : memref<10000x128xi32, #tpu.memory_space<hbm>> -> memref<10000x128xi32, #tpu.memory_space<hbm>>
    tpu.enqueue_indirect_dma source(%dma_start3A_24 : memref<10000x128xi32, #tpu.memory_space<hbm>>) target(%arg11 : memref<80x128xi32, #tpu.memory_space<vmem>>) offsets(%arg7 : memref<80xi32, #tpu.memory_space<vmem>>) semaphore(%arg19 : memref<!tpu.dma_semaphore, #tpu.memory_space<semaphore_mem>>)
    %dma_start3A_25 = arith.constant 0 : i32
    %dma_start3A_26 = arith.constant 0 : i32
    %dma_start3A_27 = tpu.memref_slice %arg5[%dma_start3A_25, %dma_start3A_26] : memref<10000x128xi32, #tpu.memory_space<hbm>> -> memref<10000x128xi32, #tpu.memory_space<hbm>>
    tpu.enqueue_indirect_dma source(%dma_start3A_27 : memref<10000x128xi32, #tpu.memory_space<hbm>>) target(%arg12 : memref<80x128xi32, #tpu.memory_space<vmem>>) offsets(%arg8 : memref<80xi32, #tpu.memory_space<vmem>>) semaphore(%arg19 : memref<!tpu.dma_semaphore, #tpu.memory_space<semaphore_mem>>)
    %scan3A = arith.constant 0 : i32
    %scan3A_28 = arith.constant 0 : i32
    %scan3A_29 = arith.constant 63 : i32
    %scan3A_30 = arith.addi %scan3A_28, %scan3A_29 : i32
    %scan3A_31 = arith.constant 1 : i32
    scf.for %scan3A_45 = %scan3A_28 to %scan3A_30 step %scan3A_31  : i32 {
      %mul3A_46 = arith.constant 2 : i32
      %mul3A_47 = arith.muli %scan3A_45, %mul3A_46 : i32
      %add3A_48 = arith.constant 0 : i32
      %add3A_49 = arith.addi %mul3A_47, %add3A_48 : i32
      %lt3A = arith.constant 125 : i32
      %lt3A_50 = arith.cmpi slt, %add3A_49, %lt3A : i32
      %convert_element_type3A = arith.extui %lt3A_50 : i1 to i32
      %cond3A = arith.constant 0 : i32
      %cond3A_51 = arith.cmpi ne, %convert_element_type3A, %cond3A : i32
      scf.if %cond3A_51 {
        %add3A_59 = arith.constant 1 : i32
        %add3A_60 = arith.addi %add3A_49, %add3A_59 : i32
        %lt3A_61 = arith.constant 125 : i32
        %lt3A_62 = arith.cmpi slt, %add3A_60, %lt3A_61 : i32
        %convert_element_type3A_63 = arith.extui %lt3A_62 : i1 to i32
        %cond3A_64 = arith.constant 0 : i32
        %cond3A_65 = arith.cmpi ne, %convert_element_type3A_63, %cond3A_64 : i32
        scf.if %cond3A_65 {
          %dma_wait3A_103 = arith.constant 0 : i32
          %dma_wait3A_104 = tpu.memref_slice %arg2[%dma_wait3A_103] : memref<320000xi32, #tpu.memory_space<hbm>> -> memref<80xi32, #tpu.memory_space<hbm>>
          %dma_wait3A_105 = arith.constant 0 : i32
          %dma_wait3A_106 = tpu.memref_slice %arg2[%dma_wait3A_105] : memref<320000xi32, #tpu.memory_space<hbm>> -> memref<80xi32, #tpu.memory_space<hbm>>
          tpu.wait_dma2 semaphore(%arg18 : memref<!tpu.dma_semaphore, #tpu.memory_space<semaphore_mem>>) src(%dma_wait3A_106 : memref<80xi32, #tpu.memory_space<hbm>>) dst(%arg9 : memref<80xi32, #tpu.memory_space<vmem>>)
          %dma_wait3A_107 = arith.constant 0 : i32
          %dma_wait3A_108 = tpu.memref_slice %arg2[%dma_wait3A_107] : memref<320000xi32, #tpu.memory_space<hbm>> -> memref<80xi32, #tpu.memory_space<hbm>>
          %dma_wait3A_109 = arith.constant 0 : i32
          %dma_wait3A_110 = tpu.memref_slice %arg2[%dma_wait3A_109] : memref<320000xi32, #tpu.memory_space<hbm>> -> memref<80xi32, #tpu.memory_space<hbm>>
          tpu.wait_dma2 semaphore(%arg18 : memref<!tpu.dma_semaphore, #tpu.memory_space<semaphore_mem>>) src(%dma_wait3A_110 : memref<80xi32, #tpu.memory_space<hbm>>) dst(%arg10 : memref<80xi32, #tpu.memory_space<vmem>>)
          %dma_start3A_111 = arith.constant 0 : i32
          %dma_start3A_112 = arith.constant 0 : i32
          %dma_start3A_113 = tpu.memref_slice %arg4[%dma_start3A_111, %dma_start3A_112] : memref<10000x128xi32, #tpu.memory_space<hbm>> -> memref<10000x128xi32, #tpu.memory_space<hbm>>
          tpu.enqueue_indirect_dma source(%dma_start3A_113 : memref<10000x128xi32, #tpu.memory_space<hbm>>) target(%arg14 : memref<80x128xi32, #tpu.memory_space<vmem>>) offsets(%arg9 : memref<80xi32, #tpu.memory_space<vmem>>) semaphore(%arg20 : memref<!tpu.dma_semaphore, #tpu.memory_space<semaphore_mem>>)
          %dma_start3A_114 = arith.constant 0 : i32
          %dma_start3A_115 = arith.constant 0 : i32
          %dma_start3A_116 = tpu.memref_slice %arg5[%dma_start3A_114, %dma_start3A_115] : memref<10000x128xi32, #tpu.memory_space<hbm>> -> memref<10000x128xi32, #tpu.memory_space<hbm>>
          tpu.enqueue_indirect_dma source(%dma_start3A_116 : memref<10000x128xi32, #tpu.memory_space<hbm>>) target(%arg15 : memref<80x128xi32, #tpu.memory_space<vmem>>) offsets(%arg10 : memref<80xi32, #tpu.memory_space<vmem>>) semaphore(%arg20 : memref<!tpu.dma_semaphore, #tpu.memory_space<semaphore_mem>>)
        } else {
        }
        %dma_wait3A_66 = arith.constant 0 : i32
        %dma_wait3A_67 = arith.constant 0 : i32
        %dma_wait3A_68 = tpu.memref_slice %arg4[%dma_wait3A_66, %dma_wait3A_67] : memref<10000x128xi32, #tpu.memory_space<hbm>> -> memref<80x128xi32, #tpu.memory_space<hbm>>
        %dma_wait3A_69 = arith.constant 0 : i32
        %dma_wait3A_70 = arith.constant 0 : i32
        %dma_wait3A_71 = tpu.memref_slice %arg4[%dma_wait3A_69, %dma_wait3A_70] : memref<10000x128xi32, #tpu.memory_space<hbm>> -> memref<80x128xi32, #tpu.memory_space<hbm>>
        tpu.wait_dma2 semaphore(%arg19 : memref<!tpu.dma_semaphore, #tpu.memory_space<semaphore_mem>>) src(%dma_wait3A_71 : memref<80x128xi32, #tpu.memory_space<hbm>>) dst(%arg11 : memref<80x128xi32, #tpu.memory_space<vmem>>)
        %dma_wait3A_72 = arith.constant 0 : i32
        %dma_wait3A_73 = arith.constant 0 : i32
        %dma_wait3A_74 = tpu.memref_slice %arg4[%dma_wait3A_72, %dma_wait3A_73] : memref<10000x128xi32, #tpu.memory_space<hbm>> -> memref<80x128xi32, #tpu.memory_space<hbm>>
        %dma_wait3A_75 = arith.constant 0 : i32
        %dma_wait3A_76 = arith.constant 0 : i32
        %dma_wait3A_77 = tpu.memref_slice %arg4[%dma_wait3A_75, %dma_wait3A_76] : memref<10000x128xi32, #tpu.memory_space<hbm>> -> memref<80x128xi32, #tpu.memory_space<hbm>>
        tpu.wait_dma2 semaphore(%arg19 : memref<!tpu.dma_semaphore, #tpu.memory_space<semaphore_mem>>) src(%dma_wait3A_77 : memref<80x128xi32, #tpu.memory_space<hbm>>) dst(%arg12 : memref<80x128xi32, #tpu.memory_space<vmem>>)
        %ge3A = arith.constant 2 : i32
        %ge3A_78 = arith.cmpi sge, %add3A_49, %ge3A : i32
        %convert_element_type3A_79 = arith.extui %ge3A_78 : i1 to i32
        %cond3A_80 = arith.constant 0 : i32
        %cond3A_81 = arith.cmpi ne, %convert_element_type3A_79, %cond3A_80 : i32
        scf.if %cond3A_81 {
          %dma_wait3A_103 = arith.constant 0 : i32
          %dma_wait3A_104 = arith.constant 0 : i32
          %dma_wait3A_105 = tpu.memref_slice %arg6[%dma_wait3A_103, %dma_wait3A_104] : memref<320000x128xi32, #tpu.memory_space<hbm>> -> memref<80x128xi32, #tpu.memory_space<hbm>>
          %dma_wait3A_106 = arith.constant 0 : i32
          %dma_wait3A_107 = arith.constant 0 : i32
          %dma_wait3A_108 = tpu.memref_slice %arg6[%dma_wait3A_106, %dma_wait3A_107] : memref<320000x128xi32, #tpu.memory_space<hbm>> -> memref<80x128xi32, #tpu.memory_space<hbm>>
          tpu.wait_dma2 semaphore(%arg21 : memref<!tpu.dma_semaphore, #tpu.memory_space<semaphore_mem>>) src(%arg13 : memref<80x128xi32, #tpu.memory_space<vmem>>) dst(%dma_wait3A_108 : memref<80x128xi32, #tpu.memory_space<hbm>>)
        } else {
        }
        %scan3A_82 = arith.constant 0 : i32
        %scan3A_83 = arith.constant 0 : i32
        %scan3A_84 = arith.constant 80 : i32
        %scan3A_85 = arith.addi %scan3A_83, %scan3A_84 : i32
        %scan3A_86 = arith.constant 1 : i32
        scf.for %scan3A_103 = %scan3A_83 to %scan3A_85 step %scan3A_86  : i32 {
          %get3A = arith.index_cast %scan3A_103 : i32 to index
          %get3A_104 = arith.constant 0 : index
          %get3A_105 = tpu.vector_load %arg11[%get3A, %get3A_104] {strides = array<i32>} : memref<80x128xi32, #tpu.memory_space<vmem>>, vector<16xi32>,
          %bitcast3A = vector.bitcast %get3A_105 : vector<16xi32> to vector<32xbf16>
          %get3A_106 = arith.index_cast %scan3A_103 : i32 to index
          %get3A_107 = arith.constant 0 : index
          %get3A_108 = tpu.vector_load %arg12[%get3A_106, %get3A_107] {strides = array<i32>} : memref<80x128xi32, #tpu.memory_space<vmem>>, vector<16xi32>,
          %bitcast3A_109 = vector.bitcast %get3A_108 : vector<16xi32> to vector<32xbf16>
          %add3A_110 = arith.addf %bitcast3A, %bitcast3A_109 : vector<32xbf16>
          %bitcast3A_111 = vector.bitcast %add3A_110 : vector<32xbf16> to vector<16xi32>
          %swap3A = arith.index_cast %scan3A_103 : i32 to index
          %swap3A_112 = arith.constant 0 : index
          %swap3A_113 = tpu.vector_load %arg13[%swap3A, %swap3A_112] {strides = array<i32>} : memref<80x128xi32, #tpu.memory_space<vmem>>, vector<16xi32>,
          tpu.vector_store %arg13[%swap3A, %swap3A_112], %bitcast3A_111 {strides = array<i32>} : memref<80x128xi32, #tpu.memory_space<vmem>>, vector<16xi32>,
          %get3A_114 = arith.index_cast %scan3A_103 : i32 to index
          %get3A_115 = arith.constant 16 : index
          %get3A_116 = tpu.vector_load %arg11[%get3A_114, %get3A_115] {strides = array<i32>} : memref<80x128xi32, #tpu.memory_space<vmem>>, vector<16xi32>,
          %bitcast3A_117 = vector.bitcast %get3A_116 : vector<16xi32> to vector<32xbf16>
          %get3A_118 = arith.index_cast %scan3A_103 : i32 to index
          %get3A_119 = arith.constant 16 : index
          %get3A_120 = tpu.vector_load %arg12[%get3A_118, %get3A_119] {strides = array<i32>} : memref<80x128xi32, #tpu.memory_space<vmem>>, vector<16xi32>,
          %bitcast3A_121 = vector.bitcast %get3A_120 : vector<16xi32> to vector<32xbf16>
          %add3A_122 = arith.addf %bitcast3A_117, %bitcast3A_121 : vector<32xbf16>
          %bitcast3A_123 = vector.bitcast %add3A_122 : vector<32xbf16> to vector<16xi32>
          %swap3A_124 = arith.index_cast %scan3A_103 : i32 to index
          %swap3A_125 = arith.constant 16 : index
          %swap3A_126 = tpu.vector_load %arg13[%swap3A_124, %swap3A_125] {strides = array<i32>} : memref<80x128xi32, #tpu.memory_space<vmem>>, vector<16xi32>,
          tpu.vector_store %arg13[%swap3A_124, %swap3A_125], %bitcast3A_123 {strides = array<i32>} : memref<80x128xi32, #tpu.memory_space<vmem>>, vector<16xi32>,
          %get3A_127 = arith.index_cast %scan3A_103 : i32 to index
          %get3A_128 = arith.constant 32 : index
          %get3A_129 = tpu.vector_load %arg11[%get3A_127, %get3A_128] {strides = array<i32>} : memref<80x128xi32, #tpu.memory_space<vmem>>, vector<16xi32>,
          %bitcast3A_130 = vector.bitcast %get3A_129 : vector<16xi32> to vector<32xbf16>
          %get3A_131 = arith.index_cast %scan3A_103 : i32 to index
          %get3A_132 = arith.constant 32 : index
          %get3A_133 = tpu.vector_load %arg12[%get3A_131, %get3A_132] {strides = array<i32>} : memref<80x128xi32, #tpu.memory_space<vmem>>, vector<16xi32>,
          %bitcast3A_134 = vector.bitcast %get3A_133 : vector<16xi32> to vector<32xbf16>
          %add3A_135 = arith.addf %bitcast3A_130, %bitcast3A_134 : vector<32xbf16>
          %bitcast3A_136 = vector.bitcast %add3A_135 : vector<32xbf16> to vector<16xi32>
          %swap3A_137 = arith.index_cast %scan3A_103 : i32 to index
          %swap3A_138 = arith.constant 32 : index
          %swap3A_139 = tpu.vector_load %arg13[%swap3A_137, %swap3A_138] {strides = array<i32>} : memref<80x128xi32, #tpu.memory_space<vmem>>, vector<16xi32>,
          tpu.vector_store %arg13[%swap3A_137, %swap3A_138], %bitcast3A_136 {strides = array<i32>} : memref<80x128xi32, #tpu.memory_space<vmem>>, vector<16xi32>,
          %get3A_140 = arith.index_cast %scan3A_103 : i32 to index
          %get3A_141 = arith.constant 48 : index
          %get3A_142 = tpu.vector_load %arg11[%get3A_140, %get3A_141] {strides = array<i32>} : memref<80x128xi32, #tpu.memory_space<vmem>>, vector<16xi32>,
          %bitcast3A_143 = vector.bitcast %get3A_142 : vector<16xi32> to vector<32xbf16>
          %get3A_144 = arith.index_cast %scan3A_103 : i32 to index
          %get3A_145 = arith.constant 48 : index
          %get3A_146 = tpu.vector_load %arg12[%get3A_144, %get3A_145] {strides = array<i32>} : memref<80x128xi32, #tpu.memory_space<vmem>>, vector<16xi32>,
          %bitcast3A_147 = vector.bitcast %get3A_146 : vector<16xi32> to vector<32xbf16>
          %add3A_148 = arith.addf %bitcast3A_143, %bitcast3A_147 : vector<32xbf16>
          %bitcast3A_149 = vector.bitcast %add3A_148 : vector<32xbf16> to vector<16xi32>
          %swap3A_150 = arith.index_cast %scan3A_103 : i32 to index
          %swap3A_151 = arith.constant 48 : index
          %swap3A_152 = tpu.vector_load %arg13[%swap3A_150, %swap3A_151] {strides = array<i32>} : memref<80x128xi32, #tpu.memory_space<vmem>>, vector<16xi32>,
          tpu.vector_store %arg13[%swap3A_150, %swap3A_151], %bitcast3A_149 {strides = array<i32>} : memref<80x128xi32, #tpu.memory_space<vmem>>, vector<16xi32>,
          %get3A_153 = arith.index_cast %scan3A_103 : i32 to index
          %get3A_154 = arith.constant 64 : index
          %get3A_155 = tpu.vector_load %arg11[%get3A_153, %get3A_154] {strides = array<i32>} : memref<80x128xi32, #tpu.memory_space<vmem>>, vector<16xi32>,
          %bitcast3A_156 = vector.bitcast %get3A_155 : vector<16xi32> to vector<32xbf16>
          %get3A_157 = arith.index_cast %scan3A_103 : i32 to index
          %get3A_158 = arith.constant 64 : index
          %get3A_159 = tpu.vector_load %arg12[%get3A_157, %get3A_158] {strides = array<i32>} : memref<80x128xi32, #tpu.memory_space<vmem>>, vector<16xi32>,
          %bitcast3A_160 = vector.bitcast %get3A_159 : vector<16xi32> to vector<32xbf16>
          %add3A_161 = arith.addf %bitcast3A_156, %bitcast3A_160 : vector<32xbf16>
          %bitcast3A_162 = vector.bitcast %add3A_161 : vector<32xbf16> to vector<16xi32>
          %swap3A_163 = arith.index_cast %scan3A_103 : i32 to index
          %swap3A_164 = arith.constant 64 : index
          %swap3A_165 = tpu.vector_load %arg13[%swap3A_163, %swap3A_164] {strides = array<i32>} : memref<80x128xi32, #tpu.memory_space<vmem>>, vector<16xi32>,
          tpu.vector_store %arg13[%swap3A_163, %swap3A_164], %bitcast3A_162 {strides = array<i32>} : memref<80x128xi32, #tpu.memory_space<vmem>>, vector<16xi32>,
          %get3A_166 = arith.index_cast %scan3A_103 : i32 to index
          %get3A_167 = arith.constant 80 : index
          %get3A_168 = tpu.vector_load %arg11[%get3A_166, %get3A_167] {strides = array<i32>} : memref<80x128xi32, #tpu.memory_space<vmem>>, vector<16xi32>,
          %bitcast3A_169 = vector.bitcast %get3A_168 : vector<16xi32> to vector<32xbf16>
          %get3A_170 = arith.index_cast %scan3A_103 : i32 to index
          %get3A_171 = arith.constant 80 : index
          %get3A_172 = tpu.vector_load %arg12[%get3A_170, %get3A_171] {strides = array<i32>} : memref<80x128xi32, #tpu.memory_space<vmem>>, vector<16xi32>,
          %bitcast3A_173 = vector.bitcast %get3A_172 : vector<16xi32> to vector<32xbf16>
          %add3A_174 = arith.addf %bitcast3A_169, %bitcast3A_173 : vector<32xbf16>
          %bitcast3A_175 = vector.bitcast %add3A_174 : vector<32xbf16> to vector<16xi32>
          %swap3A_176 = arith.index_cast %scan3A_103 : i32 to index
          %swap3A_177 = arith.constant 80 : index
          %swap3A_178 = tpu.vector_load %arg13[%swap3A_176, %swap3A_177] {strides = array<i32>} : memref<80x128xi32, #tpu.memory_space<vmem>>, vector<16xi32>,
          tpu.vector_store %arg13[%swap3A_176, %swap3A_177], %bitcast3A_175 {strides = array<i32>} : memref<80x128xi32, #tpu.memory_space<vmem>>, vector<16xi32>,
          %get3A_179 = arith.index_cast %scan3A_103 : i32 to index
          %get3A_180 = arith.constant 96 : index
          %get3A_181 = tpu.vector_load %arg11[%get3A_179, %get3A_180] {strides = array<i32>} : memref<80x128xi32, #tpu.memory_space<vmem>>, vector<16xi32>,
          %bitcast3A_182 = vector.bitcast %get3A_181 : vector<16xi32> to vector<32xbf16>
          %get3A_183 = arith.index_cast %scan3A_103 : i32 to index
          %get3A_184 = arith.constant 96 : index
          %get3A_185 = tpu.vector_load %arg12[%get3A_183, %get3A_184] {strides = array<i32>} : memref<80x128xi32, #tpu.memory_space<vmem>>, vector<16xi32>,
          %bitcast3A_186 = vector.bitcast %get3A_185 : vector<16xi32> to vector<32xbf16>
          %add3A_187 = arith.addf %bitcast3A_182, %bitcast3A_186 : vector<32xbf16>
          %bitcast3A_188 = vector.bitcast %add3A_187 : vector<32xbf16> to vector<16xi32>
          %swap3A_189 = arith.index_cast %scan3A_103 : i32 to index
          %swap3A_190 = arith.constant 96 : index
          %swap3A_191 = tpu.vector_load %arg13[%swap3A_189, %swap3A_190] {strides = array<i32>} : memref<80x128xi32, #tpu.memory_space<vmem>>, vector<16xi32>,
          tpu.vector_store %arg13[%swap3A_189, %swap3A_190], %bitcast3A_188 {strides = array<i32>} : memref<80x128xi32, #tpu.memory_space<vmem>>, vector<16xi32>,
          %get3A_192 = arith.index_cast %scan3A_103 : i32 to index
          %get3A_193 = arith.constant 112 : index
          %get3A_194 = tpu.vector_load %arg11[%get3A_192, %get3A_193] {strides = array<i32>} : memref<80x128xi32, #tpu.memory_space<vmem>>, vector<16xi32>,
          %bitcast3A_195 = vector.bitcast %get3A_194 : vector<16xi32> to vector<32xbf16>
          %get3A_196 = arith.index_cast %scan3A_103 : i32 to index
          %get3A_197 = arith.constant 112 : index
          %get3A_198 = tpu.vector_load %arg12[%get3A_196, %get3A_197] {strides = array<i32>} : memref<80x128xi32, #tpu.memory_space<vmem>>, vector<16xi32>,
          %bitcast3A_199 = vector.bitcast %get3A_198 : vector<16xi32> to vector<32xbf16>
          %add3A_200 = arith.addf %bitcast3A_195, %bitcast3A_199 : vector<32xbf16>
          %bitcast3A_201 = vector.bitcast %add3A_200 : vector<32xbf16> to vector<16xi32>
          %swap3A_202 = arith.index_cast %scan3A_103 : i32 to index
          %swap3A_203 = arith.constant 112 : index
          %swap3A_204 = tpu.vector_load %arg13[%swap3A_202, %swap3A_203] {strides = array<i32>} : memref<80x128xi32, #tpu.memory_space<vmem>>, vector<16xi32>,
          tpu.vector_store %arg13[%swap3A_202, %swap3A_203], %bitcast3A_201 {strides = array<i32>} : memref<80x128xi32, #tpu.memory_space<vmem>>, vector<16xi32>,
        }
        %scan3A_87 = arith.constant 80 : i32
        %mul3A_88 = arith.constant 80 : i32
        %mul3A_89 = arith.muli %add3A_49, %mul3A_88 : i32
        %add3A_90 = arith.addi %mul3A_2, %mul3A_89 : i32
        %multiple_of3A_91 = tpu.assume_multiple %add3A_90, 8 : i32
        %dma_start3A_92 = arith.constant 0 : i32
        %dma_start3A_93 = tpu.memref_slice %arg6[%multiple_of3A_91, %dma_start3A_92] : memref<320000x128xi32, #tpu.memory_space<hbm>> -> memref<80x128xi32, #tpu.memory_space<hbm>>
        %dma_start3A_94 = arith.constant 0 : i32
        %dma_start3A_95 = tpu.memref_slice %arg6[%multiple_of3A_91, %dma_start3A_94] : memref<320000x128xi32, #tpu.memory_space<hbm>> -> memref<80x128xi32, #tpu.memory_space<hbm>>
        tpu.enqueue_dma source(%arg13 : memref<80x128xi32, #tpu.memory_space<vmem>>) target(%dma_start3A_95 : memref<80x128xi32, #tpu.memory_space<hbm>>) target_semaphore(%arg21 : memref<!tpu.dma_semaphore, #tpu.memory_space<semaphore_mem>>)
        %add3A_96 = arith.constant 2 : i32
        %add3A_97 = arith.addi %add3A_49, %add3A_96 : i32
        %lt3A_98 = arith.constant 125 : i32
        %lt3A_99 = arith.cmpi slt, %add3A_97, %lt3A_98 : i32
        %convert_element_type3A_100 = arith.extui %lt3A_99 : i1 to i32
        %cond3A_101 = arith.constant 0 : i32
        %cond3A_102 = arith.cmpi ne, %convert_element_type3A_100, %cond3A_101 : i32
        scf.if %cond3A_102 {
          %add3A_103 = arith.constant 2 : i32
          %add3A_104 = arith.addi %add3A_49, %add3A_103 : i32
          %mul3A_105 = arith.constant 80 : i32
          %mul3A_106 = arith.muli %add3A_104, %mul3A_105 : i32
          %add3A_107 = arith.addi %mul3A_2, %mul3A_106 : i32
          %multiple_of3A_108 = tpu.assume_multiple %add3A_107, 8 : i32
          %dma_start3A_109 = tpu.memref_slice %arg2[%multiple_of3A_108] : memref<320000xi32, #tpu.memory_space<hbm>> -> memref<80xi32, #tpu.memory_space<hbm>>
          %dma_start3A_110 = tpu.memref_slice %arg2[%multiple_of3A_108] : memref<320000xi32, #tpu.memory_space<hbm>> -> memref<80xi32, #tpu.memory_space<hbm>>
          tpu.enqueue_dma source(%dma_start3A_110 : memref<80xi32, #tpu.memory_space<hbm>>) target(%arg7 : memref<80xi32, #tpu.memory_space<vmem>>) target_semaphore(%arg17 : memref<!tpu.dma_semaphore, #tpu.memory_space<semaphore_mem>>)
          %dma_start3A_111 = tpu.memref_slice %arg3[%multiple_of3A_108] : memref<320000xi32, #tpu.memory_space<hbm>> -> memref<80xi32, #tpu.memory_space<hbm>>
          %dma_start3A_112 = tpu.memref_slice %arg3[%multiple_of3A_108] : memref<320000xi32, #tpu.memory_space<hbm>> -> memref<80xi32, #tpu.memory_space<hbm>>
          tpu.enqueue_dma source(%dma_start3A_112 : memref<80xi32, #tpu.memory_space<hbm>>) target(%arg8 : memref<80xi32, #tpu.memory_space<vmem>>) target_semaphore(%arg17 : memref<!tpu.dma_semaphore, #tpu.memory_space<semaphore_mem>>)
        } else {
        }
      } else {
      }
      %add3A_52 = arith.constant 1 : i32
      %add3A_53 = arith.addi %mul3A_47, %add3A_52 : i32
      %lt3A_54 = arith.constant 125 : i32
      %lt3A_55 = arith.cmpi slt, %add3A_53, %lt3A_54 : i32
      %convert_element_type3A_56 = arith.extui %lt3A_55 : i1 to i32
      %cond3A_57 = arith.constant 0 : i32
      %cond3A_58 = arith.cmpi ne, %convert_element_type3A_56, %cond3A_57 : i32
      scf.if %cond3A_58 {
        %add3A_59 = arith.constant 1 : i32
        %add3A_60 = arith.addi %add3A_53, %add3A_59 : i32
        %lt3A_61 = arith.constant 125 : i32
        %lt3A_62 = arith.cmpi slt, %add3A_60, %lt3A_61 : i32
        %convert_element_type3A_63 = arith.extui %lt3A_62 : i1 to i32
        %cond3A_64 = arith.constant 0 : i32
        %cond3A_65 = arith.cmpi ne, %convert_element_type3A_63, %cond3A_64 : i32
        scf.if %cond3A_65 {
          %dma_wait3A_103 = arith.constant 0 : i32
          %dma_wait3A_104 = tpu.memref_slice %arg2[%dma_wait3A_103] : memref<320000xi32, #tpu.memory_space<hbm>> -> memref<80xi32, #tpu.memory_space<hbm>>
          %dma_wait3A_105 = arith.constant 0 : i32
          %dma_wait3A_106 = tpu.memref_slice %arg2[%dma_wait3A_105] : memref<320000xi32, #tpu.memory_space<hbm>> -> memref<80xi32, #tpu.memory_space<hbm>>
          tpu.wait_dma2 semaphore(%arg17 : memref<!tpu.dma_semaphore, #tpu.memory_space<semaphore_mem>>) src(%dma_wait3A_106 : memref<80xi32, #tpu.memory_space<hbm>>) dst(%arg7 : memref<80xi32, #tpu.memory_space<vmem>>)
          %dma_wait3A_107 = arith.constant 0 : i32
          %dma_wait3A_108 = tpu.memref_slice %arg2[%dma_wait3A_107] : memref<320000xi32, #tpu.memory_space<hbm>> -> memref<80xi32, #tpu.memory_space<hbm>>
          %dma_wait3A_109 = arith.constant 0 : i32
          %dma_wait3A_110 = tpu.memref_slice %arg2[%dma_wait3A_109] : memref<320000xi32, #tpu.memory_space<hbm>> -> memref<80xi32, #tpu.memory_space<hbm>>
          tpu.wait_dma2 semaphore(%arg17 : memref<!tpu.dma_semaphore, #tpu.memory_space<semaphore_mem>>) src(%dma_wait3A_110 : memref<80xi32, #tpu.memory_space<hbm>>) dst(%arg8 : memref<80xi32, #tpu.memory_space<vmem>>)
          %dma_start3A_111 = arith.constant 0 : i32
          %dma_start3A_112 = arith.constant 0 : i32
          %dma_start3A_113 = tpu.memref_slice %arg4[%dma_start3A_111, %dma_start3A_112] : memref<10000x128xi32, #tpu.memory_space<hbm>> -> memref<10000x128xi32, #tpu.memory_space<hbm>>
          tpu.enqueue_indirect_dma source(%dma_start3A_113 : memref<10000x128xi32, #tpu.memory_space<hbm>>) target(%arg11 : memref<80x128xi32, #tpu.memory_space<vmem>>) offsets(%arg7 : memref<80xi32, #tpu.memory_space<vmem>>) semaphore(%arg19 : memref<!tpu.dma_semaphore, #tpu.memory_space<semaphore_mem>>)
          %dma_start3A_114 = arith.constant 0 : i32
          %dma_start3A_115 = arith.constant 0 : i32
          %dma_start3A_116 = tpu.memref_slice %arg5[%dma_start3A_114, %dma_start3A_115] : memref<10000x128xi32, #tpu.memory_space<hbm>> -> memref<10000x128xi32, #tpu.memory_space<hbm>>
          tpu.enqueue_indirect_dma source(%dma_start3A_116 : memref<10000x128xi32, #tpu.memory_space<hbm>>) target(%arg12 : memref<80x128xi32, #tpu.memory_space<vmem>>) offsets(%arg8 : memref<80xi32, #tpu.memory_space<vmem>>) semaphore(%arg19 : memref<!tpu.dma_semaphore, #tpu.memory_space<semaphore_mem>>)
        } else {
        }
        %dma_wait3A_66 = arith.constant 0 : i32
        %dma_wait3A_67 = arith.constant 0 : i32
        %dma_wait3A_68 = tpu.memref_slice %arg4[%dma_wait3A_66, %dma_wait3A_67] : memref<10000x128xi32, #tpu.memory_space<hbm>> -> memref<80x128xi32, #tpu.memory_space<hbm>>
        %dma_wait3A_69 = arith.constant 0 : i32
        %dma_wait3A_70 = arith.constant 0 : i32
        %dma_wait3A_71 = tpu.memref_slice %arg4[%dma_wait3A_69, %dma_wait3A_70] : memref<10000x128xi32, #tpu.memory_space<hbm>> -> memref<80x128xi32, #tpu.memory_space<hbm>>
        tpu.wait_dma2 semaphore(%arg20 : memref<!tpu.dma_semaphore, #tpu.memory_space<semaphore_mem>>) src(%dma_wait3A_71 : memref<80x128xi32, #tpu.memory_space<hbm>>) dst(%arg14 : memref<80x128xi32, #tpu.memory_space<vmem>>)
        %dma_wait3A_72 = arith.constant 0 : i32
        %dma_wait3A_73 = arith.constant 0 : i32
        %dma_wait3A_74 = tpu.memref_slice %arg4[%dma_wait3A_72, %dma_wait3A_73] : memref<10000x128xi32, #tpu.memory_space<hbm>> -> memref<80x128xi32, #tpu.memory_space<hbm>>
        %dma_wait3A_75 = arith.constant 0 : i32
        %dma_wait3A_76 = arith.constant 0 : i32
        %dma_wait3A_77 = tpu.memref_slice %arg4[%dma_wait3A_75, %dma_wait3A_76] : memref<10000x128xi32, #tpu.memory_space<hbm>> -> memref<80x128xi32, #tpu.memory_space<hbm>>
        tpu.wait_dma2 semaphore(%arg20 : memref<!tpu.dma_semaphore, #tpu.memory_space<semaphore_mem>>) src(%dma_wait3A_77 : memref<80x128xi32, #tpu.memory_space<hbm>>) dst(%arg15 : memref<80x128xi32, #tpu.memory_space<vmem>>)
        %ge3A = arith.constant 2 : i32
        %ge3A_78 = arith.cmpi sge, %add3A_53, %ge3A : i32
        %convert_element_type3A_79 = arith.extui %ge3A_78 : i1 to i32
        %cond3A_80 = arith.constant 0 : i32
        %cond3A_81 = arith.cmpi ne, %convert_element_type3A_79, %cond3A_80 : i32
        scf.if %cond3A_81 {
          %dma_wait3A_103 = arith.constant 0 : i32
          %dma_wait3A_104 = arith.constant 0 : i32
          %dma_wait3A_105 = tpu.memref_slice %arg6[%dma_wait3A_103, %dma_wait3A_104] : memref<320000x128xi32, #tpu.memory_space<hbm>> -> memref<80x128xi32, #tpu.memory_space<hbm>>
          %dma_wait3A_106 = arith.constant 0 : i32
          %dma_wait3A_107 = arith.constant 0 : i32
          %dma_wait3A_108 = tpu.memref_slice %arg6[%dma_wait3A_106, %dma_wait3A_107] : memref<320000x128xi32, #tpu.memory_space<hbm>> -> memref<80x128xi32, #tpu.memory_space<hbm>>
          tpu.wait_dma2 semaphore(%arg22 : memref<!tpu.dma_semaphore, #tpu.memory_space<semaphore_mem>>) src(%arg16 : memref<80x128xi32, #tpu.memory_space<vmem>>) dst(%dma_wait3A_108 : memref<80x128xi32, #tpu.memory_space<hbm>>)
        } else {
        }
        %scan3A_82 = arith.constant 0 : i32
        %scan3A_83 = arith.constant 0 : i32
        %scan3A_84 = arith.constant 80 : i32
        %scan3A_85 = arith.addi %scan3A_83, %scan3A_84 : i32
        %scan3A_86 = arith.constant 1 : i32
        scf.for %scan3A_103 = %scan3A_83 to %scan3A_85 step %scan3A_86  : i32 {
          %get3A = arith.index_cast %scan3A_103 : i32 to index
          %get3A_104 = arith.constant 0 : index
          %get3A_105 = tpu.vector_load %arg14[%get3A, %get3A_104] {strides = array<i32>} : memref<80x128xi32, #tpu.memory_space<vmem>>, vector<16xi32>,
          %bitcast3A = vector.bitcast %get3A_105 : vector<16xi32> to vector<32xbf16>
          %get3A_106 = arith.index_cast %scan3A_103 : i32 to index
          %get3A_107 = arith.constant 0 : index
          %get3A_108 = tpu.vector_load %arg15[%get3A_106, %get3A_107] {strides = array<i32>} : memref<80x128xi32, #tpu.memory_space<vmem>>, vector<16xi32>,
          %bitcast3A_109 = vector.bitcast %get3A_108 : vector<16xi32> to vector<32xbf16>
          %add3A_110 = arith.addf %bitcast3A, %bitcast3A_109 : vector<32xbf16>
          %bitcast3A_111 = vector.bitcast %add3A_110 : vector<32xbf16> to vector<16xi32>
          %swap3A = arith.index_cast %scan3A_103 : i32 to index
          %swap3A_112 = arith.constant 0 : index
          %swap3A_113 = tpu.vector_load %arg16[%swap3A, %swap3A_112] {strides = array<i32>} : memref<80x128xi32, #tpu.memory_space<vmem>>, vector<16xi32>,
          tpu.vector_store %arg16[%swap3A, %swap3A_112], %bitcast3A_111 {strides = array<i32>} : memref<80x128xi32, #tpu.memory_space<vmem>>, vector<16xi32>,
          %get3A_114 = arith.index_cast %scan3A_103 : i32 to index
          %get3A_115 = arith.constant 16 : index
          %get3A_116 = tpu.vector_load %arg14[%get3A_114, %get3A_115] {strides = array<i32>} : memref<80x128xi32, #tpu.memory_space<vmem>>, vector<16xi32>,
          %bitcast3A_117 = vector.bitcast %get3A_116 : vector<16xi32> to vector<32xbf16>
          %get3A_118 = arith.index_cast %scan3A_103 : i32 to index
          %get3A_119 = arith.constant 16 : index
          %get3A_120 = tpu.vector_load %arg15[%get3A_118, %get3A_119] {strides = array<i32>} : memref<80x128xi32, #tpu.memory_space<vmem>>, vector<16xi32>,
          %bitcast3A_121 = vector.bitcast %get3A_120 : vector<16xi32> to vector<32xbf16>
          %add3A_122 = arith.addf %bitcast3A_117, %bitcast3A_121 : vector<32xbf16>
          %bitcast3A_123 = vector.bitcast %add3A_122 : vector<32xbf16> to vector<16xi32>
          %swap3A_124 = arith.index_cast %scan3A_103 : i32 to index
          %swap3A_125 = arith.constant 16 : index
          %swap3A_126 = tpu.vector_load %arg16[%swap3A_124, %swap3A_125] {strides = array<i32>} : memref<80x128xi32, #tpu.memory_space<vmem>>, vector<16xi32>,
          tpu.vector_store %arg16[%swap3A_124, %swap3A_125], %bitcast3A_123 {strides = array<i32>} : memref<80x128xi32, #tpu.memory_space<vmem>>, vector<16xi32>,
          %get3A_127 = arith.index_cast %scan3A_103 : i32 to index
          %get3A_128 = arith.constant 32 : index
          %get3A_129 = tpu.vector_load %arg14[%get3A_127, %get3A_128] {strides = array<i32>} : memref<80x128xi32, #tpu.memory_space<vmem>>, vector<16xi32>,
          %bitcast3A_130 = vector.bitcast %get3A_129 : vector<16xi32> to vector<32xbf16>
          %get3A_131 = arith.index_cast %scan3A_103 : i32 to index
          %get3A_132 = arith.constant 32 : index
          %get3A_133 = tpu.vector_load %arg15[%get3A_131, %get3A_132] {strides = array<i32>} : memref<80x128xi32, #tpu.memory_space<vmem>>, vector<16xi32>,
          %bitcast3A_134 = vector.bitcast %get3A_133 : vector<16xi32> to vector<32xbf16>
          %add3A_135 = arith.addf %bitcast3A_130, %bitcast3A_134 : vector<32xbf16>
          %bitcast3A_136 = vector.bitcast %add3A_135 : vector<32xbf16> to vector<16xi32>
          %swap3A_137 = arith.index_cast %scan3A_103 : i32 to index
          %swap3A_138 = arith.constant 32 : index
          %swap3A_139 = tpu.vector_load %arg16[%swap3A_137, %swap3A_138] {strides = array<i32>} : memref<80x128xi32, #tpu.memory_space<vmem>>, vector<16xi32>,
          tpu.vector_store %arg16[%swap3A_137, %swap3A_138], %bitcast3A_136 {strides = array<i32>} : memref<80x128xi32, #tpu.memory_space<vmem>>, vector<16xi32>,
          %get3A_140 = arith.index_cast %scan3A_103 : i32 to index
          %get3A_141 = arith.constant 48 : index
          %get3A_142 = tpu.vector_load %arg14[%get3A_140, %get3A_141] {strides = array<i32>} : memref<80x128xi32, #tpu.memory_space<vmem>>, vector<16xi32>,
          %bitcast3A_143 = vector.bitcast %get3A_142 : vector<16xi32> to vector<32xbf16>
          %get3A_144 = arith.index_cast %scan3A_103 : i32 to index
          %get3A_145 = arith.constant 48 : index
          %get3A_146 = tpu.vector_load %arg15[%get3A_144, %get3A_145] {strides = array<i32>} : memref<80x128xi32, #tpu.memory_space<vmem>>, vector<16xi32>,
          %bitcast3A_147 = vector.bitcast %get3A_146 : vector<16xi32> to vector<32xbf16>
          %add3A_148 = arith.addf %bitcast3A_143, %bitcast3A_147 : vector<32xbf16>
          %bitcast3A_149 = vector.bitcast %add3A_148 : vector<32xbf16> to vector<16xi32>
          %swap3A_150 = arith.index_cast %scan3A_103 : i32 to index
          %swap3A_151 = arith.constant 48 : index
          %swap3A_152 = tpu.vector_load %arg16[%swap3A_150, %swap3A_151] {strides = array<i32>} : memref<80x128xi32, #tpu.memory_space<vmem>>, vector<16xi32>,
          tpu.vector_store %arg16[%swap3A_150, %swap3A_151], %bitcast3A_149 {strides = array<i32>} : memref<80x128xi32, #tpu.memory_space<vmem>>, vector<16xi32>,
          %get3A_153 = arith.index_cast %scan3A_103 : i32 to index
          %get3A_154 = arith.constant 64 : index
          %get3A_155 = tpu.vector_load %arg14[%get3A_153, %get3A_154] {strides = array<i32>} : memref<80x128xi32, #tpu.memory_space<vmem>>, vector<16xi32>,
          %bitcast3A_156 = vector.bitcast %get3A_155 : vector<16xi32> to vector<32xbf16>
          %get3A_157 = arith.index_cast %scan3A_103 : i32 to index
          %get3A_158 = arith.constant 64 : index
          %get3A_159 = tpu.vector_load %arg15[%get3A_157, %get3A_158] {strides = array<i32>} : memref<80x128xi32, #tpu.memory_space<vmem>>, vector<16xi32>,
          %bitcast3A_160 = vector.bitcast %get3A_159 : vector<16xi32> to vector<32xbf16>
          %add3A_161 = arith.addf %bitcast3A_156, %bitcast3A_160 : vector<32xbf16>
          %bitcast3A_162 = vector.bitcast %add3A_161 : vector<32xbf16> to vector<16xi32>
          %swap3A_163 = arith.index_cast %scan3A_103 : i32 to index
          %swap3A_164 = arith.constant 64 : index
          %swap3A_165 = tpu.vector_load %arg16[%swap3A_163, %swap3A_164] {strides = array<i32>} : memref<80x128xi32, #tpu.memory_space<vmem>>, vector<16xi32>,
          tpu.vector_store %arg16[%swap3A_163, %swap3A_164], %bitcast3A_162 {strides = array<i32>} : memref<80x128xi32, #tpu.memory_space<vmem>>, vector<16xi32>,
          %get3A_166 = arith.index_cast %scan3A_103 : i32 to index
          %get3A_167 = arith.constant 80 : index
          %get3A_168 = tpu.vector_load %arg14[%get3A_166, %get3A_167] {strides = array<i32>} : memref<80x128xi32, #tpu.memory_space<vmem>>, vector<16xi32>,
          %bitcast3A_169 = vector.bitcast %get3A_168 : vector<16xi32> to vector<32xbf16>
          %get3A_170 = arith.index_cast %scan3A_103 : i32 to index
          %get3A_171 = arith.constant 80 : index
          %get3A_172 = tpu.vector_load %arg15[%get3A_170, %get3A_171] {strides = array<i32>} : memref<80x128xi32, #tpu.memory_space<vmem>>, vector<16xi32>,
          %bitcast3A_173 = vector.bitcast %get3A_172 : vector<16xi32> to vector<32xbf16>
          %add3A_174 = arith.addf %bitcast3A_169, %bitcast3A_173 : vector<32xbf16>
          %bitcast3A_175 = vector.bitcast %add3A_174 : vector<32xbf16> to vector<16xi32>
          %swap3A_176 = arith.index_cast %scan3A_103 : i32 to index
          %swap3A_177 = arith.constant 80 : index
          %swap3A_178 = tpu.vector_load %arg16[%swap3A_176, %swap3A_177] {strides = array<i32>} : memref<80x128xi32, #tpu.memory_space<vmem>>, vector<16xi32>,
          tpu.vector_store %arg16[%swap3A_176, %swap3A_177], %bitcast3A_175 {strides = array<i32>} : memref<80x128xi32, #tpu.memory_space<vmem>>, vector<16xi32>,
          %get3A_179 = arith.index_cast %scan3A_103 : i32 to index
          %get3A_180 = arith.constant 96 : index
          %get3A_181 = tpu.vector_load %arg14[%get3A_179, %get3A_180] {strides = array<i32>} : memref<80x128xi32, #tpu.memory_space<vmem>>, vector<16xi32>,
          %bitcast3A_182 = vector.bitcast %get3A_181 : vector<16xi32> to vector<32xbf16>
          %get3A_183 = arith.index_cast %scan3A_103 : i32 to index
          %get3A_184 = arith.constant 96 : index
          %get3A_185 = tpu.vector_load %arg15[%get3A_183, %get3A_184] {strides = array<i32>} : memref<80x128xi32, #tpu.memory_space<vmem>>, vector<16xi32>,
          %bitcast3A_186 = vector.bitcast %get3A_185 : vector<16xi32> to vector<32xbf16>
          %add3A_187 = arith.addf %bitcast3A_182, %bitcast3A_186 : vector<32xbf16>
          %bitcast3A_188 = vector.bitcast %add3A_187 : vector<32xbf16> to vector<16xi32>
          %swap3A_189 = arith.index_cast %scan3A_103 : i32 to index
          %swap3A_190 = arith.constant 96 : index
          %swap3A_191 = tpu.vector_load %arg16[%swap3A_189, %swap3A_190] {strides = array<i32>} : memref<80x128xi32, #tpu.memory_space<vmem>>, vector<16xi32>,
          tpu.vector_store %arg16[%swap3A_189, %swap3A_190], %bitcast3A_188 {strides = array<i32>} : memref<80x128xi32, #tpu.memory_space<vmem>>, vector<16xi32>,
          %get3A_192 = arith.index_cast %scan3A_103 : i32 to index
          %get3A_193 = arith.constant 112 : index
          %get3A_194 = tpu.vector_load %arg14[%get3A_192, %get3A_193] {strides = array<i32>} : memref<80x128xi32, #tpu.memory_space<vmem>>, vector<16xi32>,
          %bitcast3A_195 = vector.bitcast %get3A_194 : vector<16xi32> to vector<32xbf16>
          %get3A_196 = arith.index_cast %scan3A_103 : i32 to index
          %get3A_197 = arith.constant 112 : index
          %get3A_198 = tpu.vector_load %arg15[%get3A_196, %get3A_197] {strides = array<i32>} : memref<80x128xi32, #tpu.memory_space<vmem>>, vector<16xi32>,
          %bitcast3A_199 = vector.bitcast %get3A_198 : vector<16xi32> to vector<32xbf16>
          %add3A_200 = arith.addf %bitcast3A_195, %bitcast3A_199 : vector<32xbf16>
          %bitcast3A_201 = vector.bitcast %add3A_200 : vector<32xbf16> to vector<16xi32>
          %swap3A_202 = arith.index_cast %scan3A_103 : i32 to index
          %swap3A_203 = arith.constant 112 : index
          %swap3A_204 = tpu.vector_load %arg16[%swap3A_202, %swap3A_203] {strides = array<i32>} : memref<80x128xi32, #tpu.memory_space<vmem>>, vector<16xi32>,
          tpu.vector_store %arg16[%swap3A_202, %swap3A_203], %bitcast3A_201 {strides = array<i32>} : memref<80x128xi32, #tpu.memory_space<vmem>>, vector<16xi32>,
        }
        %scan3A_87 = arith.constant 80 : i32
        %mul3A_88 = arith.constant 80 : i32
        %mul3A_89 = arith.muli %add3A_53, %mul3A_88 : i32
        %add3A_90 = arith.addi %mul3A_2, %mul3A_89 : i32
        %multiple_of3A_91 = tpu.assume_multiple %add3A_90, 8 : i32
        %dma_start3A_92 = arith.constant 0 : i32
        %dma_start3A_93 = tpu.memref_slice %arg6[%multiple_of3A_91, %dma_start3A_92] : memref<320000x128xi32, #tpu.memory_space<hbm>> -> memref<80x128xi32, #tpu.memory_space<hbm>>
        %dma_start3A_94 = arith.constant 0 : i32
        %dma_start3A_95 = tpu.memref_slice %arg6[%multiple_of3A_91, %dma_start3A_94] : memref<320000x128xi32, #tpu.memory_space<hbm>> -> memref<80x128xi32, #tpu.memory_space<hbm>>
        tpu.enqueue_dma source(%arg16 : memref<80x128xi32, #tpu.memory_space<vmem>>) target(%dma_start3A_95 : memref<80x128xi32, #tpu.memory_space<hbm>>) target_semaphore(%arg22 : memref<!tpu.dma_semaphore, #tpu.memory_space<semaphore_mem>>)
        %add3A_96 = arith.constant 2 : i32
        %add3A_97 = arith.addi %add3A_53, %add3A_96 : i32
        %lt3A_98 = arith.constant 125 : i32
        %lt3A_99 = arith.cmpi slt, %add3A_97, %lt3A_98 : i32
        %convert_element_type3A_100 = arith.extui %lt3A_99 : i1 to i32
        %cond3A_101 = arith.constant 0 : i32
        %cond3A_102 = arith.cmpi ne, %convert_element_type3A_100, %cond3A_101 : i32
        scf.if %cond3A_102 {
          %add3A_103 = arith.constant 2 : i32
          %add3A_104 = arith.addi %add3A_53, %add3A_103 : i32
          %mul3A_105 = arith.constant 80 : i32
          %mul3A_106 = arith.muli %add3A_104, %mul3A_105 : i32
          %add3A_107 = arith.addi %mul3A_2, %mul3A_106 : i32
          %multiple_of3A_108 = tpu.assume_multiple %add3A_107, 8 : i32
          %dma_start3A_109 = tpu.memref_slice %arg2[%multiple_of3A_108] : memref<320000xi32, #tpu.memory_space<hbm>> -> memref<80xi32, #tpu.memory_space<hbm>>
          %dma_start3A_110 = tpu.memref_slice %arg2[%multiple_of3A_108] : memref<320000xi32, #tpu.memory_space<hbm>> -> memref<80xi32, #tpu.memory_space<hbm>>
          tpu.enqueue_dma source(%dma_start3A_110 : memref<80xi32, #tpu.memory_space<hbm>>) target(%arg9 : memref<80xi32, #tpu.memory_space<vmem>>) target_semaphore(%arg18 : memref<!tpu.dma_semaphore, #tpu.memory_space<semaphore_mem>>)
          %dma_start3A_111 = tpu.memref_slice %arg3[%multiple_of3A_108] : memref<320000xi32, #tpu.memory_space<hbm>> -> memref<80xi32, #tpu.memory_space<hbm>>
          %dma_start3A_112 = tpu.memref_slice %arg3[%multiple_of3A_108] : memref<320000xi32, #tpu.memory_space<hbm>> -> memref<80xi32, #tpu.memory_space<hbm>>
          tpu.enqueue_dma source(%dma_start3A_112 : memref<80xi32, #tpu.memory_space<hbm>>) target(%arg10 : memref<80xi32, #tpu.memory_space<vmem>>) target_semaphore(%arg18 : memref<!tpu.dma_semaphore, #tpu.memory_space<semaphore_mem>>)
        } else {
        }
      } else {
      }
    }
    %scan3A_32 = arith.constant 63 : i32
    %dma_wait3A_33 = arith.constant 0 : i32
    %dma_wait3A_34 = arith.constant 0 : i32
    %dma_wait3A_35 = tpu.memref_slice %arg6[%dma_wait3A_33, %dma_wait3A_34] : memref<320000x128xi32, #tpu.memory_space<hbm>> -> memref<80x128xi32, #tpu.memory_space<hbm>>
    %dma_wait3A_36 = arith.constant 0 : i32
    %dma_wait3A_37 = arith.constant 0 : i32
    %dma_wait3A_38 = tpu.memref_slice %arg6[%dma_wait3A_36, %dma_wait3A_37] : memref<320000x128xi32, #tpu.memory_space<hbm>> -> memref<80x128xi32, #tpu.memory_space<hbm>>
    tpu.wait_dma2 semaphore(%arg21 : memref<!tpu.dma_semaphore, #tpu.memory_space<semaphore_mem>>) src(%arg13 : memref<80x128xi32, #tpu.memory_space<vmem>>) dst(%dma_wait3A_38 : memref<80x128xi32, #tpu.memory_space<hbm>>)
    %dma_wait3A_39 = arith.constant 0 : i32
    %dma_wait3A_40 = arith.constant 0 : i32
    %dma_wait3A_41 = tpu.memref_slice %arg6[%dma_wait3A_39, %dma_wait3A_40] : memref<320000x128xi32, #tpu.memory_space<hbm>> -> memref<80x128xi32, #tpu.memory_space<hbm>>
    %dma_wait3A_42 = arith.constant 0 : i32
    %dma_wait3A_43 = arith.constant 0 : i32
    %dma_wait3A_44 = tpu.memref_slice %arg6[%dma_wait3A_42, %dma_wait3A_43] : memref<320000x128xi32, #tpu.memory_space<hbm>> -> memref<80x128xi32, #tpu.memory_space<hbm>>
    tpu.wait_dma2 semaphore(%arg22 : memref<!tpu.dma_semaphore, #tpu.memory_space<semaphore_mem>>) src(%arg16 : memref<80x128xi32, #tpu.memory_space<vmem>>) dst(%dma_wait3A_44 : memref<80x128xi32, #tpu.memory_space<hbm>>)
    return
  }
}

#map = affine_map<(d0, d1) -> (0)>
#map1 = affine_map<(d0, d1) -> (0, 0)>
#map2 = affine_map<(d0, d1) -> (0, 0, 0)>
module attributes {stable_mosaic.version = 14 : i64} {
  func.func @_sc_agg0(%arg0: i32, %arg1: i32, %arg2: memref<320000xi32, #tpu.memory_space<hbm>>, %arg3: memref<320000xi32, #tpu.memory_space<hbm>>, %arg4: memref<10000x128xf32, #tpu.memory_space<hbm>>, %arg5: memref<2x10000x128xf32, #tpu.memory_space<hbm>>, %arg6: memref<32x10000xf32, #tpu.memory_space<hbm>>, %arg7: memref<80xi32, #tpu.memory_space<vmem>>, %arg8: memref<80xi32, #tpu.memory_space<vmem>>, %arg9: memref<80xi32, #tpu.memory_space<vmem>>, %arg10: memref<80xi32, #tpu.memory_space<vmem>>, %arg11: memref<80x128xf32, #tpu.memory_space<vmem>>, %arg12: memref<80x128xf32, #tpu.memory_space<vmem>>, %arg13: memref<80x128xf32, #tpu.memory_space<vmem>>, %arg14: memref<10000xf32, #tpu.memory_space<vmem>>, %arg15: memref<!tpu.dma_semaphore, #tpu.memory_space<semaphore_mem>>, %arg16: memref<!tpu.dma_semaphore, #tpu.memory_space<semaphore_mem>>, %arg17: memref<!tpu.dma_semaphore, #tpu.memory_space<semaphore_mem>>, %arg18: memref<!tpu.dma_semaphore, #tpu.memory_space<semaphore_mem>>, %arg19: memref<!tpu.dma_semaphore, #tpu.memory_space<semaphore_mem>>, %arg20: memref<!tpu.dma_semaphore, #tpu.memory_space<semaphore_mem>>, %arg21: memref<!tpu.dma_semaphore, #tpu.memory_space<semaphore_mem>>, %arg22: memref<!tpu.dma_semaphore, #tpu.memory_space<semaphore_mem>>, %arg23: memref<10000x128xf32, #tpu.memory_space<vmem_shared>>) attributes {dimension_semantics = [#tpu.dimension_semantics<core_parallel>, #tpu.dimension_semantics<subcore_parallel>], iteration_bounds = array<i64: 2, 16>, scalar_prefetch = 0 : i64, scratch_operands = 17 : i64, tpu.core_type = #tpu.core_type<sc_vector_subcore>, window_params = [{transform_indices = #map}, {transform_indices = #map}, {transform_indices = #map1}, {transform_indices = #map2}, {transform_indices = #map1}]} {
    %mul3A = arith.constant 2 : i32
    %mul3A_0 = arith.muli %arg1, %mul3A : i32
    %add3A = arith.addi %mul3A_0, %arg0 : i32
    %broadcast_in_dim3A = arith.constant 0.000000e+00 : f32
    %broadcast_in_dim3A_1 = vector.broadcast %broadcast_in_dim3A : f32 to vector<16xf32>
    %broadcast_in_dim3A_2 = arith.constant 1.000000e+00 : f32
    %broadcast_in_dim3A_3 = vector.broadcast %broadcast_in_dim3A_2 : f32 to vector<16xf32>
    %scan3A = arith.constant 0 : i32
    %scan3A_4 = arith.constant 0 : i32
    %scan3A_5 = arith.constant 80 : i32
    %scan3A_6 = arith.addi %scan3A_4, %scan3A_5 : i32
    %scan3A_7 = arith.constant 1 : i32
    scf.for %scan3A_75 = %scan3A_4 to %scan3A_6 step %scan3A_7  : i32 {
      %swap3A = arith.index_cast %scan3A_75 : i32 to index
      %swap3A_76 = arith.constant 0 : index
      %swap3A_77 = tpu.vector_load %arg13[%swap3A, %swap3A_76] {strides = array<i32>} : memref<80x128xf32, #tpu.memory_space<vmem>>, vector<16xf32>,
      tpu.vector_store %arg13[%swap3A, %swap3A_76], %broadcast_in_dim3A_1 {strides = array<i32>} : memref<80x128xf32, #tpu.memory_space<vmem>>, vector<16xf32>,
      %swap3A_78 = arith.index_cast %scan3A_75 : i32 to index
      %swap3A_79 = arith.constant 16 : index
      %swap3A_80 = tpu.vector_load %arg13[%swap3A_78, %swap3A_79] {strides = array<i32>} : memref<80x128xf32, #tpu.memory_space<vmem>>, vector<16xf32>,
      tpu.vector_store %arg13[%swap3A_78, %swap3A_79], %broadcast_in_dim3A_1 {strides = array<i32>} : memref<80x128xf32, #tpu.memory_space<vmem>>, vector<16xf32>,
      %swap3A_81 = arith.index_cast %scan3A_75 : i32 to index
      %swap3A_82 = arith.constant 32 : index
      %swap3A_83 = tpu.vector_load %arg13[%swap3A_81, %swap3A_82] {strides = array<i32>} : memref<80x128xf32, #tpu.memory_space<vmem>>, vector<16xf32>,
      tpu.vector_store %arg13[%swap3A_81, %swap3A_82], %broadcast_in_dim3A_1 {strides = array<i32>} : memref<80x128xf32, #tpu.memory_space<vmem>>, vector<16xf32>,
      %swap3A_84 = arith.index_cast %scan3A_75 : i32 to index
      %swap3A_85 = arith.constant 48 : index
      %swap3A_86 = tpu.vector_load %arg13[%swap3A_84, %swap3A_85] {strides = array<i32>} : memref<80x128xf32, #tpu.memory_space<vmem>>, vector<16xf32>,
      tpu.vector_store %arg13[%swap3A_84, %swap3A_85], %broadcast_in_dim3A_1 {strides = array<i32>} : memref<80x128xf32, #tpu.memory_space<vmem>>, vector<16xf32>,
      %swap3A_87 = arith.index_cast %scan3A_75 : i32 to index
      %swap3A_88 = arith.constant 64 : index
      %swap3A_89 = tpu.vector_load %arg13[%swap3A_87, %swap3A_88] {strides = array<i32>} : memref<80x128xf32, #tpu.memory_space<vmem>>, vector<16xf32>,
      tpu.vector_store %arg13[%swap3A_87, %swap3A_88], %broadcast_in_dim3A_1 {strides = array<i32>} : memref<80x128xf32, #tpu.memory_space<vmem>>, vector<16xf32>,
      %swap3A_90 = arith.index_cast %scan3A_75 : i32 to index
      %swap3A_91 = arith.constant 80 : index
      %swap3A_92 = tpu.vector_load %arg13[%swap3A_90, %swap3A_91] {strides = array<i32>} : memref<80x128xf32, #tpu.memory_space<vmem>>, vector<16xf32>,
      tpu.vector_store %arg13[%swap3A_90, %swap3A_91], %broadcast_in_dim3A_1 {strides = array<i32>} : memref<80x128xf32, #tpu.memory_space<vmem>>, vector<16xf32>,
      %swap3A_93 = arith.index_cast %scan3A_75 : i32 to index
      %swap3A_94 = arith.constant 96 : index
      %swap3A_95 = tpu.vector_load %arg13[%swap3A_93, %swap3A_94] {strides = array<i32>} : memref<80x128xf32, #tpu.memory_space<vmem>>, vector<16xf32>,
      tpu.vector_store %arg13[%swap3A_93, %swap3A_94], %broadcast_in_dim3A_1 {strides = array<i32>} : memref<80x128xf32, #tpu.memory_space<vmem>>, vector<16xf32>,
      %swap3A_96 = arith.index_cast %scan3A_75 : i32 to index
      %swap3A_97 = arith.constant 112 : index
      %swap3A_98 = tpu.vector_load %arg13[%swap3A_96, %swap3A_97] {strides = array<i32>} : memref<80x128xf32, #tpu.memory_space<vmem>>, vector<16xf32>,
      tpu.vector_store %arg13[%swap3A_96, %swap3A_97], %broadcast_in_dim3A_1 {strides = array<i32>} : memref<80x128xf32, #tpu.memory_space<vmem>>, vector<16xf32>,
    }
    %scan3A_8 = arith.constant 80 : i32
    %scan3A_9 = arith.constant 0 : i32
    %scan3A_10 = arith.constant 0 : i32
    %scan3A_11 = arith.constant 625 : i32
    %scan3A_12 = arith.addi %scan3A_10, %scan3A_11 : i32
    %scan3A_13 = arith.constant 1 : i32
    scf.for %scan3A_75 = %scan3A_10 to %scan3A_12 step %scan3A_13  : i32 {
      %mul3A_76 = arith.constant 16 : i32
      %mul3A_77 = arith.muli %scan3A_75, %mul3A_76 : i32
      %multiple_of3A_78 = tpu.assume_multiple %mul3A_77, 16 : i32
      %swap3A = arith.index_cast %multiple_of3A_78 : i32 to index
      %swap3A_79 = tpu.vector_load %arg14[%swap3A] {strides = array<i32>} : memref<10000xf32, #tpu.memory_space<vmem>>, vector<16xf32>,
      tpu.vector_store %arg14[%swap3A], %broadcast_in_dim3A_1 {strides = array<i32>} : memref<10000xf32, #tpu.memory_space<vmem>>, vector<16xf32>,
    }
    %scan3A_14 = arith.constant 625 : i32
    %lt3A = arith.constant 13 : i32
    %lt3A_15 = arith.cmpi slt, %arg1, %lt3A : i32
    %jit3A = arith.constant 8 : i32
    %jit3A_16 = arith.constant 7 : i32
    %select_n3A = arith.select %lt3A_15, %jit3A, %jit3A_16 : i32
    %while3A = arith.constant 0 : i32
    %while3A_17 = arith.constant 0 : i32
    %while3A_18 = arith.subi %select_n3A, %while3A_17 : i32
    %while3A_19 = arith.addi %while3A_17, %while3A_18 : i32
    %while3A_20 = arith.constant 1 : i32
    %while3A_21 = arith.divsi %while3A_18, %while3A_20 : i32
    %while3A_22 = arith.muli %while3A_21, %while3A_20 : i32
    %while3A_23 = arith.addi %while3A_17, %while3A_22 : i32
    %while3A_24 = arith.constant 1 : i32
    scf.for %while3A_75 = %while3A_17 to %while3A_23 step %while3A_24  : i32 {
      %mul3A_76 = arith.constant 16 : i32
      %mul3A_77 = arith.muli %mul3A_76, %while3A_75 : i32
      %add3A_78 = arith.addi %arg1, %mul3A_77 : i32
      %mul3A_79 = arith.constant 80 : i32
      %mul3A_80 = arith.muli %add3A_78, %mul3A_79 : i32
      %multiple_of3A_81 = tpu.assume_multiple %mul3A_80, 8 : i32
      "tpu.region"() ({
        %run_scoped3A = tpu.sem_alloc : memref<!tpu.dma_semaphore, #tpu.memory_space<semaphore_mem>>
        %dma_start3A_82 = arith.constant 0 : i32
        %dma_start3A_83 = tpu.memref_slice %arg23[%multiple_of3A_81, %dma_start3A_82] : memref<10000x128xf32, #tpu.memory_space<vmem_shared>> -> memref<80x128xf32, #tpu.memory_space<vmem_shared>>
        %dma_start3A_84 = arith.constant 0 : i32
        %dma_start3A_85 = tpu.memref_slice %arg23[%multiple_of3A_81, %dma_start3A_84] : memref<10000x128xf32, #tpu.memory_space<vmem_shared>> -> memref<80x128xf32, #tpu.memory_space<vmem_shared>>
        tpu.enqueue_dma source(%arg13 : memref<80x128xf32, #tpu.memory_space<vmem>>) target(%dma_start3A_85 : memref<80x128xf32, #tpu.memory_space<vmem_shared>>) target_semaphore(%run_scoped3A : memref<!tpu.dma_semaphore, #tpu.memory_space<semaphore_mem>>)
        %dma_wait3A_86 = arith.constant 0 : i32
        %dma_wait3A_87 = tpu.memref_slice %arg23[%multiple_of3A_81, %dma_wait3A_86] : memref<10000x128xf32, #tpu.memory_space<vmem_shared>> -> memref<80x128xf32, #tpu.memory_space<vmem_shared>>
        %dma_wait3A_88 = arith.constant 0 : i32
        %dma_wait3A_89 = tpu.memref_slice %arg23[%multiple_of3A_81, %dma_wait3A_88] : memref<10000x128xf32, #tpu.memory_space<vmem_shared>> -> memref<80x128xf32, #tpu.memory_space<vmem_shared>>
        tpu.wait_dma2 semaphore(%run_scoped3A : memref<!tpu.dma_semaphore, #tpu.memory_space<semaphore_mem>>) src(%arg13 : memref<80x128xf32, #tpu.memory_space<vmem>>) dst(%dma_wait3A_89 : memref<80x128xf32, #tpu.memory_space<vmem_shared>>)
        tpu.yield
      }) : () -> ()
    }
    %while3A_25 = arith.constant 1 : i32
    scf.for %while3A_75 = %while3A_23 to %while3A_19 step %while3A_25  : i32 {
      %mul3A_76 = arith.constant 16 : i32
      %mul3A_77 = arith.muli %mul3A_76, %while3A_75 : i32
      %add3A_78 = arith.addi %arg1, %mul3A_77 : i32
      %mul3A_79 = arith.constant 80 : i32
      %mul3A_80 = arith.muli %add3A_78, %mul3A_79 : i32
      %multiple_of3A_81 = tpu.assume_multiple %mul3A_80, 8 : i32
      "tpu.region"() ({
        %run_scoped3A = tpu.sem_alloc : memref<!tpu.dma_semaphore, #tpu.memory_space<semaphore_mem>>
        %dma_start3A_82 = arith.constant 0 : i32
        %dma_start3A_83 = tpu.memref_slice %arg23[%multiple_of3A_81, %dma_start3A_82] : memref<10000x128xf32, #tpu.memory_space<vmem_shared>> -> memref<80x128xf32, #tpu.memory_space<vmem_shared>>
        %dma_start3A_84 = arith.constant 0 : i32
        %dma_start3A_85 = tpu.memref_slice %arg23[%multiple_of3A_81, %dma_start3A_84] : memref<10000x128xf32, #tpu.memory_space<vmem_shared>> -> memref<80x128xf32, #tpu.memory_space<vmem_shared>>
        tpu.enqueue_dma source(%arg13 : memref<80x128xf32, #tpu.memory_space<vmem>>) target(%dma_start3A_85 : memref<80x128xf32, #tpu.memory_space<vmem_shared>>) target_semaphore(%run_scoped3A : memref<!tpu.dma_semaphore, #tpu.memory_space<semaphore_mem>>)
        %dma_wait3A_86 = arith.constant 0 : i32
        %dma_wait3A_87 = tpu.memref_slice %arg23[%multiple_of3A_81, %dma_wait3A_86] : memref<10000x128xf32, #tpu.memory_space<vmem_shared>> -> memref<80x128xf32, #tpu.memory_space<vmem_shared>>
        %dma_wait3A_88 = arith.constant 0 : i32
        %dma_wait3A_89 = tpu.memref_slice %arg23[%multiple_of3A_81, %dma_wait3A_88] : memref<10000x128xf32, #tpu.memory_space<vmem_shared>> -> memref<80x128xf32, #tpu.memory_space<vmem_shared>>
        tpu.wait_dma2 semaphore(%run_scoped3A : memref<!tpu.dma_semaphore, #tpu.memory_space<semaphore_mem>>) src(%arg13 : memref<80x128xf32, #tpu.memory_space<vmem>>) dst(%dma_wait3A_89 : memref<80x128xf32, #tpu.memory_space<vmem_shared>>)
        tpu.yield
      }) : () -> ()
    }
    %barrier3A = arith.constant 0 : index
    tpu.barrier barrier_id(%barrier3A)
    %mul3A_26 = arith.constant 160000 : i32
    %mul3A_27 = arith.muli %arg0, %mul3A_26 : i32
    %mul3A_28 = arith.constant 10000 : i32
    %mul3A_29 = arith.muli %arg1, %mul3A_28 : i32
    %add3A_30 = arith.addi %mul3A_27, %mul3A_29 : i32
    %add3A_31 = arith.constant 0 : i32
    %add3A_32 = arith.addi %add3A_30, %add3A_31 : i32
    %multiple_of3A = tpu.assume_multiple %add3A_32, 8 : i32
    %dma_start3A = tpu.memref_slice %arg2[%multiple_of3A] : memref<320000xi32, #tpu.memory_space<hbm>> -> memref<80xi32, #tpu.memory_space<hbm>>
    %dma_start3A_33 = tpu.memref_slice %arg2[%multiple_of3A] : memref<320000xi32, #tpu.memory_space<hbm>> -> memref<80xi32, #tpu.memory_space<hbm>>
    tpu.enqueue_dma source(%dma_start3A_33 : memref<80xi32, #tpu.memory_space<hbm>>) target(%arg7 : memref<80xi32, #tpu.memory_space<vmem>>) target_semaphore(%arg15 : memref<!tpu.dma_semaphore, #tpu.memory_space<semaphore_mem>>)
    %add3A_34 = arith.constant 80 : i32
    %add3A_35 = arith.addi %add3A_30, %add3A_34 : i32
    %multiple_of3A_36 = tpu.assume_multiple %add3A_35, 8 : i32
    %dma_start3A_37 = tpu.memref_slice %arg2[%multiple_of3A_36] : memref<320000xi32, #tpu.memory_space<hbm>> -> memref<80xi32, #tpu.memory_space<hbm>>
    %dma_start3A_38 = tpu.memref_slice %arg2[%multiple_of3A_36] : memref<320000xi32, #tpu.memory_space<hbm>> -> memref<80xi32, #tpu.memory_space<hbm>>
    tpu.enqueue_dma source(%dma_start3A_38 : memref<80xi32, #tpu.memory_space<hbm>>) target(%arg9 : memref<80xi32, #tpu.memory_space<vmem>>) target_semaphore(%arg16 : memref<!tpu.dma_semaphore, #tpu.memory_space<semaphore_mem>>)
    %add3A_39 = arith.constant 0 : i32
    %add3A_40 = arith.addi %add3A_30, %add3A_39 : i32
    %multiple_of3A_41 = tpu.assume_multiple %add3A_40, 8 : i32
    %dma_start3A_42 = tpu.memref_slice %arg3[%multiple_of3A_41] : memref<320000xi32, #tpu.memory_space<hbm>> -> memref<80xi32, #tpu.memory_space<hbm>>
    %dma_start3A_43 = tpu.memref_slice %arg3[%multiple_of3A_41] : memref<320000xi32, #tpu.memory_space<hbm>> -> memref<80xi32, #tpu.memory_space<hbm>>
    tpu.enqueue_dma source(%dma_start3A_43 : memref<80xi32, #tpu.memory_space<hbm>>) target(%arg8 : memref<80xi32, #tpu.memory_space<vmem>>) target_semaphore(%arg17 : memref<!tpu.dma_semaphore, #tpu.memory_space<semaphore_mem>>)
    %dma_wait3A = arith.constant 0 : i32
    %dma_wait3A_44 = tpu.memref_slice %arg2[%dma_wait3A] : memref<320000xi32, #tpu.memory_space<hbm>> -> memref<80xi32, #tpu.memory_space<hbm>>
    %dma_wait3A_45 = arith.constant 0 : i32
    %dma_wait3A_46 = tpu.memref_slice %arg2[%dma_wait3A_45] : memref<320000xi32, #tpu.memory_space<hbm>> -> memref<80xi32, #tpu.memory_space<hbm>>
    tpu.wait_dma2 semaphore(%arg15 : memref<!tpu.dma_semaphore, #tpu.memory_space<semaphore_mem>>) src(%dma_wait3A_46 : memref<80xi32, #tpu.memory_space<hbm>>) dst(%arg7 : memref<80xi32, #tpu.memory_space<vmem>>)
    %dma_start3A_47 = arith.constant 0 : i32
    %dma_start3A_48 = arith.constant 0 : i32
    %dma_start3A_49 = tpu.memref_slice %arg4[%dma_start3A_47, %dma_start3A_48] : memref<10000x128xf32, #tpu.memory_space<hbm>> -> memref<10000x128xf32, #tpu.memory_space<hbm>>
    tpu.enqueue_indirect_dma source(%dma_start3A_49 : memref<10000x128xf32, #tpu.memory_space<hbm>>) target(%arg11 : memref<80x128xf32, #tpu.memory_space<vmem>>) offsets(%arg7 : memref<80xi32, #tpu.memory_space<vmem>>) semaphore(%arg19 : memref<!tpu.dma_semaphore, #tpu.memory_space<semaphore_mem>>)
    %scan3A_50 = arith.constant 0 : i32
    %scan3A_51 = arith.constant 0 : i32
    %scan3A_52 = arith.constant 63 : i32
    %scan3A_53 = arith.addi %scan3A_51, %scan3A_52 : i32
    %scan3A_54 = arith.constant 1 : i32
    scf.for %scan3A_75 = %scan3A_51 to %scan3A_53 step %scan3A_54  : i32 {
      %mul3A_76 = arith.constant 2 : i32
      %mul3A_77 = arith.muli %scan3A_75, %mul3A_76 : i32
      %add3A_78 = arith.constant 0 : i32
      %add3A_79 = arith.addi %mul3A_77, %add3A_78 : i32
      %lt3A_80 = arith.constant 125 : i32
      %lt3A_81 = arith.cmpi slt, %add3A_79, %lt3A_80 : i32
      %convert_element_type3A = arith.extui %lt3A_81 : i1 to i32
      %cond3A = arith.constant 0 : i32
      %cond3A_82 = arith.cmpi ne, %convert_element_type3A, %cond3A : i32
      scf.if %cond3A_82 {
        %ge3A = arith.constant 1 : i32
        %ge3A_90 = arith.cmpi sge, %add3A_79, %ge3A : i32
        %convert_element_type3A_91 = arith.extui %ge3A_90 : i1 to i32
        %cond3A_92 = arith.constant 0 : i32
        %cond3A_93 = arith.cmpi ne, %convert_element_type3A_91, %cond3A_92 : i32
        scf.if %cond3A_93 {
          %dma_wait3A_127 = arith.constant 0 : i32
          %dma_wait3A_128 = arith.constant 0 : i32
          %dma_wait3A_129 = tpu.memref_slice %arg23[%dma_wait3A_127, %dma_wait3A_128] : memref<10000x128xf32, #tpu.memory_space<vmem_shared>> -> memref<10000x128xf32, #tpu.memory_space<vmem_shared>>
          tpu.wait_indirect_dma semaphore(%arg22 : memref<!tpu.dma_semaphore, #tpu.memory_space<semaphore_mem>>) src(%arg12 : memref<80x128xf32, #tpu.memory_space<vmem>>) dst(%dma_wait3A_129 : memref<10000x128xf32, #tpu.memory_space<vmem_shared>>)
        } else {
        }
        %add3A_94 = arith.constant 1 : i32
        %add3A_95 = arith.addi %add3A_79, %add3A_94 : i32
        %lt3A_96 = arith.constant 125 : i32
        %lt3A_97 = arith.cmpi slt, %add3A_95, %lt3A_96 : i32
        %convert_element_type3A_98 = arith.extui %lt3A_97 : i1 to i32
        %cond3A_99 = arith.constant 0 : i32
        %cond3A_100 = arith.cmpi ne, %convert_element_type3A_98, %cond3A_99 : i32
        scf.if %cond3A_100 {
          %dma_wait3A_127 = arith.constant 0 : i32
          %dma_wait3A_128 = tpu.memref_slice %arg2[%dma_wait3A_127] : memref<320000xi32, #tpu.memory_space<hbm>> -> memref<80xi32, #tpu.memory_space<hbm>>
          %dma_wait3A_129 = arith.constant 0 : i32
          %dma_wait3A_130 = tpu.memref_slice %arg2[%dma_wait3A_129] : memref<320000xi32, #tpu.memory_space<hbm>> -> memref<80xi32, #tpu.memory_space<hbm>>
          tpu.wait_dma2 semaphore(%arg16 : memref<!tpu.dma_semaphore, #tpu.memory_space<semaphore_mem>>) src(%dma_wait3A_130 : memref<80xi32, #tpu.memory_space<hbm>>) dst(%arg9 : memref<80xi32, #tpu.memory_space<vmem>>)
          %dma_start3A_131 = arith.constant 0 : i32
          %dma_start3A_132 = arith.constant 0 : i32
          %dma_start3A_133 = tpu.memref_slice %arg4[%dma_start3A_131, %dma_start3A_132] : memref<10000x128xf32, #tpu.memory_space<hbm>> -> memref<10000x128xf32, #tpu.memory_space<hbm>>
          tpu.enqueue_indirect_dma source(%dma_start3A_133 : memref<10000x128xf32, #tpu.memory_space<hbm>>) target(%arg12 : memref<80x128xf32, #tpu.memory_space<vmem>>) offsets(%arg9 : memref<80xi32, #tpu.memory_space<vmem>>) semaphore(%arg20 : memref<!tpu.dma_semaphore, #tpu.memory_space<semaphore_mem>>)
          %add3A_134 = arith.constant 1 : i32
          %add3A_135 = arith.addi %add3A_79, %add3A_134 : i32
          %mul3A_136 = arith.constant 80 : i32
          %mul3A_137 = arith.muli %add3A_135, %mul3A_136 : i32
          %add3A_138 = arith.addi %add3A_30, %mul3A_137 : i32
          %multiple_of3A_139 = tpu.assume_multiple %add3A_138, 8 : i32
          %dma_start3A_140 = tpu.memref_slice %arg3[%multiple_of3A_139] : memref<320000xi32, #tpu.memory_space<hbm>> -> memref<80xi32, #tpu.memory_space<hbm>>
          %dma_start3A_141 = tpu.memref_slice %arg3[%multiple_of3A_139] : memref<320000xi32, #tpu.memory_space<hbm>> -> memref<80xi32, #tpu.memory_space<hbm>>
          tpu.enqueue_dma source(%dma_start3A_141 : memref<80xi32, #tpu.memory_space<hbm>>) target(%arg10 : memref<80xi32, #tpu.memory_space<vmem>>) target_semaphore(%arg18 : memref<!tpu.dma_semaphore, #tpu.memory_space<semaphore_mem>>)
        } else {
        }
        %dma_wait3A_101 = arith.constant 0 : i32
        %dma_wait3A_102 = arith.constant 0 : i32
        %dma_wait3A_103 = tpu.memref_slice %arg4[%dma_wait3A_101, %dma_wait3A_102] : memref<10000x128xf32, #tpu.memory_space<hbm>> -> memref<80x128xf32, #tpu.memory_space<hbm>>
        %dma_wait3A_104 = arith.constant 0 : i32
        %dma_wait3A_105 = arith.constant 0 : i32
        %dma_wait3A_106 = tpu.memref_slice %arg4[%dma_wait3A_104, %dma_wait3A_105] : memref<10000x128xf32, #tpu.memory_space<hbm>> -> memref<80x128xf32, #tpu.memory_space<hbm>>
        tpu.wait_dma2 semaphore(%arg19 : memref<!tpu.dma_semaphore, #tpu.memory_space<semaphore_mem>>) src(%dma_wait3A_106 : memref<80x128xf32, #tpu.memory_space<hbm>>) dst(%arg11 : memref<80x128xf32, #tpu.memory_space<vmem>>)
        %dma_wait3A_107 = arith.constant 0 : i32
        %dma_wait3A_108 = tpu.memref_slice %arg3[%dma_wait3A_107] : memref<320000xi32, #tpu.memory_space<hbm>> -> memref<80xi32, #tpu.memory_space<hbm>>
        %dma_wait3A_109 = arith.constant 0 : i32
        %dma_wait3A_110 = tpu.memref_slice %arg3[%dma_wait3A_109] : memref<320000xi32, #tpu.memory_space<hbm>> -> memref<80xi32, #tpu.memory_space<hbm>>
        tpu.wait_dma2 semaphore(%arg17 : memref<!tpu.dma_semaphore, #tpu.memory_space<semaphore_mem>>) src(%dma_wait3A_110 : memref<80xi32, #tpu.memory_space<hbm>>) dst(%arg8 : memref<80xi32, #tpu.memory_space<vmem>>)
        %dma_start3A_111 = arith.constant 0 : i32
        %dma_start3A_112 = arith.constant 0 : i32
        %dma_start3A_113 = tpu.memref_slice %arg23[%dma_start3A_111, %dma_start3A_112] : memref<10000x128xf32, #tpu.memory_space<vmem_shared>> -> memref<10000x128xf32, #tpu.memory_space<vmem_shared>>
        tpu.enqueue_indirect_dma source(%arg11 : memref<80x128xf32, #tpu.memory_space<vmem>>) target(%dma_start3A_113 : memref<10000x128xf32, #tpu.memory_space<vmem_shared>>) offsets(%arg8 : memref<80xi32, #tpu.memory_space<vmem>>) semaphore(%arg21 : memref<!tpu.dma_semaphore, #tpu.memory_space<semaphore_mem>>) {add = true}
        %scan3A_114 = arith.constant 0 : i32
        %scan3A_115 = arith.constant 0 : i32
        %scan3A_116 = arith.constant 5 : i32
        %scan3A_117 = arith.addi %scan3A_115, %scan3A_116 : i32
        %scan3A_118 = arith.constant 1 : i32
        scf.for %scan3A_127 = %scan3A_115 to %scan3A_117 step %scan3A_118  : i32 {
          %mul3A_128 = arith.constant 16 : i32
          %mul3A_129 = arith.muli %scan3A_127, %mul3A_128 : i32
          %multiple_of3A_130 = tpu.assume_multiple %mul3A_129, 16 : i32
          %get3A = arith.index_cast %multiple_of3A_130 : i32 to index
          %get3A_131 = tpu.vector_load %arg8[%get3A] {strides = array<i32>} : memref<80xi32, #tpu.memory_space<vmem>>, vector<16xi32>,
          tpu.vector_store_idx %arg14[%get3A_131], %broadcast_in_dim3A_3 {add = true} : memref<10000xf32, #tpu.memory_space<vmem>>[vector<16xi32>], vector<16xf32>,
        }
        %scan3A_119 = arith.constant 5 : i32
        %add3A_120 = arith.constant 2 : i32
        %add3A_121 = arith.addi %add3A_79, %add3A_120 : i32
        %lt3A_122 = arith.constant 125 : i32
        %lt3A_123 = arith.cmpi slt, %add3A_121, %lt3A_122 : i32
        %convert_element_type3A_124 = arith.extui %lt3A_123 : i1 to i32
        %cond3A_125 = arith.constant 0 : i32
        %cond3A_126 = arith.cmpi ne, %convert_element_type3A_124, %cond3A_125 : i32
        scf.if %cond3A_126 {
          %add3A_127 = arith.constant 2 : i32
          %add3A_128 = arith.addi %add3A_79, %add3A_127 : i32
          %mul3A_129 = arith.constant 80 : i32
          %mul3A_130 = arith.muli %add3A_128, %mul3A_129 : i32
          %add3A_131 = arith.addi %add3A_30, %mul3A_130 : i32
          %multiple_of3A_132 = tpu.assume_multiple %add3A_131, 8 : i32
          %dma_start3A_133 = tpu.memref_slice %arg2[%multiple_of3A_132] : memref<320000xi32, #tpu.memory_space<hbm>> -> memref<80xi32, #tpu.memory_space<hbm>>
          %dma_start3A_134 = tpu.memref_slice %arg2[%multiple_of3A_132] : memref<320000xi32, #tpu.memory_space<hbm>> -> memref<80xi32, #tpu.memory_space<hbm>>
          tpu.enqueue_dma source(%dma_start3A_134 : memref<80xi32, #tpu.memory_space<hbm>>) target(%arg7 : memref<80xi32, #tpu.memory_space<vmem>>) target_semaphore(%arg15 : memref<!tpu.dma_semaphore, #tpu.memory_space<semaphore_mem>>)
        } else {
        }
      } else {
      }
      %add3A_83 = arith.constant 1 : i32
      %add3A_84 = arith.addi %mul3A_77, %add3A_83 : i32
      %lt3A_85 = arith.constant 125 : i32
      %lt3A_86 = arith.cmpi slt, %add3A_84, %lt3A_85 : i32
      %convert_element_type3A_87 = arith.extui %lt3A_86 : i1 to i32
      %cond3A_88 = arith.constant 0 : i32
      %cond3A_89 = arith.cmpi ne, %convert_element_type3A_87, %cond3A_88 : i32
      scf.if %cond3A_89 {
        %ge3A = arith.constant 1 : i32
        %ge3A_90 = arith.cmpi sge, %add3A_84, %ge3A : i32
        %convert_element_type3A_91 = arith.extui %ge3A_90 : i1 to i32
        %cond3A_92 = arith.constant 0 : i32
        %cond3A_93 = arith.cmpi ne, %convert_element_type3A_91, %cond3A_92 : i32
        scf.if %cond3A_93 {
          %dma_wait3A_127 = arith.constant 0 : i32
          %dma_wait3A_128 = arith.constant 0 : i32
          %dma_wait3A_129 = tpu.memref_slice %arg23[%dma_wait3A_127, %dma_wait3A_128] : memref<10000x128xf32, #tpu.memory_space<vmem_shared>> -> memref<10000x128xf32, #tpu.memory_space<vmem_shared>>
          tpu.wait_indirect_dma semaphore(%arg21 : memref<!tpu.dma_semaphore, #tpu.memory_space<semaphore_mem>>) src(%arg11 : memref<80x128xf32, #tpu.memory_space<vmem>>) dst(%dma_wait3A_129 : memref<10000x128xf32, #tpu.memory_space<vmem_shared>>)
        } else {
        }
        %add3A_94 = arith.constant 1 : i32
        %add3A_95 = arith.addi %add3A_84, %add3A_94 : i32
        %lt3A_96 = arith.constant 125 : i32
        %lt3A_97 = arith.cmpi slt, %add3A_95, %lt3A_96 : i32
        %convert_element_type3A_98 = arith.extui %lt3A_97 : i1 to i32
        %cond3A_99 = arith.constant 0 : i32
        %cond3A_100 = arith.cmpi ne, %convert_element_type3A_98, %cond3A_99 : i32
        scf.if %cond3A_100 {
          %dma_wait3A_127 = arith.constant 0 : i32
          %dma_wait3A_128 = tpu.memref_slice %arg2[%dma_wait3A_127] : memref<320000xi32, #tpu.memory_space<hbm>> -> memref<80xi32, #tpu.memory_space<hbm>>
          %dma_wait3A_129 = arith.constant 0 : i32
          %dma_wait3A_130 = tpu.memref_slice %arg2[%dma_wait3A_129] : memref<320000xi32, #tpu.memory_space<hbm>> -> memref<80xi32, #tpu.memory_space<hbm>>
          tpu.wait_dma2 semaphore(%arg15 : memref<!tpu.dma_semaphore, #tpu.memory_space<semaphore_mem>>) src(%dma_wait3A_130 : memref<80xi32, #tpu.memory_space<hbm>>) dst(%arg7 : memref<80xi32, #tpu.memory_space<vmem>>)
          %dma_start3A_131 = arith.constant 0 : i32
          %dma_start3A_132 = arith.constant 0 : i32
          %dma_start3A_133 = tpu.memref_slice %arg4[%dma_start3A_131, %dma_start3A_132] : memref<10000x128xf32, #tpu.memory_space<hbm>> -> memref<10000x128xf32, #tpu.memory_space<hbm>>
          tpu.enqueue_indirect_dma source(%dma_start3A_133 : memref<10000x128xf32, #tpu.memory_space<hbm>>) target(%arg11 : memref<80x128xf32, #tpu.memory_space<vmem>>) offsets(%arg7 : memref<80xi32, #tpu.memory_space<vmem>>) semaphore(%arg19 : memref<!tpu.dma_semaphore, #tpu.memory_space<semaphore_mem>>)
          %add3A_134 = arith.constant 1 : i32
          %add3A_135 = arith.addi %add3A_84, %add3A_134 : i32
          %mul3A_136 = arith.constant 80 : i32
          %mul3A_137 = arith.muli %add3A_135, %mul3A_136 : i32
          %add3A_138 = arith.addi %add3A_30, %mul3A_137 : i32
          %multiple_of3A_139 = tpu.assume_multiple %add3A_138, 8 : i32
          %dma_start3A_140 = tpu.memref_slice %arg3[%multiple_of3A_139] : memref<320000xi32, #tpu.memory_space<hbm>> -> memref<80xi32, #tpu.memory_space<hbm>>
          %dma_start3A_141 = tpu.memref_slice %arg3[%multiple_of3A_139] : memref<320000xi32, #tpu.memory_space<hbm>> -> memref<80xi32, #tpu.memory_space<hbm>>
          tpu.enqueue_dma source(%dma_start3A_141 : memref<80xi32, #tpu.memory_space<hbm>>) target(%arg8 : memref<80xi32, #tpu.memory_space<vmem>>) target_semaphore(%arg17 : memref<!tpu.dma_semaphore, #tpu.memory_space<semaphore_mem>>)
        } else {
        }
        %dma_wait3A_101 = arith.constant 0 : i32
        %dma_wait3A_102 = arith.constant 0 : i32
        %dma_wait3A_103 = tpu.memref_slice %arg4[%dma_wait3A_101, %dma_wait3A_102] : memref<10000x128xf32, #tpu.memory_space<hbm>> -> memref<80x128xf32, #tpu.memory_space<hbm>>
        %dma_wait3A_104 = arith.constant 0 : i32
        %dma_wait3A_105 = arith.constant 0 : i32
        %dma_wait3A_106 = tpu.memref_slice %arg4[%dma_wait3A_104, %dma_wait3A_105] : memref<10000x128xf32, #tpu.memory_space<hbm>> -> memref<80x128xf32, #tpu.memory_space<hbm>>
        tpu.wait_dma2 semaphore(%arg20 : memref<!tpu.dma_semaphore, #tpu.memory_space<semaphore_mem>>) src(%dma_wait3A_106 : memref<80x128xf32, #tpu.memory_space<hbm>>) dst(%arg12 : memref<80x128xf32, #tpu.memory_space<vmem>>)
        %dma_wait3A_107 = arith.constant 0 : i32
        %dma_wait3A_108 = tpu.memref_slice %arg3[%dma_wait3A_107] : memref<320000xi32, #tpu.memory_space<hbm>> -> memref<80xi32, #tpu.memory_space<hbm>>
        %dma_wait3A_109 = arith.constant 0 : i32
        %dma_wait3A_110 = tpu.memref_slice %arg3[%dma_wait3A_109] : memref<320000xi32, #tpu.memory_space<hbm>> -> memref<80xi32, #tpu.memory_space<hbm>>
        tpu.wait_dma2 semaphore(%arg18 : memref<!tpu.dma_semaphore, #tpu.memory_space<semaphore_mem>>) src(%dma_wait3A_110 : memref<80xi32, #tpu.memory_space<hbm>>) dst(%arg10 : memref<80xi32, #tpu.memory_space<vmem>>)
        %dma_start3A_111 = arith.constant 0 : i32
        %dma_start3A_112 = arith.constant 0 : i32
        %dma_start3A_113 = tpu.memref_slice %arg23[%dma_start3A_111, %dma_start3A_112] : memref<10000x128xf32, #tpu.memory_space<vmem_shared>> -> memref<10000x128xf32, #tpu.memory_space<vmem_shared>>
        tpu.enqueue_indirect_dma source(%arg12 : memref<80x128xf32, #tpu.memory_space<vmem>>) target(%dma_start3A_113 : memref<10000x128xf32, #tpu.memory_space<vmem_shared>>) offsets(%arg10 : memref<80xi32, #tpu.memory_space<vmem>>) semaphore(%arg22 : memref<!tpu.dma_semaphore, #tpu.memory_space<semaphore_mem>>) {add = true}
        %scan3A_114 = arith.constant 0 : i32
        %scan3A_115 = arith.constant 0 : i32
        %scan3A_116 = arith.constant 5 : i32
        %scan3A_117 = arith.addi %scan3A_115, %scan3A_116 : i32
        %scan3A_118 = arith.constant 1 : i32
        scf.for %scan3A_127 = %scan3A_115 to %scan3A_117 step %scan3A_118  : i32 {
          %mul3A_128 = arith.constant 16 : i32
          %mul3A_129 = arith.muli %scan3A_127, %mul3A_128 : i32
          %multiple_of3A_130 = tpu.assume_multiple %mul3A_129, 16 : i32
          %get3A = arith.index_cast %multiple_of3A_130 : i32 to index
          %get3A_131 = tpu.vector_load %arg10[%get3A] {strides = array<i32>} : memref<80xi32, #tpu.memory_space<vmem>>, vector<16xi32>,
          tpu.vector_store_idx %arg14[%get3A_131], %broadcast_in_dim3A_3 {add = true} : memref<10000xf32, #tpu.memory_space<vmem>>[vector<16xi32>], vector<16xf32>,
        }
        %scan3A_119 = arith.constant 5 : i32
        %add3A_120 = arith.constant 2 : i32
        %add3A_121 = arith.addi %add3A_84, %add3A_120 : i32
        %lt3A_122 = arith.constant 125 : i32
        %lt3A_123 = arith.cmpi slt, %add3A_121, %lt3A_122 : i32
        %convert_element_type3A_124 = arith.extui %lt3A_123 : i1 to i32
        %cond3A_125 = arith.constant 0 : i32
        %cond3A_126 = arith.cmpi ne, %convert_element_type3A_124, %cond3A_125 : i32
        scf.if %cond3A_126 {
          %add3A_127 = arith.constant 2 : i32
          %add3A_128 = arith.addi %add3A_84, %add3A_127 : i32
          %mul3A_129 = arith.constant 80 : i32
          %mul3A_130 = arith.muli %add3A_128, %mul3A_129 : i32
          %add3A_131 = arith.addi %add3A_30, %mul3A_130 : i32
          %multiple_of3A_132 = tpu.assume_multiple %add3A_131, 8 : i32
          %dma_start3A_133 = tpu.memref_slice %arg2[%multiple_of3A_132] : memref<320000xi32, #tpu.memory_space<hbm>> -> memref<80xi32, #tpu.memory_space<hbm>>
          %dma_start3A_134 = tpu.memref_slice %arg2[%multiple_of3A_132] : memref<320000xi32, #tpu.memory_space<hbm>> -> memref<80xi32, #tpu.memory_space<hbm>>
          tpu.enqueue_dma source(%dma_start3A_134 : memref<80xi32, #tpu.memory_space<hbm>>) target(%arg9 : memref<80xi32, #tpu.memory_space<vmem>>) target_semaphore(%arg16 : memref<!tpu.dma_semaphore, #tpu.memory_space<semaphore_mem>>)
        } else {
        }
      } else {
      }
    }
    %scan3A_55 = arith.constant 63 : i32
    %dma_wait3A_56 = arith.constant 0 : i32
    %dma_wait3A_57 = arith.constant 0 : i32
    %dma_wait3A_58 = tpu.memref_slice %arg23[%dma_wait3A_56, %dma_wait3A_57] : memref<10000x128xf32, #tpu.memory_space<vmem_shared>> -> memref<10000x128xf32, #tpu.memory_space<vmem_shared>>
    tpu.wait_indirect_dma semaphore(%arg21 : memref<!tpu.dma_semaphore, #tpu.memory_space<semaphore_mem>>) src(%arg11 : memref<80x128xf32, #tpu.memory_space<vmem>>) dst(%dma_wait3A_58 : memref<10000x128xf32, #tpu.memory_space<vmem_shared>>)
    %barrier3A_59 = arith.constant 0 : index
    tpu.barrier barrier_id(%barrier3A_59)
    %lt3A_60 = arith.constant 13 : i32
    %lt3A_61 = arith.cmpi slt, %arg1, %lt3A_60 : i32
    %jit3A_62 = arith.constant 8 : i32
    %jit3A_63 = arith.constant 7 : i32
    %select_n3A_64 = arith.select %lt3A_61, %jit3A_62, %jit3A_63 : i32
    %while3A_65 = arith.constant 0 : i32
    %while3A_66 = arith.constant 0 : i32
    %while3A_67 = arith.subi %select_n3A_64, %while3A_66 : i32
    %while3A_68 = arith.addi %while3A_66, %while3A_67 : i32
    %while3A_69 = arith.constant 1 : i32
    %while3A_70 = arith.divsi %while3A_67, %while3A_69 : i32
    %while3A_71 = arith.muli %while3A_70, %while3A_69 : i32
    %while3A_72 = arith.addi %while3A_66, %while3A_71 : i32
    %while3A_73 = arith.constant 1 : i32
    scf.for %while3A_75 = %while3A_66 to %while3A_72 step %while3A_73  : i32 {
      %mul3A_76 = arith.constant 16 : i32
      %mul3A_77 = arith.muli %mul3A_76, %while3A_75 : i32
      %add3A_78 = arith.addi %arg1, %mul3A_77 : i32
      %mul3A_79 = arith.constant 80 : i32
      %mul3A_80 = arith.muli %add3A_78, %mul3A_79 : i32
      %multiple_of3A_81 = tpu.assume_multiple %mul3A_80, 8 : i32
      "tpu.region"() ({
        %run_scoped3A = tpu.sem_alloc : memref<!tpu.dma_semaphore, #tpu.memory_space<semaphore_mem>>
        %dma_start3A_82 = arith.constant 0 : i32
        %dma_start3A_83 = tpu.memref_slice %arg23[%multiple_of3A_81, %dma_start3A_82] : memref<10000x128xf32, #tpu.memory_space<vmem_shared>> -> memref<80x128xf32, #tpu.memory_space<vmem_shared>>
        %dma_start3A_84 = arith.constant 0 : i32
        %dma_start3A_85 = tpu.memref_slice %arg23[%multiple_of3A_81, %dma_start3A_84] : memref<10000x128xf32, #tpu.memory_space<vmem_shared>> -> memref<80x128xf32, #tpu.memory_space<vmem_shared>>
        tpu.enqueue_dma source(%dma_start3A_85 : memref<80x128xf32, #tpu.memory_space<vmem_shared>>) target(%arg13 : memref<80x128xf32, #tpu.memory_space<vmem>>) target_semaphore(%run_scoped3A : memref<!tpu.dma_semaphore, #tpu.memory_space<semaphore_mem>>)
        %dma_wait3A_86 = arith.constant 0 : i32
        %dma_wait3A_87 = tpu.memref_slice %arg23[%multiple_of3A_81, %dma_wait3A_86] : memref<10000x128xf32, #tpu.memory_space<vmem_shared>> -> memref<80x128xf32, #tpu.memory_space<vmem_shared>>
        %dma_wait3A_88 = arith.constant 0 : i32
        %dma_wait3A_89 = tpu.memref_slice %arg23[%multiple_of3A_81, %dma_wait3A_88] : memref<10000x128xf32, #tpu.memory_space<vmem_shared>> -> memref<80x128xf32, #tpu.memory_space<vmem_shared>>
        tpu.wait_dma2 semaphore(%run_scoped3A : memref<!tpu.dma_semaphore, #tpu.memory_space<semaphore_mem>>) src(%dma_wait3A_89 : memref<80x128xf32, #tpu.memory_space<vmem_shared>>) dst(%arg13 : memref<80x128xf32, #tpu.memory_space<vmem>>)
        tpu.yield
      }) : () -> ()
      "tpu.region"() ({
        %run_scoped3A = tpu.sem_alloc : memref<!tpu.dma_semaphore, #tpu.memory_space<semaphore_mem>>
        %dma_start3A_82 = arith.constant 0 : i32
        %dma_start3A_83 = tpu.memref_slice %arg5[%arg0, %multiple_of3A_81, %dma_start3A_82] : memref<2x10000x128xf32, #tpu.memory_space<hbm>> -> memref<1x80x128xf32, #tpu.memory_space<hbm>>
        %dma_start3A_84 = tpu.memref_squeeze %dma_start3A_83 : memref<1x80x128xf32, #tpu.memory_space<hbm>> -> memref<80x128xf32, #tpu.memory_space<hbm>>
        %dma_start3A_85 = arith.constant 0 : i32
        %dma_start3A_86 = tpu.memref_slice %arg5[%arg0, %multiple_of3A_81, %dma_start3A_85] : memref<2x10000x128xf32, #tpu.memory_space<hbm>> -> memref<1x80x128xf32, #tpu.memory_space<hbm>>
        %dma_start3A_87 = tpu.memref_squeeze %dma_start3A_86 : memref<1x80x128xf32, #tpu.memory_space<hbm>> -> memref<80x128xf32, #tpu.memory_space<hbm>>
        tpu.enqueue_dma source(%arg13 : memref<80x128xf32, #tpu.memory_space<vmem>>) target(%dma_start3A_87 : memref<80x128xf32, #tpu.memory_space<hbm>>) target_semaphore(%run_scoped3A : memref<!tpu.dma_semaphore, #tpu.memory_space<semaphore_mem>>)
        %dma_wait3A_88 = arith.constant 0 : i32
        %dma_wait3A_89 = tpu.memref_slice %arg5[%arg0, %multiple_of3A_81, %dma_wait3A_88] : memref<2x10000x128xf32, #tpu.memory_space<hbm>> -> memref<1x80x128xf32, #tpu.memory_space<hbm>>
        %dma_wait3A_90 = tpu.memref_squeeze %dma_wait3A_89 : memref<1x80x128xf32, #tpu.memory_space<hbm>> -> memref<80x128xf32, #tpu.memory_space<hbm>>
        %dma_wait3A_91 = arith.constant 0 : i32
        %dma_wait3A_92 = tpu.memref_slice %arg5[%arg0, %multiple_of3A_81, %dma_wait3A_91] : memref<2x10000x128xf32, #tpu.memory_space<hbm>> -> memref<1x80x128xf32, #tpu.memory_space<hbm>>
        %dma_wait3A_93 = tpu.memref_squeeze %dma_wait3A_92 : memref<1x80x128xf32, #tpu.memory_space<hbm>> -> memref<80x128xf32, #tpu.memory_space<hbm>>
        tpu.wait_dma2 semaphore(%run_scoped3A : memref<!tpu.dma_semaphore, #tpu.memory_space<semaphore_mem>>) src(%arg13 : memref<80x128xf32, #tpu.memory_space<vmem>>) dst(%dma_wait3A_93 : memref<80x128xf32, #tpu.memory_space<hbm>>)
        tpu.yield
      }) : () -> ()
    }
    %while3A_74 = arith.constant 1 : i32
    scf.for %while3A_75 = %while3A_72 to %while3A_68 step %while3A_74  : i32 {
      %mul3A_76 = arith.constant 16 : i32
      %mul3A_77 = arith.muli %mul3A_76, %while3A_75 : i32
      %add3A_78 = arith.addi %arg1, %mul3A_77 : i32
      %mul3A_79 = arith.constant 80 : i32
      %mul3A_80 = arith.muli %add3A_78, %mul3A_79 : i32
      %multiple_of3A_81 = tpu.assume_multiple %mul3A_80, 8 : i32
      "tpu.region"() ({
        %run_scoped3A = tpu.sem_alloc : memref<!tpu.dma_semaphore, #tpu.memory_space<semaphore_mem>>
        %dma_start3A_82 = arith.constant 0 : i32
        %dma_start3A_83 = tpu.memref_slice %arg23[%multiple_of3A_81, %dma_start3A_82] : memref<10000x128xf32, #tpu.memory_space<vmem_shared>> -> memref<80x128xf32, #tpu.memory_space<vmem_shared>>
        %dma_start3A_84 = arith.constant 0 : i32
        %dma_start3A_85 = tpu.memref_slice %arg23[%multiple_of3A_81, %dma_start3A_84] : memref<10000x128xf32, #tpu.memory_space<vmem_shared>> -> memref<80x128xf32, #tpu.memory_space<vmem_shared>>
        tpu.enqueue_dma source(%dma_start3A_85 : memref<80x128xf32, #tpu.memory_space<vmem_shared>>) target(%arg13 : memref<80x128xf32, #tpu.memory_space<vmem>>) target_semaphore(%run_scoped3A : memref<!tpu.dma_semaphore, #tpu.memory_space<semaphore_mem>>)
        %dma_wait3A_86 = arith.constant 0 : i32
        %dma_wait3A_87 = tpu.memref_slice %arg23[%multiple_of3A_81, %dma_wait3A_86] : memref<10000x128xf32, #tpu.memory_space<vmem_shared>> -> memref<80x128xf32, #tpu.memory_space<vmem_shared>>
        %dma_wait3A_88 = arith.constant 0 : i32
        %dma_wait3A_89 = tpu.memref_slice %arg23[%multiple_of3A_81, %dma_wait3A_88] : memref<10000x128xf32, #tpu.memory_space<vmem_shared>> -> memref<80x128xf32, #tpu.memory_space<vmem_shared>>
        tpu.wait_dma2 semaphore(%run_scoped3A : memref<!tpu.dma_semaphore, #tpu.memory_space<semaphore_mem>>) src(%dma_wait3A_89 : memref<80x128xf32, #tpu.memory_space<vmem_shared>>) dst(%arg13 : memref<80x128xf32, #tpu.memory_space<vmem>>)
        tpu.yield
      }) : () -> ()
      "tpu.region"() ({
        %run_scoped3A = tpu.sem_alloc : memref<!tpu.dma_semaphore, #tpu.memory_space<semaphore_mem>>
        %dma_start3A_82 = arith.constant 0 : i32
        %dma_start3A_83 = tpu.memref_slice %arg5[%arg0, %multiple_of3A_81, %dma_start3A_82] : memref<2x10000x128xf32, #tpu.memory_space<hbm>> -> memref<1x80x128xf32, #tpu.memory_space<hbm>>
        %dma_start3A_84 = tpu.memref_squeeze %dma_start3A_83 : memref<1x80x128xf32, #tpu.memory_space<hbm>> -> memref<80x128xf32, #tpu.memory_space<hbm>>
        %dma_start3A_85 = arith.constant 0 : i32
        %dma_start3A_86 = tpu.memref_slice %arg5[%arg0, %multiple_of3A_81, %dma_start3A_85] : memref<2x10000x128xf32, #tpu.memory_space<hbm>> -> memref<1x80x128xf32, #tpu.memory_space<hbm>>
        %dma_start3A_87 = tpu.memref_squeeze %dma_start3A_86 : memref<1x80x128xf32, #tpu.memory_space<hbm>> -> memref<80x128xf32, #tpu.memory_space<hbm>>
        tpu.enqueue_dma source(%arg13 : memref<80x128xf32, #tpu.memory_space<vmem>>) target(%dma_start3A_87 : memref<80x128xf32, #tpu.memory_space<hbm>>) target_semaphore(%run_scoped3A : memref<!tpu.dma_semaphore, #tpu.memory_space<semaphore_mem>>)
        %dma_wait3A_88 = arith.constant 0 : i32
        %dma_wait3A_89 = tpu.memref_slice %arg5[%arg0, %multiple_of3A_81, %dma_wait3A_88] : memref<2x10000x128xf32, #tpu.memory_space<hbm>> -> memref<1x80x128xf32, #tpu.memory_space<hbm>>
        %dma_wait3A_90 = tpu.memref_squeeze %dma_wait3A_89 : memref<1x80x128xf32, #tpu.memory_space<hbm>> -> memref<80x128xf32, #tpu.memory_space<hbm>>
        %dma_wait3A_91 = arith.constant 0 : i32
        %dma_wait3A_92 = tpu.memref_slice %arg5[%arg0, %multiple_of3A_81, %dma_wait3A_91] : memref<2x10000x128xf32, #tpu.memory_space<hbm>> -> memref<1x80x128xf32, #tpu.memory_space<hbm>>
        %dma_wait3A_93 = tpu.memref_squeeze %dma_wait3A_92 : memref<1x80x128xf32, #tpu.memory_space<hbm>> -> memref<80x128xf32, #tpu.memory_space<hbm>>
        tpu.wait_dma2 semaphore(%run_scoped3A : memref<!tpu.dma_semaphore, #tpu.memory_space<semaphore_mem>>) src(%arg13 : memref<80x128xf32, #tpu.memory_space<vmem>>) dst(%dma_wait3A_93 : memref<80x128xf32, #tpu.memory_space<hbm>>)
        tpu.yield
      }) : () -> ()
    }
    "tpu.region"() ({
      %run_scoped3A = tpu.sem_alloc : memref<!tpu.dma_semaphore, #tpu.memory_space<semaphore_mem>>
      %dma_start3A_75 = arith.constant 0 : i32
      %dma_start3A_76 = tpu.memref_slice %arg6[%add3A, %dma_start3A_75] : memref<32x10000xf32, #tpu.memory_space<hbm>> -> memref<1x10000xf32, #tpu.memory_space<hbm>>
      %dma_start3A_77 = tpu.memref_squeeze %dma_start3A_76 : memref<1x10000xf32, #tpu.memory_space<hbm>> -> memref<10000xf32, #tpu.memory_space<hbm>>
      %dma_start3A_78 = arith.constant 0 : i32
      %dma_start3A_79 = tpu.memref_slice %arg6[%add3A, %dma_start3A_78] : memref<32x10000xf32, #tpu.memory_space<hbm>> -> memref<1x10000xf32, #tpu.memory_space<hbm>>
      %dma_start3A_80 = tpu.memref_squeeze %dma_start3A_79 : memref<1x10000xf32, #tpu.memory_space<hbm>> -> memref<10000xf32, #tpu.memory_space<hbm>>
      tpu.enqueue_dma source(%arg14 : memref<10000xf32, #tpu.memory_space<vmem>>) target(%dma_start3A_80 : memref<10000xf32, #tpu.memory_space<hbm>>) target_semaphore(%run_scoped3A : memref<!tpu.dma_semaphore, #tpu.memory_space<semaphore_mem>>)
      %dma_wait3A_81 = arith.constant 0 : i32
      %dma_wait3A_82 = tpu.memref_slice %arg6[%add3A, %dma_wait3A_81] : memref<32x10000xf32, #tpu.memory_space<hbm>> -> memref<1x10000xf32, #tpu.memory_space<hbm>>
      %dma_wait3A_83 = tpu.memref_squeeze %dma_wait3A_82 : memref<1x10000xf32, #tpu.memory_space<hbm>> -> memref<10000xf32, #tpu.memory_space<hbm>>
      %dma_wait3A_84 = arith.constant 0 : i32
      %dma_wait3A_85 = tpu.memref_slice %arg6[%add3A, %dma_wait3A_84] : memref<32x10000xf32, #tpu.memory_space<hbm>> -> memref<1x10000xf32, #tpu.memory_space<hbm>>
      %dma_wait3A_86 = tpu.memref_squeeze %dma_wait3A_85 : memref<1x10000xf32, #tpu.memory_space<hbm>> -> memref<10000xf32, #tpu.memory_space<hbm>>
      tpu.wait_dma2 semaphore(%run_scoped3A : memref<!tpu.dma_semaphore, #tpu.memory_space<semaphore_mem>>) src(%arg14 : memref<10000xf32, #tpu.memory_space<vmem>>) dst(%dma_wait3A_86 : memref<10000xf32, #tpu.memory_space<hbm>>)
      tpu.yield
    }) : () -> ()
    return
  }
}

module attributes {stable_mosaic.version = 14 : i64} {
  func.func @_tc_l0(%arg0: i32, %arg1: memref<2x400x128xf32, #tpu.memory_space<vmem>>, %arg2: memref<400x32xf32, #tpu.memory_space<vmem>>, %arg3: memref<400x128xf32, #tpu.memory_space<vmem>>, %arg4: memref<128x256xf32, #tpu.memory_space<vmem>>, %arg5: memref<1x256xf32, #tpu.memory_space<vmem>>, %arg6: memref<128x256xf32, #tpu.memory_space<vmem>>, %arg7: memref<400x128xf32, #tpu.memory_space<vmem>>, %arg8: memref<400x128xf32, #tpu.memory_space<vmem>>) attributes {dimension_semantics = [#tpu.dimension_semantics<arbitrary>], iteration_bounds = array<i64: 25>, scalar_prefetch = 0 : i64, scratch_operands = 0 : i64, tpu.core_type = #tpu.core_type<tc>, window_params = [{transform_indices = @transform_0, window_bounds = array<i64: 2, 400, 128>}, {transform_indices = @transform_1, window_bounds = array<i64: 400, 32>}, {transform_indices = @transform_2, window_bounds = array<i64: 400, 128>}, {pipeline_mode = #tpu.pipeline_mode<synchronous>, transform_indices = @transform_3, window_bounds = array<i64: 128, 256>}, {pipeline_mode = #tpu.pipeline_mode<synchronous>, transform_indices = @transform_4, window_bounds = array<i64: 1, 256>}, {pipeline_mode = #tpu.pipeline_mode<synchronous>, transform_indices = @transform_5, window_bounds = array<i64: 128, 256>}, {transform_indices = @transform_6, window_bounds = array<i64: 400, 128>}, {transform_indices = @transform_7, window_bounds = array<i64: 400, 128>}]} {
    %get3A = arith.constant 0 : index
    %get3A_0 = arith.constant 0 : index
    %get3A_1 = vector.load %arg2[%get3A, %get3A_0] : memref<400x32xf32, #tpu.memory_space<vmem>>, vector<400x32xf32>
    %reduce_sum3A = arith.constant dense<0.000000e+00> : vector<400xf32>
    %reduce_sum3A_2 = vector.multi_reduction <add>, %get3A_1, %reduce_sum3A [1] : vector<400x32xf32> to vector<400xf32>
    %max3A = arith.constant 1.000000e+00 : f32
    %max3A_3 = vector.broadcast %max3A : f32 to vector<400xf32>
    %max3A_4 = arith.maximumf %reduce_sum3A_2, %max3A_3 : vector<400xf32>
    %div3A = arith.constant 1.000000e+00 : f32
    %div3A_5 = vector.broadcast %div3A : f32 to vector<400xf32>
    %div3A_6 = arith.divf %div3A_5, %max3A_4 : vector<400xf32>
    %get3A_7 = arith.constant 0 : index
    %get3A_8 = arith.constant 0 : index
    %get3A_9 = arith.constant 0 : index
    %get3A_10 = vector.load %arg1[%get3A_7, %get3A_8, %get3A_9] : memref<2x400x128xf32, #tpu.memory_space<vmem>>, vector<1x400x128xf32>
    %get3A_11 = vector.shape_cast %get3A_10 : vector<1x400x128xf32> to vector<400x128xf32>
    %get3A_12 = arith.constant 1 : index
    %get3A_13 = arith.constant 0 : index
    %get3A_14 = arith.constant 0 : index
    %get3A_15 = vector.load %arg1[%get3A_12, %get3A_13, %get3A_14] : memref<2x400x128xf32, #tpu.memory_space<vmem>>, vector<1x400x128xf32>
    %get3A_16 = vector.shape_cast %get3A_15 : vector<1x400x128xf32> to vector<400x128xf32>
    %add3A = arith.addf %get3A_11, %get3A_16 : vector<400x128xf32>
    %broadcast_in_dim3A = vector.shape_cast %div3A_6 : vector<400xf32> to vector<400x1xf32>
    %mul3A = vector.broadcast %broadcast_in_dim3A : vector<400x1xf32> to vector<400x128xf32>
    %mul3A_17 = arith.mulf %add3A, %mul3A : vector<400x128xf32>
    %get3A_18 = arith.constant 0 : index
    %get3A_19 = arith.constant 0 : index
    %get3A_20 = vector.load %arg4[%get3A_18, %get3A_19] : memref<128x256xf32, #tpu.memory_space<vmem>>, vector<128x256xf32>
    %dot_general3A = arith.constant dense<0.000000e+00> : vector<400x256xf32>
    %dot_general3A_21 = tpu.matmul %mul3A_17, %get3A_20, %dot_general3A {dimension_numbers = #tpu.dot_dimension_numbers<[1], [0], [0], [1], [0, 0, 1, 1], [], []>, transpose_lhs_hint = false} : vector<400x128xf32>, vector<128x256xf32>, vector<400x256xf32> -> vector<400x256xf32>
    %get3A_22 = arith.constant 0 : index
    %get3A_23 = arith.constant 0 : index
    %get3A_24 = vector.load %arg5[%get3A_22, %get3A_23] : memref<1x256xf32, #tpu.memory_space<vmem>>, vector<1x256xf32>
    %add3A_25 = vector.broadcast %get3A_24 : vector<1x256xf32> to vector<400x256xf32>
    %add3A_26 = arith.addf %dot_general3A_21, %add3A_25 : vector<400x256xf32>
    %get3A_27 = arith.constant 0 : index
    %get3A_28 = arith.constant 0 : index
    %get3A_29 = vector.load %arg3[%get3A_27, %get3A_28] : memref<400x128xf32, #tpu.memory_space<vmem>>, vector<400x128xf32>
    %get3A_30 = arith.constant 0 : index
    %get3A_31 = arith.constant 0 : index
    %get3A_32 = vector.load %arg6[%get3A_30, %get3A_31] : memref<128x256xf32, #tpu.memory_space<vmem>>, vector<128x256xf32>
    %dot_general3A_33 = arith.constant dense<0.000000e+00> : vector<400x256xf32>
    %dot_general3A_34 = tpu.matmul %get3A_29, %get3A_32, %dot_general3A_33 {dimension_numbers = #tpu.dot_dimension_numbers<[1], [0], [0], [1], [0, 0, 1, 1], [], []>, transpose_lhs_hint = false} : vector<400x128xf32>, vector<128x256xf32>, vector<400x256xf32> -> vector<400x256xf32>
    %add3A_35 = arith.addf %add3A_26, %dot_general3A_34 : vector<400x256xf32>
    %max3A_36 = arith.constant 0.000000e+00 : f32
    %max3A_37 = vector.broadcast %max3A_36 : f32 to vector<400x256xf32>
    %max3A_38 = arith.maximumf %add3A_35, %max3A_37 : vector<400x256xf32>
    %slice3A = vector.extract_strided_slice %max3A_38 {offsets = [0, 0], sizes = [400, 128], strides = [1, 1]} : vector<400x256xf32> to vector<400x128xf32>
    %swap3A = arith.constant 0 : index
    %swap3A_39 = arith.constant 0 : index
    %swap3A_40 = vector.load %arg7[%swap3A, %swap3A_39] : memref<400x128xf32, #tpu.memory_space<vmem>>, vector<400x128xf32>
    tpu.vector_store %arg7[%swap3A, %swap3A_39], %slice3A {strides = array<i32>} : memref<400x128xf32, #tpu.memory_space<vmem>>, vector<400x128xf32>,
    %slice3A_41 = vector.extract_strided_slice %max3A_38 {offsets = [0, 128], sizes = [400, 128], strides = [1, 1]} : vector<400x256xf32> to vector<400x128xf32>
    %swap3A_42 = arith.constant 0 : index
    %swap3A_43 = arith.constant 0 : index
    %swap3A_44 = vector.load %arg8[%swap3A_42, %swap3A_43] : memref<400x128xf32, #tpu.memory_space<vmem>>, vector<400x128xf32>
    tpu.vector_store %arg8[%swap3A_42, %swap3A_43], %slice3A_41 {strides = array<i32>} : memref<400x128xf32, #tpu.memory_space<vmem>>, vector<400x128xf32>,
    return
  }
  func.func @transform_0(%arg0: i32) -> (i32, i32, i32) {
    %c0_i32 = arith.constant 0 : i32
    %c0_i32_0 = arith.constant 0 : i32
    %c0_i32_1 = arith.constant 0 : i32
    return %c0_i32, %arg0, %c0_i32_0 : i32, i32, i32
  }
  func.func @transform_1(%arg0: i32) -> (i32, i32) {
    %c0_i32 = arith.constant 0 : i32
    %c0_i32_0 = arith.constant 0 : i32
    return %arg0, %c0_i32 : i32, i32
  }
  func.func @transform_2(%arg0: i32) -> (i32, i32) {
    %c0_i32 = arith.constant 0 : i32
    %c0_i32_0 = arith.constant 0 : i32
    return %arg0, %c0_i32 : i32, i32
  }
  func.func @transform_3(%arg0: i32) -> (i32, i32) {
    %c0_i32 = arith.constant 0 : i32
    %c0_i32_0 = arith.constant 0 : i32
    %c0_i32_1 = arith.constant 0 : i32
    return %c0_i32, %c0_i32_0 : i32, i32
  }
  func.func @transform_4(%arg0: i32) -> (i32, i32) {
    %c0_i32 = arith.constant 0 : i32
    %c0_i32_0 = arith.constant 0 : i32
    %c0_i32_1 = arith.constant 0 : i32
    return %c0_i32, %c0_i32_0 : i32, i32
  }
  func.func @transform_5(%arg0: i32) -> (i32, i32) {
    %c0_i32 = arith.constant 0 : i32
    %c0_i32_0 = arith.constant 0 : i32
    %c0_i32_1 = arith.constant 0 : i32
    return %c0_i32, %c0_i32_0 : i32, i32
  }
  func.func @transform_6(%arg0: i32) -> (i32, i32) {
    %c0_i32 = arith.constant 0 : i32
    %c0_i32_0 = arith.constant 0 : i32
    return %arg0, %c0_i32 : i32, i32
  }
  func.func @transform_7(%arg0: i32) -> (i32, i32) {
    %c0_i32 = arith.constant 0 : i32
    %c0_i32_0 = arith.constant 0 : i32
    return %arg0, %c0_i32 : i32, i32
  }
}

module attributes {stable_mosaic.version = 14 : i64} {
  func.func @_tc_l1(%arg0: i32, %arg1: memref<2x400x128xf32, #tpu.memory_space<vmem>>, %arg2: memref<400x32xf32, #tpu.memory_space<vmem>>, %arg3: memref<400x128xf32, #tpu.memory_space<vmem>>, %arg4: memref<400x128xf32, #tpu.memory_space<vmem>>, %arg5: memref<256x256xf32, #tpu.memory_space<vmem>>, %arg6: memref<1x256xf32, #tpu.memory_space<vmem>>, %arg7: memref<256x256xf32, #tpu.memory_space<vmem>>, %arg8: memref<256x256xf32, #tpu.memory_space<vmem>>, %arg9: memref<256x256xf32, #tpu.memory_space<vmem>>, %arg10: memref<400x128xi32, #tpu.memory_space<vmem>>, %arg11: memref<400x128xi32, #tpu.memory_space<vmem>>) attributes {dimension_semantics = [#tpu.dimension_semantics<arbitrary>], iteration_bounds = array<i64: 25>, scalar_prefetch = 0 : i64, scratch_operands = 0 : i64, tpu.core_type = #tpu.core_type<tc>, window_params = [{transform_indices = @transform_0, window_bounds = array<i64: 2, 400, 128>}, {transform_indices = @transform_1, window_bounds = array<i64: 400, 32>}, {transform_indices = @transform_2, window_bounds = array<i64: 400, 128>}, {transform_indices = @transform_3, window_bounds = array<i64: 400, 128>}, {pipeline_mode = #tpu.pipeline_mode<synchronous>, transform_indices = @transform_4, window_bounds = array<i64: 256, 256>}, {pipeline_mode = #tpu.pipeline_mode<synchronous>, transform_indices = @transform_5, window_bounds = array<i64: 1, 256>}, {pipeline_mode = #tpu.pipeline_mode<synchronous>, transform_indices = @transform_6, window_bounds = array<i64: 256, 256>}, {pipeline_mode = #tpu.pipeline_mode<synchronous>, transform_indices = @transform_7, window_bounds = array<i64: 256, 256>}, {pipeline_mode = #tpu.pipeline_mode<synchronous>, transform_indices = @transform_8, window_bounds = array<i64: 256, 256>}, {transform_indices = @transform_9, window_bounds = array<i64: 400, 128>}, {transform_indices = @transform_10, window_bounds = array<i64: 400, 128>}]} {
    %get3A = arith.constant 0 : index
    %get3A_0 = arith.constant 0 : index
    %get3A_1 = vector.load %arg2[%get3A, %get3A_0] : memref<400x32xf32, #tpu.memory_space<vmem>>, vector<400x32xf32>
    %reduce_sum3A = arith.constant dense<0.000000e+00> : vector<400xf32>
    %reduce_sum3A_2 = vector.multi_reduction <add>, %get3A_1, %reduce_sum3A [1] : vector<400x32xf32> to vector<400xf32>
    %max3A = arith.constant 1.000000e+00 : f32
    %max3A_3 = vector.broadcast %max3A : f32 to vector<400xf32>
    %max3A_4 = arith.maximumf %reduce_sum3A_2, %max3A_3 : vector<400xf32>
    %div3A = arith.constant 1.000000e+00 : f32
    %div3A_5 = vector.broadcast %div3A : f32 to vector<400xf32>
    %div3A_6 = arith.divf %div3A_5, %max3A_4 : vector<400xf32>
    %get3A_7 = arith.constant 0 : index
    %get3A_8 = arith.constant 0 : index
    %get3A_9 = arith.constant 0 : index
    %get3A_10 = vector.load %arg1[%get3A_7, %get3A_8, %get3A_9] : memref<2x400x128xf32, #tpu.memory_space<vmem>>, vector<1x400x128xf32>
    %get3A_11 = vector.shape_cast %get3A_10 : vector<1x400x128xf32> to vector<400x128xf32>
    %get3A_12 = arith.constant 1 : index
    %get3A_13 = arith.constant 0 : index
    %get3A_14 = arith.constant 0 : index
    %get3A_15 = vector.load %arg1[%get3A_12, %get3A_13, %get3A_14] : memref<2x400x128xf32, #tpu.memory_space<vmem>>, vector<1x400x128xf32>
    %get3A_16 = vector.shape_cast %get3A_15 : vector<1x400x128xf32> to vector<400x128xf32>
    %concatenate3A = tpu.concatenate %get3A_11, %get3A_16 in 1 : vector<400x128xf32>, vector<400x128xf32> -> vector<400x256xf32>
    %broadcast_in_dim3A = vector.shape_cast %div3A_6 : vector<400xf32> to vector<400x1xf32>
    %mul3A = vector.broadcast %broadcast_in_dim3A : vector<400x1xf32> to vector<400x256xf32>
    %mul3A_17 = arith.mulf %concatenate3A, %mul3A : vector<400x256xf32>
    %get3A_18 = arith.constant 0 : index
    %get3A_19 = arith.constant 0 : index
    %get3A_20 = vector.load %arg3[%get3A_18, %get3A_19] : memref<400x128xf32, #tpu.memory_space<vmem>>, vector<400x128xf32>
    %get3A_21 = arith.constant 0 : index
    %get3A_22 = arith.constant 0 : index
    %get3A_23 = vector.load %arg4[%get3A_21, %get3A_22] : memref<400x128xf32, #tpu.memory_space<vmem>>, vector<400x128xf32>
    %concatenate3A_24 = tpu.concatenate %get3A_20, %get3A_23 in 1 : vector<400x128xf32>, vector<400x128xf32> -> vector<400x256xf32>
    %get3A_25 = arith.constant 0 : index
    %get3A_26 = arith.constant 0 : index
    %get3A_27 = vector.load %arg5[%get3A_25, %get3A_26] : memref<256x256xf32, #tpu.memory_space<vmem>>, vector<256x256xf32>
    %dot_general3A = arith.constant dense<0.000000e+00> : vector<400x256xf32>
    %dot_general3A_28 = tpu.matmul %mul3A_17, %get3A_27, %dot_general3A {dimension_numbers = #tpu.dot_dimension_numbers<[1], [0], [0], [1], [0, 0, 1, 1], [], []>, transpose_lhs_hint = false} : vector<400x256xf32>, vector<256x256xf32>, vector<400x256xf32> -> vector<400x256xf32>
    %get3A_29 = arith.constant 0 : index
    %get3A_30 = arith.constant 0 : index
    %get3A_31 = vector.load %arg6[%get3A_29, %get3A_30] : memref<1x256xf32, #tpu.memory_space<vmem>>, vector<1x256xf32>
    %add3A = vector.broadcast %get3A_31 : vector<1x256xf32> to vector<400x256xf32>
    %add3A_32 = arith.addf %dot_general3A_28, %add3A : vector<400x256xf32>
    %get3A_33 = arith.constant 0 : index
    %get3A_34 = arith.constant 0 : index
    %get3A_35 = vector.load %arg7[%get3A_33, %get3A_34] : memref<256x256xf32, #tpu.memory_space<vmem>>, vector<256x256xf32>
    %dot_general3A_36 = arith.constant dense<0.000000e+00> : vector<400x256xf32>
    %dot_general3A_37 = tpu.matmul %concatenate3A_24, %get3A_35, %dot_general3A_36 {dimension_numbers = #tpu.dot_dimension_numbers<[1], [0], [0], [1], [0, 0, 1, 1], [], []>, transpose_lhs_hint = false} : vector<400x256xf32>, vector<256x256xf32>, vector<400x256xf32> -> vector<400x256xf32>
    %add3A_38 = arith.addf %add3A_32, %dot_general3A_37 : vector<400x256xf32>
    %max3A_39 = arith.constant 0.000000e+00 : f32
    %max3A_40 = vector.broadcast %max3A_39 : f32 to vector<400x256xf32>
    %max3A_41 = arith.maximumf %add3A_38, %max3A_40 : vector<400x256xf32>
    %get3A_42 = arith.constant 0 : index
    %get3A_43 = arith.constant 0 : index
    %get3A_44 = vector.load %arg8[%get3A_42, %get3A_43] : memref<256x256xf32, #tpu.memory_space<vmem>>, vector<256x256xf32>
    %dot_general3A_45 = arith.constant dense<0.000000e+00> : vector<400x256xf32>
    %dot_general3A_46 = tpu.matmul %max3A_41, %get3A_44, %dot_general3A_45 {dimension_numbers = #tpu.dot_dimension_numbers<[1], [0], [0], [1], [0, 0, 1, 1], [], []>, transpose_lhs_hint = false} : vector<400x256xf32>, vector<256x256xf32>, vector<400x256xf32> -> vector<400x256xf32>
    %get3A_47 = arith.constant 0 : index
    %get3A_48 = arith.constant 0 : index
    %get3A_49 = vector.load %arg9[%get3A_47, %get3A_48] : memref<256x256xf32, #tpu.memory_space<vmem>>, vector<256x256xf32>
    %dot_general3A_50 = arith.constant dense<0.000000e+00> : vector<400x256xf32>
    %dot_general3A_51 = tpu.matmul %max3A_41, %get3A_49, %dot_general3A_50 {dimension_numbers = #tpu.dot_dimension_numbers<[1], [0], [0], [1], [0, 0, 1, 1], [], []>, transpose_lhs_hint = false} : vector<400x256xf32>, vector<256x256xf32>, vector<400x256xf32> -> vector<400x256xf32>
    %slice3A = vector.extract_strided_slice %dot_general3A_46 {offsets = [0, 0], sizes = [400, 128], strides = [1, 1]} : vector<400x256xf32> to vector<400x128xf32>
    %slice3A_52 = vector.extract_strided_slice %dot_general3A_46 {offsets = [0, 128], sizes = [400, 128], strides = [1, 1]} : vector<400x256xf32> to vector<400x128xf32>
    %convert_element_type3A = arith.truncf %slice3A : vector<400x128xf32> to vector<400x128xbf16>
    %bitcast_convert_type3A = tpu.bitcast %convert_element_type3A : vector<400x128xbf16> -> vector<400x128xi16>
    %convert_element_type3A_53 = arith.truncf %slice3A_52 : vector<400x128xf32> to vector<400x128xbf16>
    %bitcast_convert_type3A_54 = tpu.bitcast %convert_element_type3A_53 : vector<400x128xbf16> -> vector<400x128xi16>
    %convert_element_type3A_55 = arith.extui %bitcast_convert_type3A : vector<400x128xi16> to vector<400x128xi32>
    %convert_element_type3A_56 = arith.extui %bitcast_convert_type3A_54 : vector<400x128xi16> to vector<400x128xi32>
    %shift_left3A = arith.constant 16 : i32
    %shift_left3A_57 = vector.broadcast %shift_left3A : i32 to vector<400x128xi32>
    %shift_left3A_58 = arith.shli %convert_element_type3A_56, %shift_left3A_57 : vector<400x128xi32>
    %or3A = arith.ori %convert_element_type3A_55, %shift_left3A_58 : vector<400x128xi32>
    %bitcast_convert_type3A_59 = tpu.bitcast %or3A : vector<400x128xi32> -> vector<400x128xi32>
    %swap3A = arith.constant 0 : index
    %swap3A_60 = arith.constant 0 : index
    %swap3A_61 = vector.load %arg10[%swap3A, %swap3A_60] : memref<400x128xi32, #tpu.memory_space<vmem>>, vector<400x128xi32>
    tpu.vector_store %arg10[%swap3A, %swap3A_60], %bitcast_convert_type3A_59 {strides = array<i32>} : memref<400x128xi32, #tpu.memory_space<vmem>>, vector<400x128xi32>,
    %slice3A_62 = vector.extract_strided_slice %dot_general3A_51 {offsets = [0, 0], sizes = [400, 128], strides = [1, 1]} : vector<400x256xf32> to vector<400x128xf32>
    %slice3A_63 = vector.extract_strided_slice %dot_general3A_51 {offsets = [0, 128], sizes = [400, 128], strides = [1, 1]} : vector<400x256xf32> to vector<400x128xf32>
    %convert_element_type3A_64 = arith.truncf %slice3A_62 : vector<400x128xf32> to vector<400x128xbf16>
    %bitcast_convert_type3A_65 = tpu.bitcast %convert_element_type3A_64 : vector<400x128xbf16> -> vector<400x128xi16>
    %convert_element_type3A_66 = arith.truncf %slice3A_63 : vector<400x128xf32> to vector<400x128xbf16>
    %bitcast_convert_type3A_67 = tpu.bitcast %convert_element_type3A_66 : vector<400x128xbf16> -> vector<400x128xi16>
    %convert_element_type3A_68 = arith.extui %bitcast_convert_type3A_65 : vector<400x128xi16> to vector<400x128xi32>
    %convert_element_type3A_69 = arith.extui %bitcast_convert_type3A_67 : vector<400x128xi16> to vector<400x128xi32>
    %shift_left3A_70 = arith.constant 16 : i32
    %shift_left3A_71 = vector.broadcast %shift_left3A_70 : i32 to vector<400x128xi32>
    %shift_left3A_72 = arith.shli %convert_element_type3A_69, %shift_left3A_71 : vector<400x128xi32>
    %or3A_73 = arith.ori %convert_element_type3A_68, %shift_left3A_72 : vector<400x128xi32>
    %bitcast_convert_type3A_74 = tpu.bitcast %or3A_73 : vector<400x128xi32> -> vector<400x128xi32>
    %swap3A_75 = arith.constant 0 : index
    %swap3A_76 = arith.constant 0 : index
    %swap3A_77 = vector.load %arg11[%swap3A_75, %swap3A_76] : memref<400x128xi32, #tpu.memory_space<vmem>>, vector<400x128xi32>
    tpu.vector_store %arg11[%swap3A_75, %swap3A_76], %bitcast_convert_type3A_74 {strides = array<i32>} : memref<400x128xi32, #tpu.memory_space<vmem>>, vector<400x128xi32>,
    return
  }
  func.func @transform_0(%arg0: i32) -> (i32, i32, i32) {
    %c0_i32 = arith.constant 0 : i32
    %c0_i32_0 = arith.constant 0 : i32
    %c0_i32_1 = arith.constant 0 : i32
    return %c0_i32, %arg0, %c0_i32_0 : i32, i32, i32
  }
  func.func @transform_1(%arg0: i32) -> (i32, i32) {
    %c0_i32 = arith.constant 0 : i32
    %c0_i32_0 = arith.constant 0 : i32
    return %arg0, %c0_i32 : i32, i32
  }
  func.func @transform_2(%arg0: i32) -> (i32, i32) {
    %c0_i32 = arith.constant 0 : i32
    %c0_i32_0 = arith.constant 0 : i32
    return %arg0, %c0_i32 : i32, i32
  }
  func.func @transform_3(%arg0: i32) -> (i32, i32) {
    %c0_i32 = arith.constant 0 : i32
    %c0_i32_0 = arith.constant 0 : i32
    return %arg0, %c0_i32 : i32, i32
  }
  func.func @transform_4(%arg0: i32) -> (i32, i32) {
    %c0_i32 = arith.constant 0 : i32
    %c0_i32_0 = arith.constant 0 : i32
    %c0_i32_1 = arith.constant 0 : i32
    return %c0_i32, %c0_i32_0 : i32, i32
  }
  func.func @transform_5(%arg0: i32) -> (i32, i32) {
    %c0_i32 = arith.constant 0 : i32
    %c0_i32_0 = arith.constant 0 : i32
    %c0_i32_1 = arith.constant 0 : i32
    return %c0_i32, %c0_i32_0 : i32, i32
  }
  func.func @transform_6(%arg0: i32) -> (i32, i32) {
    %c0_i32 = arith.constant 0 : i32
    %c0_i32_0 = arith.constant 0 : i32
    %c0_i32_1 = arith.constant 0 : i32
    return %c0_i32, %c0_i32_0 : i32, i32
  }
  func.func @transform_7(%arg0: i32) -> (i32, i32) {
    %c0_i32 = arith.constant 0 : i32
    %c0_i32_0 = arith.constant 0 : i32
    %c0_i32_1 = arith.constant 0 : i32
    return %c0_i32, %c0_i32_0 : i32, i32
  }
  func.func @transform_8(%arg0: i32) -> (i32, i32) {
    %c0_i32 = arith.constant 0 : i32
    %c0_i32_0 = arith.constant 0 : i32
    %c0_i32_1 = arith.constant 0 : i32
    return %c0_i32, %c0_i32_0 : i32, i32
  }
  func.func @transform_9(%arg0: i32) -> (i32, i32) {
    %c0_i32 = arith.constant 0 : i32
    %c0_i32_0 = arith.constant 0 : i32
    return %arg0, %c0_i32 : i32, i32
  }
  func.func @transform_10(%arg0: i32) -> (i32, i32) {
    %c0_i32 = arith.constant 0 : i32
    %c0_i32_0 = arith.constant 0 : i32
    return %arg0, %c0_i32 : i32, i32
  }
}

module attributes {stable_mosaic.version = 14 : i64} {
  func.func @_tc_fin(%arg0: i32, %arg1: memref<400x1024xi32, #tpu.memory_space<vmem>>, %arg2: memref<400x128xbf16, #tpu.memory_space<vmem>>, %arg3: memref<128x2048xbf16, #tpu.memory_space<vmem>>, %arg4: memref<1x2048xf32, #tpu.memory_space<vmem>>, %arg5: memref<2048x8xbf16, #tpu.memory_space<vmem>>, %arg6: memref<400x8xf32, #tpu.memory_space<vmem>>) attributes {dimension_semantics = [#tpu.dimension_semantics<arbitrary>], iteration_bounds = array<i64: 100>, scalar_prefetch = 0 : i64, scratch_operands = 0 : i64, tpu.core_type = #tpu.core_type<tc>, window_params = [{transform_indices = @transform_0, window_bounds = array<i64: 400, 1024>}, {transform_indices = @transform_1, window_bounds = array<i64: 400, 128>}, {pipeline_mode = #tpu.pipeline_mode<synchronous>, transform_indices = @transform_2, window_bounds = array<i64: 128, 2048>}, {pipeline_mode = #tpu.pipeline_mode<synchronous>, transform_indices = @transform_3, window_bounds = array<i64: 1, 2048>}, {pipeline_mode = #tpu.pipeline_mode<synchronous>, transform_indices = @transform_4, window_bounds = array<i64: 2048, 8>}, {transform_indices = @transform_5, window_bounds = array<i64: 400, 8>}]} {
    %get3A = arith.constant 0 : index
    %get3A_0 = arith.constant 0 : index
    %get3A_1 = vector.load %arg2[%get3A, %get3A_0] : memref<400x128xbf16, #tpu.memory_space<vmem>>, vector<400x128xbf16>
    %get3A_2 = arith.constant 0 : index
    %get3A_3 = arith.constant 0 : index
    %get3A_4 = vector.load %arg3[%get3A_2, %get3A_3] : memref<128x2048xbf16, #tpu.memory_space<vmem>>, vector<128x2048xbf16>
    %dot_general3A = arith.constant dense<0.000000e+00> : vector<400x2048xf32>
    %dot_general3A_5 = tpu.matmul %get3A_1, %get3A_4, %dot_general3A {dimension_numbers = #tpu.dot_dimension_numbers<[1], [0], [0], [1], [0, 0, 1, 1], [], []>, transpose_lhs_hint = false} : vector<400x128xbf16>, vector<128x2048xbf16>, vector<400x2048xf32> -> vector<400x2048xf32>
    %get3A_6 = arith.constant 0 : index
    %get3A_7 = arith.constant 0 : index
    %get3A_8 = vector.load %arg4[%get3A_6, %get3A_7] : memref<1x2048xf32, #tpu.memory_space<vmem>>, vector<1x2048xf32>
    %add3A = vector.broadcast %get3A_8 : vector<1x2048xf32> to vector<400x2048xf32>
    %add3A_9 = arith.addf %dot_general3A_5, %add3A : vector<400x2048xf32>
    %convert_element_type3A = arith.truncf %add3A_9 : vector<400x2048xf32> to vector<400x2048xbf16>
    %get3A_10 = arith.constant 0 : index
    %get3A_11 = arith.constant 0 : index
    %get3A_12 = vector.load %arg1[%get3A_10, %get3A_11] : memref<400x1024xi32, #tpu.memory_space<vmem>>, vector<400x1024xi32>
    %bitcast_convert_type3A = tpu.bitcast %get3A_12 : vector<400x1024xi32> -> vector<400x1024xi32>
    %slice3A = vector.extract_strided_slice %bitcast_convert_type3A {offsets = [0, 0], sizes = [400, 128], strides = [1, 1]} : vector<400x1024xi32> to vector<400x128xi32>
    %and3A = arith.constant 65535 : i32
    %and3A_13 = vector.broadcast %and3A : i32 to vector<400x128xi32>
    %and3A_14 = arith.andi %slice3A, %and3A_13 : vector<400x128xi32>
    %convert_element_type3A_15 = arith.trunci %and3A_14 : vector<400x128xi32> to vector<400x128xi16>
    %bitcast_convert_type3A_16 = tpu.bitcast %convert_element_type3A_15 : vector<400x128xi16> -> vector<400x128xbf16>
    %shift_right_logical3A = arith.constant 16 : i32
    %shift_right_logical3A_17 = vector.broadcast %shift_right_logical3A : i32 to vector<400x128xi32>
    %shift_right_logical3A_18 = arith.shrui %slice3A, %shift_right_logical3A_17 : vector<400x128xi32>
    %convert_element_type3A_19 = arith.trunci %shift_right_logical3A_18 : vector<400x128xi32> to vector<400x128xi16>
    %bitcast_convert_type3A_20 = tpu.bitcast %convert_element_type3A_19 : vector<400x128xi16> -> vector<400x128xbf16>
    %slice3A_21 = vector.extract_strided_slice %bitcast_convert_type3A {offsets = [0, 128], sizes = [400, 128], strides = [1, 1]} : vector<400x1024xi32> to vector<400x128xi32>
    %and3A_22 = arith.constant 65535 : i32
    %and3A_23 = vector.broadcast %and3A_22 : i32 to vector<400x128xi32>
    %and3A_24 = arith.andi %slice3A_21, %and3A_23 : vector<400x128xi32>
    %convert_element_type3A_25 = arith.trunci %and3A_24 : vector<400x128xi32> to vector<400x128xi16>
    %bitcast_convert_type3A_26 = tpu.bitcast %convert_element_type3A_25 : vector<400x128xi16> -> vector<400x128xbf16>
    %shift_right_logical3A_27 = arith.constant 16 : i32
    %shift_right_logical3A_28 = vector.broadcast %shift_right_logical3A_27 : i32 to vector<400x128xi32>
    %shift_right_logical3A_29 = arith.shrui %slice3A_21, %shift_right_logical3A_28 : vector<400x128xi32>
    %convert_element_type3A_30 = arith.trunci %shift_right_logical3A_29 : vector<400x128xi32> to vector<400x128xi16>
    %bitcast_convert_type3A_31 = tpu.bitcast %convert_element_type3A_30 : vector<400x128xi16> -> vector<400x128xbf16>
    %slice3A_32 = vector.extract_strided_slice %bitcast_convert_type3A {offsets = [0, 256], sizes = [400, 128], strides = [1, 1]} : vector<400x1024xi32> to vector<400x128xi32>
    %and3A_33 = arith.constant 65535 : i32
    %and3A_34 = vector.broadcast %and3A_33 : i32 to vector<400x128xi32>
    %and3A_35 = arith.andi %slice3A_32, %and3A_34 : vector<400x128xi32>
    %convert_element_type3A_36 = arith.trunci %and3A_35 : vector<400x128xi32> to vector<400x128xi16>
    %bitcast_convert_type3A_37 = tpu.bitcast %convert_element_type3A_36 : vector<400x128xi16> -> vector<400x128xbf16>
    %shift_right_logical3A_38 = arith.constant 16 : i32
    %shift_right_logical3A_39 = vector.broadcast %shift_right_logical3A_38 : i32 to vector<400x128xi32>
    %shift_right_logical3A_40 = arith.shrui %slice3A_32, %shift_right_logical3A_39 : vector<400x128xi32>
    %convert_element_type3A_41 = arith.trunci %shift_right_logical3A_40 : vector<400x128xi32> to vector<400x128xi16>
    %bitcast_convert_type3A_42 = tpu.bitcast %convert_element_type3A_41 : vector<400x128xi16> -> vector<400x128xbf16>
    %slice3A_43 = vector.extract_strided_slice %bitcast_convert_type3A {offsets = [0, 384], sizes = [400, 128], strides = [1, 1]} : vector<400x1024xi32> to vector<400x128xi32>
    %and3A_44 = arith.constant 65535 : i32
    %and3A_45 = vector.broadcast %and3A_44 : i32 to vector<400x128xi32>
    %and3A_46 = arith.andi %slice3A_43, %and3A_45 : vector<400x128xi32>
    %convert_element_type3A_47 = arith.trunci %and3A_46 : vector<400x128xi32> to vector<400x128xi16>
    %bitcast_convert_type3A_48 = tpu.bitcast %convert_element_type3A_47 : vector<400x128xi16> -> vector<400x128xbf16>
    %shift_right_logical3A_49 = arith.constant 16 : i32
    %shift_right_logical3A_50 = vector.broadcast %shift_right_logical3A_49 : i32 to vector<400x128xi32>
    %shift_right_logical3A_51 = arith.shrui %slice3A_43, %shift_right_logical3A_50 : vector<400x128xi32>
    %convert_element_type3A_52 = arith.trunci %shift_right_logical3A_51 : vector<400x128xi32> to vector<400x128xi16>
    %bitcast_convert_type3A_53 = tpu.bitcast %convert_element_type3A_52 : vector<400x128xi16> -> vector<400x128xbf16>
    %slice3A_54 = vector.extract_strided_slice %bitcast_convert_type3A {offsets = [0, 512], sizes = [400, 128], strides = [1, 1]} : vector<400x1024xi32> to vector<400x128xi32>
    %and3A_55 = arith.constant 65535 : i32
    %and3A_56 = vector.broadcast %and3A_55 : i32 to vector<400x128xi32>
    %and3A_57 = arith.andi %slice3A_54, %and3A_56 : vector<400x128xi32>
    %convert_element_type3A_58 = arith.trunci %and3A_57 : vector<400x128xi32> to vector<400x128xi16>
    %bitcast_convert_type3A_59 = tpu.bitcast %convert_element_type3A_58 : vector<400x128xi16> -> vector<400x128xbf16>
    %shift_right_logical3A_60 = arith.constant 16 : i32
    %shift_right_logical3A_61 = vector.broadcast %shift_right_logical3A_60 : i32 to vector<400x128xi32>
    %shift_right_logical3A_62 = arith.shrui %slice3A_54, %shift_right_logical3A_61 : vector<400x128xi32>
    %convert_element_type3A_63 = arith.trunci %shift_right_logical3A_62 : vector<400x128xi32> to vector<400x128xi16>
    %bitcast_convert_type3A_64 = tpu.bitcast %convert_element_type3A_63 : vector<400x128xi16> -> vector<400x128xbf16>
    %slice3A_65 = vector.extract_strided_slice %bitcast_convert_type3A {offsets = [0, 640], sizes = [400, 128], strides = [1, 1]} : vector<400x1024xi32> to vector<400x128xi32>
    %and3A_66 = arith.constant 65535 : i32
    %and3A_67 = vector.broadcast %and3A_66 : i32 to vector<400x128xi32>
    %and3A_68 = arith.andi %slice3A_65, %and3A_67 : vector<400x128xi32>
    %convert_element_type3A_69 = arith.trunci %and3A_68 : vector<400x128xi32> to vector<400x128xi16>
    %bitcast_convert_type3A_70 = tpu.bitcast %convert_element_type3A_69 : vector<400x128xi16> -> vector<400x128xbf16>
    %shift_right_logical3A_71 = arith.constant 16 : i32
    %shift_right_logical3A_72 = vector.broadcast %shift_right_logical3A_71 : i32 to vector<400x128xi32>
    %shift_right_logical3A_73 = arith.shrui %slice3A_65, %shift_right_logical3A_72 : vector<400x128xi32>
    %convert_element_type3A_74 = arith.trunci %shift_right_logical3A_73 : vector<400x128xi32> to vector<400x128xi16>
    %bitcast_convert_type3A_75 = tpu.bitcast %convert_element_type3A_74 : vector<400x128xi16> -> vector<400x128xbf16>
    %slice3A_76 = vector.extract_strided_slice %bitcast_convert_type3A {offsets = [0, 768], sizes = [400, 128], strides = [1, 1]} : vector<400x1024xi32> to vector<400x128xi32>
    %and3A_77 = arith.constant 65535 : i32
    %and3A_78 = vector.broadcast %and3A_77 : i32 to vector<400x128xi32>
    %and3A_79 = arith.andi %slice3A_76, %and3A_78 : vector<400x128xi32>
    %convert_element_type3A_80 = arith.trunci %and3A_79 : vector<400x128xi32> to vector<400x128xi16>
    %bitcast_convert_type3A_81 = tpu.bitcast %convert_element_type3A_80 : vector<400x128xi16> -> vector<400x128xbf16>
    %shift_right_logical3A_82 = arith.constant 16 : i32
    %shift_right_logical3A_83 = vector.broadcast %shift_right_logical3A_82 : i32 to vector<400x128xi32>
    %shift_right_logical3A_84 = arith.shrui %slice3A_76, %shift_right_logical3A_83 : vector<400x128xi32>
    %convert_element_type3A_85 = arith.trunci %shift_right_logical3A_84 : vector<400x128xi32> to vector<400x128xi16>
    %bitcast_convert_type3A_86 = tpu.bitcast %convert_element_type3A_85 : vector<400x128xi16> -> vector<400x128xbf16>
    %slice3A_87 = vector.extract_strided_slice %bitcast_convert_type3A {offsets = [0, 896], sizes = [400, 128], strides = [1, 1]} : vector<400x1024xi32> to vector<400x128xi32>
    %and3A_88 = arith.constant 65535 : i32
    %and3A_89 = vector.broadcast %and3A_88 : i32 to vector<400x128xi32>
    %and3A_90 = arith.andi %slice3A_87, %and3A_89 : vector<400x128xi32>
    %convert_element_type3A_91 = arith.trunci %and3A_90 : vector<400x128xi32> to vector<400x128xi16>
    %bitcast_convert_type3A_92 = tpu.bitcast %convert_element_type3A_91 : vector<400x128xi16> -> vector<400x128xbf16>
    %shift_right_logical3A_93 = arith.constant 16 : i32
    %shift_right_logical3A_94 = vector.broadcast %shift_right_logical3A_93 : i32 to vector<400x128xi32>
    %shift_right_logical3A_95 = arith.shrui %slice3A_87, %shift_right_logical3A_94 : vector<400x128xi32>
    %convert_element_type3A_96 = arith.trunci %shift_right_logical3A_95 : vector<400x128xi32> to vector<400x128xi16>
    %bitcast_convert_type3A_97 = tpu.bitcast %convert_element_type3A_96 : vector<400x128xi16> -> vector<400x128xbf16>
    %concatenate3A = tpu.concatenate %bitcast_convert_type3A_16, %bitcast_convert_type3A_20, %bitcast_convert_type3A_26, %bitcast_convert_type3A_31, %bitcast_convert_type3A_37, %bitcast_convert_type3A_42, %bitcast_convert_type3A_48, %bitcast_convert_type3A_53, %bitcast_convert_type3A_59, %bitcast_convert_type3A_64, %bitcast_convert_type3A_70, %bitcast_convert_type3A_75, %bitcast_convert_type3A_81, %bitcast_convert_type3A_86, %bitcast_convert_type3A_92, %bitcast_convert_type3A_97 in 1 : vector<400x128xbf16>, vector<400x128xbf16>, vector<400x128xbf16>, vector<400x128xbf16>, vector<400x128xbf16>, vector<400x128xbf16>, vector<400x128xbf16>, vector<400x128xbf16>, vector<400x128xbf16>, vector<400x128xbf16>, vector<400x128xbf16>, vector<400x128xbf16>, vector<400x128xbf16>, vector<400x128xbf16>, vector<400x128xbf16>, vector<400x128xbf16> -> vector<400x2048xbf16>
    %add3A_98 = arith.addf %concatenate3A, %convert_element_type3A : vector<400x2048xbf16>
    %max3A = arith.constant 0.000000e+00 : bf16
    %max3A_99 = vector.broadcast %max3A : bf16 to vector<400x2048xbf16>
    %max3A_100 = arith.maximumf %add3A_98, %max3A_99 : vector<400x2048xbf16>
    %get3A_101 = arith.constant 0 : index
    %get3A_102 = arith.constant 0 : index
    %get3A_103 = vector.load %arg5[%get3A_101, %get3A_102] : memref<2048x8xbf16, #tpu.memory_space<vmem>>, vector<2048x8xbf16>
    %dot_general3A_104 = arith.constant dense<0.000000e+00> : vector<400x8xf32>
    %dot_general3A_105 = tpu.matmul %max3A_100, %get3A_103, %dot_general3A_104 {dimension_numbers = #tpu.dot_dimension_numbers<[1], [0], [0], [1], [0, 0, 1, 1], [], []>, transpose_lhs_hint = false} : vector<400x2048xbf16>, vector<2048x8xbf16>, vector<400x8xf32> -> vector<400x8xf32>
    %swap3A = arith.constant 0 : index
    %swap3A_106 = arith.constant 0 : index
    %swap3A_107 = vector.load %arg6[%swap3A, %swap3A_106] : memref<400x8xf32, #tpu.memory_space<vmem>>, vector<400x8xf32>
    tpu.vector_store %arg6[%swap3A, %swap3A_106], %dot_general3A_105 {strides = array<i32>} : memref<400x8xf32, #tpu.memory_space<vmem>>, vector<400x8xf32>,
    return
  }
  func.func @transform_0(%arg0: i32) -> (i32, i32) {
    %c0_i32 = arith.constant 0 : i32
    %c0_i32_0 = arith.constant 0 : i32
    return %arg0, %c0_i32 : i32, i32
  }
  func.func @transform_1(%arg0: i32) -> (i32, i32) {
    %c0_i32 = arith.constant 0 : i32
    %c0_i32_0 = arith.constant 0 : i32
    return %arg0, %c0_i32 : i32, i32
  }
  func.func @transform_2(%arg0: i32) -> (i32, i32) {
    %c0_i32 = arith.constant 0 : i32
    %c0_i32_0 = arith.constant 0 : i32
    %c0_i32_1 = arith.constant 0 : i32
    return %c0_i32, %c0_i32_0 : i32, i32
  }
  func.func @transform_3(%arg0: i32) -> (i32, i32) {
    %c0_i32 = arith.constant 0 : i32
    %c0_i32_0 = arith.constant 0 : i32
    %c0_i32_1 = arith.constant 0 : i32
    return %c0_i32, %c0_i32_0 : i32, i32
  }
  func.func @transform_4(%arg0: i32) -> (i32, i32) {
    %c0_i32 = arith.constant 0 : i32
    %c0_i32_0 = arith.constant 0 : i32
    %c0_i32_1 = arith.constant 0 : i32
    return %c0_i32, %c0_i32_0 : i32, i32
  }
  func.func @transform_5(%arg0: i32) -> (i32, i32) {
    %c0_i32 = arith.constant 0 : i32
    %c0_i32_0 = arith.constant 0 : i32
    return %arg0, %c0_i32 : i32, i32
  }
}

</mosaic_0001>

<sc_bundles>
// kernel: gather_offload_async_start
scs
__scs_entry_jumppad:
0x0: {  	(pc) =	sbr.rel $0x88, $3  }
0x1: {  	(tag) =	ssettag $0x0;
	lr =	simm.s32 $0x1  }
0x2: {  	[smem:$0x3F94] =	sst lr;
	_ =	strace $0xD0000000  }
0x3: {  	_ = 	snop  }
0x4: {  	_ = 	snop  }
0x5: {  	_ = 	snop  }
0x6: {  	_ = 	snop  }
0x7: {  	_ = 	snop  }
__scs_overlays_trampoline_lowered:
0x8: {  	[smem:$0x3FA3] =	sst s0  }
0x9: {  	[smem:$0x3FA4] =	sst s1  }
0xa: {  	[smem:$0x3FA5] =	sst s2  }
0xb: {  	[smem:$0x3FA6] =	sst s3  }
0xc: {  	[smem:$0x3FA7] =	sst s4  }
0xd: {  	[smem:$0x3FA8] =	sst s5  }
0xe: {  	[smem:$0x3FA9] =	sst s6  }
0xf: {  	[smem:$0x3FAA] =	sst s7  }
0x10: {  	[smem:$0x3FAB] =	sst s8  }
0x11: {  	[smem:$0x3FAC] =	sst s9;
	s0 =	simm.s32 @!p0 $0x0  }
0x12: {  	s1 =	sld [smem:$0x3F92];
	s0 =	simm.s32 @p0 $0x1  }
0x13: {  	[smem:$0x3FAD] =	sst s0;
	s0 =	simm.s32 @!p1 $0x0  }
0x14: {  	s2 =	sld [smem:$0x3F91];
	s0 =	simm.s32 @p1 $0x1  }
0x15: {  	[smem:$0x3FAE] =	sst s0;
	s0 =	simm.s32 @!p2 $0x0  }
0x16: {  	s3 =	sld [smem:$0x3FDB];
	s0 =	simm.s32 @p2 $0x1  }
0x17: {  	s4 =	simm.s32 $0x1BF5;
	[smem:$0x3FB0] =	sst s0  }
0x18: {  	s0 =	sld [smem:$0x3F93];
	_ =	swait.ge [sflag:s4], $0x0  }
0x19: {  	s7 =	sld [smem:$0x3F94]  }
0x1a: {  	s8 =	sadd.s32 $0xFFFFE003, lr  }
0x1b: {  	s9 =	sadd.s32 $0xFFFFFEF7, lr;
	s5 =	simm.s32 $0xFFFFFFFF;
	p2 =	slt.u32 s8, $0xFFFFF086  }
0x1c: {  	p1 =	slt.u32 s9, $0xF7A;
	s5 =	simm.s32 @!p2 $0x0  }
0x1d: {  	s5 =	simm.s32 @p1 $0x1;
	p0 =	seq.s32 s7, s2  }
0x1e: {  	s7 =	smul.u32 @!p0 $0xF7A, s2;
	p2 =	seq.s32 @!p0 s5, $0x0  }
0x1f: {  	s9 =	smul.u32 $0xF7A, s1;
	s8 =	simm.s32 @!p0 $0x1BF5;
	p2 =	por !p2, p0  }
0x20: {  	[sflag:s8] =	ssyncset.s32 @!p0 $0xFFFFF086;
	s6 =	sadd.s32 @!p0 s3, s7;
	s7 =	simm.s32 @!p0 $0x108  }
0x21: {  	s3 =	sadd.s32 s3, s9;
	s6 =	sadd.s32 @!p0 $0x88, s6;
	s7 =	simm.s32 @p2 $0x1082  }
0x22: {  	[simem:s7], [sflag:s8] =	dma.local @!p0 [hbm:s6], $0xF7A  }
0x23: {  	s9 =	sor.u32 $0xD0000000, s2;
	s6 =	simm.s32 $0x108;
	_ =	swait.ge @!p0 [sflag:s8], $0x0  }
0x24: {  	s3 =	sadd.s32 $0x88, s3;
	s6 =	simm.s32 @!p1 $0x1082;
	[sflag:s4] =	ssyncset.s32 $0xFFFFF086  }
0x25: {  	[simem:s6], [sflag:s4] =	dma.local [hbm:s3], $0xF7A  }
0x26: {  	[smem:$0x3F94] =	sst s1;
	(tag) =	ssettag s2;
	_ =	strace s9  }
0x27: {  	s1 =	sld [smem:$0x3FA4]  }
0x28: {  	s2 =	sld [smem:$0x3FA5]  }
0x29: {  	s4 =	sld [smem:$0x3FA7]  }
0x2a: {  	p0 =	seq.s32 s5, $0x0;
	s5 =	sld [smem:$0x3FA8]  }
0x2b: {  	s6 =	sld [smem:$0x3FA9]  }
0x2c: {  	s7 =	sld [smem:$0x3FAA]  }
0x2d: {  	s3 =	simm.s32 $0x108;
	s8 =	sld [smem:$0x3FAB]  }
0x2e: {  	s3 =	simm.s32 @!p0 $0x1082;
	s9 =	sld [smem:$0x3FAC]  }
0x2f: {  	lr =	sadd.s32 s0, s3;
	s0 =	sld [smem:$0x3FA3]  }
0x30: {  	s3 =	sld [smem:$0x3FA6]  }
0x31: {  	[smem:$0x3FAF] =	sst s10  }
0x32: {  	s10 =	sld [smem:$0x3FAD];
	_ =	sdelay $0x3  }
0x33: {  	p0 =	seq.s32 s10, $0x1;
	s10 =	sld [smem:$0x3FAF];
	_ =	sdelay $0x3  }
0x34: {  	[smem:$0x3FAF] =	sst s10  }
0x35: {  	s10 =	sld [smem:$0x3FAE];
	_ =	sdelay $0x3  }
0x36: {  	p1 =	seq.s32 s10, $0x1;
	s10 =	sld [smem:$0x3FAF];
	_ =	sdelay $0x3  }
0x37: {  	[smem:$0x3FAF] =	sst s10  }
0x38: {  	s10 =	sld [smem:$0x3FB0]  }
0x39: {  	_ = 	snop;
	(pc) =	sbr.ind lr, $3  }
0x3a: {  	_ = 	snop  }
0x3b: {  	_ = 	snop  }
0x3c: {  	p2 =	seq.s32 s10, $0x1;
	s10 =	sld [smem:$0x3FAF]  }
0x3d: {  	_ =	shalt  }
0x3e: {  	_ =	shalt  }
0x3f: {  	_ =	shalt  }
0x40: {  	_ =	shalt  }
0x41: {  	_ =	shalt  }
0x42: {  	_ =	shalt  }
0x43: {  	_ =	shalt  }
0x44: {  	_ =	shalt  }
0x45: {  	_ =	shalt  }
0x46: {  	_ =	shalt  }
0x47: {  	_ =	shalt  }
0x48: {  	_ =	shalt  }
0x49: {  	_ =	shalt  }
0x4a: {  	_ =	shalt  }
0x4b: {  	_ =	shalt  }
0x4c: {  	_ =	shalt  }
0x4d: {  	_ =	shalt  }
0x4e: {  	_ =	shalt  }
0x4f: {  	_ =	shalt  }
0x50: {  	_ =	shalt  }
0x51: {  	_ =	shalt  }
0x52: {  	_ =	shalt  }
0x53: {  	_ =	shalt  }
0x54: {  	_ =	shalt  }
0x55: {  	_ =	shalt  }
0x56: {  	_ =	shalt  }
0x57: {  	_ =	shalt  }
0x58: {  	_ =	shalt  }
0x59: {  	_ =	shalt  }
0x5a: {  	_ =	shalt  }
0x5b: {  	_ =	shalt  }
0x5c: {  	_ =	shalt  }
0x5d: {  	_ =	shalt  }
0x5e: {  	_ =	shalt  }
0x5f: {  	_ =	shalt  }
0x60: {  	_ =	shalt  }
0x61: {  	_ =	shalt  }
0x62: {  	_ =	shalt  }
0x63: {  	_ =	shalt  }
0x64: {  	_ =	shalt  }
0x65: {  	_ =	shalt  }
0x66: {  	_ =	shalt  }
0x67: {  	_ =	shalt  }
0x68: {  	_ =	shalt  }
0x69: {  	_ =	shalt  }
0x6a: {  	_ =	shalt  }
0x6b: {  	_ =	shalt  }
0x6c: {  	_ =	shalt  }
0x6d: {  	_ =	shalt  }
0x6e: {  	_ =	shalt  }
0x6f: {  	_ =	shalt  }
0x70: {  	_ =	shalt  }
0x71: {  	_ =	shalt  }
0x72: {  	_ =	shalt  }
0x73: {  	_ =	shalt  }
0x74: {  	_ =	shalt  }
0x75: {  	_ =	shalt  }
0x76: {  	_ =	shalt  }
0x77: {  	_ =	shalt  }
0x78: {  	_ =	shalt  }
0x79: {  	_ =	shalt  }
0x7a: {  	_ =	shalt  }
0x7b: {  	_ =	shalt  }
0x7c: {  	_ =	shalt  }
0x7d: {  	_ =	shalt  }
0x7e: {  	_ =	shalt  }
0x7f: {  	_ =	shalt  }
0x80: {  	_ =	shalt  }
0x81: {  	_ =	shalt  }
0x82: {  	_ =	shalt  }
0x83: {  	_ =	shalt  }
0x84: {  	_ =	shalt  }
0x85: {  	_ =	shalt  }
0x86: {  	_ =	shalt  }
0x87: {  	_ =	shalt  }
.Lfunc_end0:
.L_simem_size_0:
called_computation_lowered:
.L_overlay_start_0:
0x88: {  	s2 =	sld [smem:$0x3FD9]  }
0x89: {  	s3 =	sld [smem:$0x3FFE];
	_ =	sdelay $0x1  }
0x8a: {  	s1 =	srdreg.scid  }
0x8b: {  	s0 =	sand.u32 $0x1, s1  }
0x8c: {  	s17 =	sshll.u32 s0, $0xA;
	s2 =	sadd.s32 s3, s2  }
0x8d: {  	s2 =	sadd.s32 s2, s17  }
0x8e: {  	[smem:$0x3FBB] =	sst s2  }
0x8f: {  	_ = 	snop  }
0x90: {  	(tm) =	ssettm $0x1  }
0x91: {  	s18 =	sld [smem:$0x3FFB];
	_ =	sdelay $0x3  }
0x92: {  	_ =	strace s18  }
0x93: {  	s2 =	sld [smem:$0x3FFC];
	_ =	sdelay $0x3  }
0x94: {  	_ =	strace s2  }
0x95: {  	s2 =	sld [smem:$0x3FFD];
	_ =	sdelay $0x3  }
0x96: {  	_ =	strace s2  }
0x97: {  	_ =	strace $0x8FFFFFFF  }
0x98: {  	s19 =	sld [smem:$0x3FDB];
	_ =	sdelay $0x1  }
0x99: {  	s20 =	simm.s32 $_scs_section_size  }
0x9a: {  	s4 =	simm.s32 $_size__tile_overlayer_lowered;
	s5 =	simm.s32 $_tile_overlayer_lowered  }
0x9b: {  	s6 =	simm.s32 $0x1BFF;
	s21 =	sshll.u32 s5, $0x1;
	s3 =	sadd.s32 s20, s19  }
0x9c: {  	s22 =	simm.s32 $0x0;
	s4 =	sshll.u32 s4, $0x1;
	s5 =	sadd.s32 s21, s3  }
0x9d: {  	[timem:s22], [sflag:s6] =	dma.local [hbm:s5], s4  }
0x9e: {  	_ =	swait.ge [sflag:s6], s4  }
0x9f: {  	s4 =	ssub.s32 $0x0, s4;
	[sflag:s6] =	ssyncset.done $0x0  }
0xa0: {  	[sflag:s6] =	ssyncadd.s32 s4;
	_ =	sdelay $0x1  }
0xa1: {  	s23 =	simm.s32 $0x1B8B  }
0xa2: {  	_ =	swait.ge [sflag:s23], $0x1  }
0xa3: {  	[sflag:s23] =	ssyncset.done $0x0  }
0xa4: {  	[sflag:s23] =	ssyncadd.s32 $0xFFFFFFFF  }
0xa5: {  	s4 =	sld [smem:$0x0]  }
0xa6: {  	s5 =	sand.u32 $0xFFFFFFFE, s1  }
0xa7: {  	p0 =	sne.s32 s1, s5  }
0xa8: {  	s5 =	sshll.u32 @p0 s5, $0xE  }
0xa9: {  	s5 =	sadd.s32 @p0 $0x11B8D, s5;
	s6 =	sshll.u32 @p0 s4, $0x11  }
0xaa: {  	s5 =	sor.u32 @p0 s6, s5  }
0xab: {  	[sflag:s5] =	ssyncadd.remote.s32 @p0 $0x1;
	_ =	sdelay $0x1  }
0xac: {  	s5 =	simm.s32 @p0 $0x1B8D  }
0xad: {  	_ =	swait.eq @p0 [sflag:s5], $0x1  }
0xae: {  	[sflag:s5] =	ssyncadd.s32 @p0 $0xFFFFFFFF  }
0xaf: {  	s6 =	sshll.u32 @!p0 s1, $0xE  }
0xb0: {  	s6 =	sor.u32 @!p0 $0x4000, s6;
	s5 =	simm.s32 @!p0 $0x1B8D  }
0xb1: {  	s4 =	sshll.u32 @!p0 s4, $0x11;
	s6 =	sadd.s32 @!p0 $0x11B8D, s6;
	_ =	swait.eq @!p0 [sflag:s5], $0x1  }
0xb2: {  	s4 =	sor.u32 @!p0 s4, s6;
	[sflag:s5] =	ssyncadd.s32 @!p0 $0xFFFFFFFF  }
0xb3: {  	s25 =	simm.s32 $0x1B8E;
	s24 =	sld [smem:$0x3FFE];
	[sflag:s4] =	ssyncadd.remote.s32 @!p0 $0x1  }
0xb4: {  	s26 =	simm.s32 $execute0_lowered;
	[smem:$0x3FD2] =	sst s25  }
0xb5: {  	s5 =	sshll.u32 s26, $0x1;
	_ =	strace $0x8000004F;
	[dreg:$0x1] =	wrdreg $0xFFFFFFFF  }
0xb6: {  	s28 =	simm.s32 $_size_execute0_lowered;
	s3 =	sadd.s32 s3, s5;
	[dreg:$0x0] =	wrdreg $0x0  }
0xb7: {  	s5 =	sshll.u32 s28, $0x1;
	[dreg:$0x2] =	wrdreg s3  }
0xb8: {  	[dreg:$0x3] =	wrdreg s5  }
0xb9: {  	[dreg:$0x4] =	wrdreg $0xC0  }
0xba: {  	_ =	task [dreg:s22], $0x5FFFF  }
0xbb: {  	[dreg:$0x1] =	wrdreg $0xFFFFFFFF  }
0xbc: {  	[dreg:$0x0] =	wrdreg $0x60  }
0xbd: {  	[dreg:$0x2] =	wrdreg s24  }
0xbe: {  	[dreg:$0x3] =	wrdreg $0x9  }
0xbf: {  	_ =	task.clear_ibuf [dreg:s22], $0x4FFFF;
	_ =	strace $0x9000004F  }
0xc0: {  	s29 =	simm.s32 $0x9;
	_ =	strace $0x80000051  }
0xc1: {  	_ =	swait.ge [sflag:s29], $0x1  }
0xc2: {  	[sflag:s29] =	ssyncadd.s32 $0xFFFFFFFF  }
0xc3: {  	_ =	strace $0x90000051  }
0xc4: {  	_ =	sfence  }
0xc5: {  	s30 =	sld [smem:$0x0];
	_ =	sdelay $0x2  }
0xc6: {  	s31 =	sshll.u32 s1, $0xD;
	s1 =	sshrl.u32 s1, $0x2  }
0xc7: {  	s4 =	sand.u32 $0x4000, s31;
	s1 =	sadd.s32 s1, s30  }
0xc8: {  	s0 =	sor.u32 s4, s0;
	s1 =	sshll.u32 s1, $0x11  }
0xc9: {  	s0 =	sor.u32 s1, s0  }
0xca: {  	s0 =	sadd.s32 $0x8F2B, s0  }
0xcb: {  	[sflag:s0] =	ssyncadd.remote.s32 $0x1  }
0xcc: {  	_ =	sfence.sel $0xFFFF  }
0xcd: {  	[dreg:$0x0] =	wrdreg $0xFFFFFFFF;
	(pc) =	sbr.abs _section_cstart, $3  }
0xce: {  	[dreg:$0x1] =	wrdreg $0xFFFFFFFF  }
0xcf: {  	_ =	task.clear_ibuf [dreg:s22], $0x2FFFF;
	_ =	strace $0x9FFFFFFF  }
0xd0: {  	(tm) =	ssettm $0x7FFFFFFF  }
0xd1: {  	_ =	shalt  }
tec
execute0_lowered:
.L_overlay_start_1:
0x0: {  	(tag) =	ssettag $0x1  }
0x1: {  	s1 =	srdreg.scid;
	s0 =	stileid.u32  }
0x2: {  	s6 =	rddreg [dreg:$0x0];
	s7 =	simm.s32 $0x1;
	s1 =	sshll.u32 s1, $0x5  }
0x3: {  	s30 =	simm.s32 $0x2;
	s2 =	sshll.u32 s0, $0x6;
	s3 =	sand.u32 $0x20, s1  }
0x4: {  	s31 =	simm.s32 $0x3;
	s11 =	simm.s32 $0x0;
	s2 =	sor.u32 s2, s3  }
0x5: {  	s9 =	simm.s32 $0x0;
	s4 =	sadd.s32 $0x53E800, s6;
	s5 =	ssub.s32 $0x800, s2  }
0x6: {  	s1 =	rddreg [dreg:$0x1];
	_ =	strace $0x80000050;
	s8 =	sand.u32 $0x3E0, s5  }
0x7: {  	s3 =	sadd.s32 $0x546A00, s6;
	[sflag:s7] =	ssyncpa.u1 $0x0;
	p0 =	sne.s32 s8, $0x0  }
0x8: {  	s6 =	sadd.s32 $0x546E00, s6;
	s5 =	sshrl.u32 s5, $0xA;
	s7 =	simm.s32 @!p0 $0x0  }
0x9: {  	[sflag:s30] =	ssyncpa.u1 $0x0;
	s10 =	smov.u32 s2;
	s5 =	sadd.s32 s7, s5  }
0xa: {  	[sflag:s31] =	ssyncpa.u1 $0x0;
	s8 =	simm.s32 $0x0;
	s7 =	sadd.s32 $0x1, s5  }
.LBB2_1:
0xb: {  	p0 =	sge.u32 s9, s5  }
0xc: {  	s31 =	sadd.s32 $0xFFFFFFFF, s9;
	s12 =	sxor.u32 @!p0 $0xFFFFFFFF, s8;
	s13 =	sshrl.u32 @!p0 s10, $0x3  }
0xd: {  	s14 =	sand.u32 @!p0 $0x7, s10;
	s12 =	sand.u32 @!p0 $0x20, s12;
	s13 =	sadd.s32 @!p0 s4, s13  }
0xe: {  	[tilespmem:s12], [sflag:$0x2] =	stream.linear.gather @!p0 [hbm4b:s13+s14], $0x20, $0x38;
	[tilespmem:$0x80] =	vst v63  }
0xf: {  	p0 =	sge.u32 s31, s5  }
0x10: {  	s12 =	simm.s32 @!p0 $0x2  }
0x11: {  	_ =	swait.ge @!p0 [sflag:s12], $0x20  }
0x12: {  	[sflag:s12] =	ssyncset.done @!p0 $0x0  }
0x13: {  	[sflag:s12] =	ssyncadd.s32 @!p0 $0xFFFFFFE0;
	s12 =	sand.u32 @!p0 $0x20, s8  }
0x14: {  	(ifvalue) =	ssetifvalue @!p0 $0x7FFFFFFF;
	v0 =	vld.msk @!p0 [tilespmem:s12+$0x0 ss:$0x1], $0xffff;
	_ =	sdelay $0x4  }
0x15: {  	vm0 =	vgt.s32 @!p0 v0, $0x0  }
0x16: {  	v0 =	vnsel @!p0 vm0, $0x0, v0  }
0x17: {  	v0 =	vmin.u32 @!p0 v0, $0x7FF;
	_ =	sdelay $0x2  }
0x18: {  	s14 =	simm.s32 @!p0 $0x0  }
0x19: {  	s13 =	sor.u32 @!p0 $0x40, s12;
	(ifvalue) =	ssetifvalue @!p0 $0x7FFFFFFF;
	s15 =	sor.u32 @!p0 $0x10, s12;
	vm0 =	vmmov @!p0 $0xffff  }
0x1a: {  	[tilespmem:s13], [sflag:$0x1] =	stream.indirect_vreg.gather @!p0 [hbm4b:s3+s14], $0x1, v0, vm0, $0x4038;
	[tilespmem:$0x80] =	vst v63  }
0x1b: {  	v0 =	vld.msk @!p0 [tilespmem:s15+$0x0 ss:$0x1], $0xffff;
	_ =	sdelay $0x4  }
0x1c: {  	vm1 =	vgt.s32 @!p0 v0, $0x0  }
0x1d: {  	v0 =	vnsel @!p0 vm1, $0x0, v0  }
0x1e: {  	v0 =	vmin.u32 @!p0 v0, $0x7FF;
	_ =	sdelay $0x3  }
0x1f: {  	s12 =	sor.u32 @!p0 $0x50, s12;
	(ifvalue) =	ssetifvalue @!p0 $0x7FFFFFFF  }
0x20: {  	[tilespmem:s12], [sflag:$0x1] =	stream.indirect_vreg.gather @!p0 [hbm4b:s3+s14], $0x1, v0, vm0, $0x4038;
	[tilespmem:$0x80] =	vst v63  }
0x21: {  	s12 =	simm.s32 @!p0 $0x1  }
0x22: {  	_ =	swait.ge @!p0 [sflag:s12], $0x20  }
0x23: {  	s14 =	sshrl.u32 @!p0 s11, $0x3;
	[sflag:s12] =	ssyncset.done @!p0 $0x0  }
0x24: {  	s11 =	sand.u32 @!p0 $0x7, s11;
	[sflag:s12] =	ssyncadd.s32 @!p0 $0xFFFFFFE0;
	s12 =	sadd.s32 @!p0 s6, s14  }
0x25: {  	[hbm4b:s12+s11] =	stream.linear.scatter @!p0 [tilespmem:s13], [sflag:$0x3], $0x20, $0x38;
	[tilespmem:$0x80] =	vst v63  }
0x26: {  	s13 =	sadd.s32 $0x400, s10  }
0x27: {  	p1 =	sgt.s32 s13, $0x7FF  }
0x28: {  	s13 =	smov.u32 @p1 s2;
	p1 =	sne.s32 s9, s7  }
.Ltmp0:
0x29: {  	p0 =	slt.u32 s9, $0x2;
	(pc) =	sbr.rel @p1 .LBB2_1-.Ltmp0, $4  }
0x2a: {  	s12 =	simm.s32 @!p0 $0x3  }
0x2b: {  	_ =	swait.ge @!p0 [sflag:s12], $0x20  }
0x2c: {  	s8 =	sadd.s32 $0x20, s8;
	s11 =	smov.u32 s10;
	[sflag:s12] =	ssyncset.done @!p0 $0x0  }
0x2d: {  	s9 =	sadd.s32 $0x1, s9;
	s10 =	smov.u32 s13;
	[sflag:s12] =	ssyncadd.s32 @!p0 $0xFFFFFFE0  }
0x2e: {  	_ =	sfence.sel $0x180000  }
0x2f: {  	s2 =	simm.s32 $0x2;
	[bflag:$0x0] =	sbarrier.arrive $0xFFFF  }
0x30: {  	s30 =	simm.s32 $0x3;
	[sflag:s2] =	ssyncpa.u1 $0x1  }
0x31: {  	s31 =	simm.s32 $0x1;
	[sflag:s30] =	ssyncpa.u1 $0x1  }
0x32: {  	[sflag:s31] =	ssyncpa.u1 $0x1  }
0x33: {  	p0 =	sne.s32 s0, $0x0;
	_ =	strace $0x90000050  }
0x34: {  	s0 =	sadd.s32 @!p0 $0x100000, s1;
	[bflag:$0x2] =	sbarrier.arrive $0xFFFF  }
0x35: {  	[sflag:s0] =	ssyncadd.tile.s32 @!p0 $0x1;
	_ =	shalt  }
.Lfunc_end2:
_tile_overlayer_lowered:
.L_overlay_start_2:
0x36: {  	(tag) =	ssettag $0x2  }
0x37: {  	s0 =	rddreg [dreg:$0x0];
	s2 =	stileid.u32  }
0x38: {  	s1 =	rddreg [dreg:$0x1];
	p0 =	sne.s32 s2, $0x0  }
0x39: {  	s3 =	rddreg [dreg:$0x2];
	[bflag:$0x3] =	sbarrier.arrive $0xFFFF;
	s2 =	simm.s32 @!p0 $0x1C01  }
0x3a: {  	[timem:s3], [sflag:s2] =	dma.local @!p0 [hbm:s0], s1  }
0x3b: {  	s0 =	simm.s32 @!p0 $0x1  }
0x3c: {  	_ =	swait.ge @!p0 [sflag:s0], s1  }
0x3d: {  	s1 =	ssub.s32 @!p0 $0x0, s1;
	[sflag:s0] =	ssyncset.done @!p0 $0x0  }
0x3e: {  	[sflag:s0] =	ssyncadd.s32 @!p0 s1  }
0x3f: {  	[bflag:$0x3] =	sbarrier.arrive $0xFFFF  }
0x40: {  	_ =	shalt  }

// kernel: kernel.11.cloned.1.call-start
scs
__scs_entry_jumppad:
0x0: {  	(pc) =	sbr.rel $0x88, $3  }
0x1: {  	(tag) =	ssettag $0x0;
	lr =	simm.s32 $0x1  }
0x2: {  	[smem:$0x3F94] =	sst lr;
	_ =	strace $0xD0000000  }
0x3: {  	_ = 	snop  }
0x4: {  	_ = 	snop  }
0x5: {  	_ = 	snop  }
0x6: {  	_ = 	snop  }
0x7: {  	_ = 	snop  }
__scs_overlays_trampoline_lowered:
0x8: {  	[smem:$0x3FA3] =	sst s0  }
0x9: {  	[smem:$0x3FA4] =	sst s1  }
0xa: {  	[smem:$0x3FA5] =	sst s2  }
0xb: {  	[smem:$0x3FA6] =	sst s3  }
0xc: {  	[smem:$0x3FA7] =	sst s4  }
0xd: {  	[smem:$0x3FA8] =	sst s5  }
0xe: {  	[smem:$0x3FA9] =	sst s6  }
0xf: {  	[smem:$0x3FAA] =	sst s7  }
0x10: {  	[smem:$0x3FAB] =	sst s8  }
0x11: {  	[smem:$0x3FAC] =	sst s9;
	s0 =	simm.s32 @!p0 $0x0  }
0x12: {  	s1 =	sld [smem:$0x3F92];
	s0 =	simm.s32 @p0 $0x1  }
0x13: {  	[smem:$0x3FAD] =	sst s0;
	s0 =	simm.s32 @!p1 $0x0  }
0x14: {  	s2 =	sld [smem:$0x3F91];
	s0 =	simm.s32 @p1 $0x1  }
0x15: {  	[smem:$0x3FAE] =	sst s0;
	s0 =	simm.s32 @!p2 $0x0  }
0x16: {  	s3 =	sld [smem:$0x3FDB];
	s0 =	simm.s32 @p2 $0x1  }
0x17: {  	s4 =	simm.s32 $0x1BF5;
	[smem:$0x3FB0] =	sst s0  }
0x18: {  	s0 =	sld [smem:$0x3F93];
	_ =	swait.ge [sflag:s4], $0x0  }
0x19: {  	s7 =	sld [smem:$0x3F94]  }
0x1a: {  	s8 =	sadd.s32 $0xFFFFE003, lr  }
0x1b: {  	s9 =	sadd.s32 $0xFFFFFEF7, lr;
	s5 =	simm.s32 $0xFFFFFFFF;
	p2 =	slt.u32 s8, $0xFFFFF086  }
0x1c: {  	p1 =	slt.u32 s9, $0xF7A;
	s5 =	simm.s32 @!p2 $0x0  }
0x1d: {  	s5 =	simm.s32 @p1 $0x1;
	p0 =	seq.s32 s7, s2  }
0x1e: {  	s7 =	smul.u32 @!p0 $0xF7A, s2;
	p2 =	seq.s32 @!p0 s5, $0x0  }
0x1f: {  	s9 =	smul.u32 $0xF7A, s1;
	s8 =	simm.s32 @!p0 $0x1BF5;
	p2 =	por !p2, p0  }
0x20: {  	[sflag:s8] =	ssyncset.s32 @!p0 $0xFFFFF086;
	s6 =	sadd.s32 @!p0 s3, s7;
	s7 =	simm.s32 @!p0 $0x108  }
0x21: {  	s3 =	sadd.s32 s3, s9;
	s6 =	sadd.s32 @!p0 $0x88, s6;
	s7 =	simm.s32 @p2 $0x1082  }
0x22: {  	[simem:s7], [sflag:s8] =	dma.local @!p0 [hbm:s6], $0xF7A  }
0x23: {  	s9 =	sor.u32 $0xD0000000, s2;
	s6 =	simm.s32 $0x108;
	_ =	swait.ge @!p0 [sflag:s8], $0x0  }
0x24: {  	s3 =	sadd.s32 $0x88, s3;
	s6 =	simm.s32 @!p1 $0x1082;
	[sflag:s4] =	ssyncset.s32 $0xFFFFF086  }
0x25: {  	[simem:s6], [sflag:s4] =	dma.local [hbm:s3], $0xF7A  }
0x26: {  	[smem:$0x3F94] =	sst s1;
	(tag) =	ssettag s2;
	_ =	strace s9  }
0x27: {  	s1 =	sld [smem:$0x3FA4]  }
0x28: {  	s2 =	sld [smem:$0x3FA5]  }
0x29: {  	s4 =	sld [smem:$0x3FA7]  }
0x2a: {  	p0 =	seq.s32 s5, $0x0;
	s5 =	sld [smem:$0x3FA8]  }
0x2b: {  	s6 =	sld [smem:$0x3FA9]  }
0x2c: {  	s7 =	sld [smem:$0x3FAA]  }
0x2d: {  	s3 =	simm.s32 $0x108;
	s8 =	sld [smem:$0x3FAB]  }
0x2e: {  	s3 =	simm.s32 @!p0 $0x1082;
	s9 =	sld [smem:$0x3FAC]  }
0x2f: {  	lr =	sadd.s32 s0, s3;
	s0 =	sld [smem:$0x3FA3]  }
0x30: {  	s3 =	sld [smem:$0x3FA6]  }
0x31: {  	[smem:$0x3FAF] =	sst s10  }
0x32: {  	s10 =	sld [smem:$0x3FAD];
	_ =	sdelay $0x3  }
0x33: {  	p0 =	seq.s32 s10, $0x1;
	s10 =	sld [smem:$0x3FAF];
	_ =	sdelay $0x3  }
0x34: {  	[smem:$0x3FAF] =	sst s10  }
0x35: {  	s10 =	sld [smem:$0x3FAE];
	_ =	sdelay $0x3  }
0x36: {  	p1 =	seq.s32 s10, $0x1;
	s10 =	sld [smem:$0x3FAF];
	_ =	sdelay $0x3  }
0x37: {  	[smem:$0x3FAF] =	sst s10  }
0x38: {  	s10 =	sld [smem:$0x3FB0]  }
0x39: {  	_ = 	snop;
	(pc) =	sbr.ind lr, $3  }
0x3a: {  	_ = 	snop  }
0x3b: {  	_ = 	snop  }
0x3c: {  	p2 =	seq.s32 s10, $0x1;
	s10 =	sld [smem:$0x3FAF]  }
0x3d: {  	_ =	shalt  }
0x3e: {  	_ =	shalt  }
0x3f: {  	_ =	shalt  }
0x40: {  	_ =	shalt  }
0x41: {  	_ =	shalt  }
0x42: {  	_ =	shalt  }
0x43: {  	_ =	shalt  }
0x44: {  	_ =	shalt  }
0x45: {  	_ =	shalt  }
0x46: {  	_ =	shalt  }
0x47: {  	_ =	shalt  }
0x48: {  	_ =	shalt  }
0x49: {  	_ =	shalt  }
0x4a: {  	_ =	shalt  }
0x4b: {  	_ =	shalt  }
0x4c: {  	_ =	shalt  }
0x4d: {  	_ =	shalt  }
0x4e: {  	_ =	shalt  }
0x4f: {  	_ =	shalt  }
0x50: {  	_ =	shalt  }
0x51: {  	_ =	shalt  }
0x52: {  	_ =	shalt  }
0x53: {  	_ =	shalt  }
0x54: {  	_ =	shalt  }
0x55: {  	_ =	shalt  }
0x56: {  	_ =	shalt  }
0x57: {  	_ =	shalt  }
0x58: {  	_ =	shalt  }
0x59: {  	_ =	shalt  }
0x5a: {  	_ =	shalt  }
0x5b: {  	_ =	shalt  }
0x5c: {  	_ =	shalt  }
0x5d: {  	_ =	shalt  }
0x5e: {  	_ =	shalt  }
0x5f: {  	_ =	shalt  }
0x60: {  	_ =	shalt  }
0x61: {  	_ =	shalt  }
0x62: {  	_ =	shalt  }
0x63: {  	_ =	shalt  }
0x64: {  	_ =	shalt  }
0x65: {  	_ =	shalt  }
0x66: {  	_ =	shalt  }
0x67: {  	_ =	shalt  }
0x68: {  	_ =	shalt  }
0x69: {  	_ =	shalt  }
0x6a: {  	_ =	shalt  }
0x6b: {  	_ =	shalt  }
0x6c: {  	_ =	shalt  }
0x6d: {  	_ =	shalt  }
0x6e: {  	_ =	shalt  }
0x6f: {  	_ =	shalt  }
0x70: {  	_ =	shalt  }
0x71: {  	_ =	shalt  }
0x72: {  	_ =	shalt  }
0x73: {  	_ =	shalt  }
0x74: {  	_ =	shalt  }
0x75: {  	_ =	shalt  }
0x76: {  	_ =	shalt  }
0x77: {  	_ =	shalt  }
0x78: {  	_ =	shalt  }
0x79: {  	_ =	shalt  }
0x7a: {  	_ =	shalt  }
0x7b: {  	_ =	shalt  }
0x7c: {  	_ =	shalt  }
0x7d: {  	_ =	shalt  }
0x7e: {  	_ =	shalt  }
0x7f: {  	_ =	shalt  }
0x80: {  	_ =	shalt  }
0x81: {  	_ =	shalt  }
0x82: {  	_ =	shalt  }
0x83: {  	_ =	shalt  }
0x84: {  	_ =	shalt  }
0x85: {  	_ =	shalt  }
0x86: {  	_ =	shalt  }
0x87: {  	_ =	shalt  }
.Lfunc_end0:
.L_simem_size_0:
called_computation.2_lowered:
.L_overlay_start_0:
0x88: {  	s2 =	sld [smem:$0x3FD9]  }
0x89: {  	s3 =	sld [smem:$0x3FFE];
	_ =	sdelay $0x1  }
0x8a: {  	s1 =	srdreg.scid  }
0x8b: {  	s0 =	sand.u32 $0x1, s1  }
0x8c: {  	s17 =	sshll.u32 s0, $0xA;
	s2 =	sadd.s32 s3, s2  }
0x8d: {  	s2 =	sadd.s32 s2, s17  }
0x8e: {  	[smem:$0x3FBB] =	sst s2  }
0x8f: {  	_ = 	snop  }
0x90: {  	s2 =	sld [smem:$0x3FD0];
	(tm) =	ssettm $0x1  }
0x91: {  	s18 =	sld [smem:$0x3FFB];
	_ =	sdelay $0x3  }
0x92: {  	_ =	strace s18  }
0x93: {  	s3 =	sld [smem:$0x3FFC];
	_ =	sdelay $0x3  }
0x94: {  	_ =	strace s3  }
0x95: {  	s3 =	sld [smem:$0x3FFD];
	_ =	sdelay $0x3  }
0x96: {  	_ =	strace s3  }
0x97: {  	_ =	strace $0x8FFFFFFF  }
0x98: {  	s19 =	sld [smem:$0x3FDB];
	_ =	sdelay $0x1  }
0x99: {  	s4 =	simm.s32 $_scs_section_size  }
0x9a: {  	s5 =	simm.s32 $_size__tile_overlayer_lowered;
	s6 =	simm.s32 $_tile_overlayer_lowered  }
0x9b: {  	s22 =	simm.s32 $0x1BFF;
	s21 =	sshll.u32 s6, $0x1;
	s3 =	sadd.s32 s4, s19  }
0x9c: {  	s7 =	simm.s32 $0x0;
	s20 =	sshll.u32 s5, $0x1;
	s5 =	sadd.s32 s21, s3  }
0x9d: {  	[timem:s7], [sflag:s22] =	dma.local [hbm:s5], s20  }
0x9e: {  	_ =	swait.ge [sflag:s22], s20  }
0x9f: {  	s4 =	ssub.s32 $0x0, s20;
	[sflag:s22] =	ssyncset.done $0x0  }
0xa0: {  	[sflag:s22] =	ssyncadd.s32 s4;
	_ =	sdelay $0x1  }
0xa1: {  	s23 =	simm.s32 $0x1B8B  }
0xa2: {  	_ =	swait.ge [sflag:s23], $0x1  }
0xa3: {  	[sflag:s23] =	ssyncset.done $0x0  }
0xa4: {  	s25 =	simm.s32 $0x1B8E;
	s24 =	sld [smem:$0x3FFE];
	[sflag:s23] =	ssyncadd.s32 $0xFFFFFFFF  }
0xa5: {  	s26 =	simm.s32 $execute0_lowered;
	[smem:$0x3FD2] =	sst s25  }
0xa6: {  	s5 =	sshll.u32 s26, $0x1;
	_ =	strace $0x80000049;
	[dreg:$0x1] =	wrdreg $0xFFFFFFFF  }
0xa7: {  	s28 =	simm.s32 $_size_execute0_lowered;
	s3 =	sadd.s32 s3, s5;
	[dreg:$0x0] =	wrdreg $0x0  }
0xa8: {  	s5 =	sshll.u32 s28, $0x1;
	[dreg:$0x2] =	wrdreg s3  }
0xa9: {  	[dreg:$0x3] =	wrdreg s5  }
0xaa: {  	[dreg:$0x4] =	wrdreg $0xC0  }
0xab: {  	_ =	task [dreg:s7], $0x5FFFF  }
0xac: {  	[dreg:$0x1] =	wrdreg $0xFFFFFFFF  }
0xad: {  	[dreg:$0x0] =	wrdreg $0x60  }
0xae: {  	[dreg:$0x2] =	wrdreg s24  }
0xaf: {  	[dreg:$0x3] =	wrdreg s2  }
0xb0: {  	[dreg:$0x4] =	wrdreg $0x7A000  }
0xb1: {  	[dreg:$0x5] =	wrdreg $0x9  }
0xb2: {  	_ =	task.clear_ibuf [dreg:s7], $0x6FFFF;
	_ =	strace $0x90000049  }
0xb3: {  	s29 =	simm.s32 $0x9;
	_ =	strace $0x8000004B  }
0xb4: {  	_ =	swait.ge [sflag:s29], $0x1  }
0xb5: {  	[sflag:s29] =	ssyncadd.s32 $0xFFFFFFFF  }
0xb6: {  	_ =	strace $0x9000004B  }
0xb7: {  	_ =	sfence  }
0xb8: {  	s30 =	sld [smem:$0x0];
	_ =	sdelay $0x2  }
0xb9: {  	s31 =	sshll.u32 s1, $0xD;
	s1 =	sshrl.u32 s1, $0x2  }
0xba: {  	s3 =	sand.u32 $0x4000, s31;
	s1 =	sadd.s32 s1, s30  }
0xbb: {  	s0 =	sor.u32 s3, s0;
	s1 =	sshll.u32 s1, $0x11  }
0xbc: {  	s0 =	sor.u32 s1, s0  }
0xbd: {  	s0 =	sadd.s32 $0x8F2B, s0  }
0xbe: {  	[sflag:s0] =	ssyncadd.remote.s32 $0x1  }
0xbf: {  	_ =	sfence.sel $0xFFFF  }
0xc0: {  	[dreg:$0x0] =	wrdreg $0xFFFFFFFF;
	(pc) =	sbr.abs _section_cstart, $3  }
0xc1: {  	[dreg:$0x1] =	wrdreg $0xFFFFFFFF  }
0xc2: {  	_ =	task.clear_ibuf [dreg:s7], $0x2FFFF;
	_ =	strace $0x9FFFFFFF  }
0xc3: {  	(tm) =	ssettm $0x7FFFFFFF  }
tec
execute0_lowered:
.L_overlay_start_1:
0x0: {  	(tag) =	ssettag $0x1  }
0x1: {  	s0 =	rddreg [dreg:$0x0]  }
0x2: {  	s2 =	rddreg [dreg:$0x1]  }
0x3: {  	s1 =	rddreg [dreg:$0x2];
	s3 =	simm.s32 $0x0  }
0x4: {  	s4 =	srdreg.scid;
	s13 =	stileid.u32;
	s28 =	simm.s32 $0x2  }
0x5: {  	s29 =	simm.s32 $0x2A00;
	s30 =	simm.s32 $0x180;
	s31 =	simm.s32 $0x5  }
0x6: {  	[smem:$0x7FF] =	sst s3;
	s7 =	sand.u32 $0x1, s4;
	s6 =	smul.u32 $0x4E20, s13  }
0x7: {  	s8 =	sadd.s32 $0x4600, s0;
	s4 =	sadd.s32 $0x5C800, s0;
	s20 =	smul.u32 $0xA000, s13  }
0x8: {  	p0 =	slt.u32 s13, $0xD;
	s23 =	smul.u32 $0x9C4, s13;
	s5 =	ssub.s32 $0x2, s7  }
0x9: {  	s25 =	smul.u32 $0x2800, s13;
	_ =	strace $0x8000004A;
	s9 =	sshrl.u32 s5, $0x1  }
0xa: {  	s10 =	sshrl.u32 s6, $0x3;
	s6 =	simm.s32 $0x8;
	s24 =	sshrl.u32 s20, $0x2  }
0xb: {  	s17 =	sadd.s32 s23, s2;
	s20 =	simm.s32 $0x5200;
	s9 =	ssub.s32 s5, s9  }
0xc: {  	s5 =	simm.s32 $0x8;
	s12 =	sadd.s32 $0xA, s10;
	s6 =	simm.s32 @!p0 $0x7  }
0xd: {  	s14 =	sadd.s32 s8, s10;
	s18 =	sadd.s32 s2, s10;
	p0 =	seq.s32 s7, $0x0  }
0xe: {  	s7 =	smul.u32 $0x138800, s7;
	s19 =	sadd.s32 $0x14, s10;
	s10 =	simm.s32 $0x0  }
0xf: {  	s11 =	sadd.s32 s8, s12;
	[dreg:$0x5] =	wrdreg s18;
	s9 =	smax.u32 s9, $0x1  }
0x10: {  	s21 =	sadd.s32 s2, s12;
	s22 =	sadd.s32 s8, s19;
	[dreg:$0x4] =	wrdreg s11  }
0x11: {  	s15 =	smov.u32 s14;
	s26 =	sadd.s32 $0x1E, s14;
	[dreg:$0x6] =	wrdreg s9  }
0x12: {  	s12 =	sadd.s32 s24, s1;
	s18 =	sadd.s32 s23, s8;
	[dreg:$0x7] =	wrdreg s21  }
0x13: {  	s23 =	simm.s32 $0x80;
	s24 =	simm.s32 $0x1;
	[dreg:$0x8] =	wrdreg s22  }
0x14: {  	s8 =	simm.s32 $0x6;
	s11 =	simm.s32 $0xE400;
	[dreg:$0xa] =	wrdreg s26  }
0x15: {  	s13 =	sadd.s32 s25, s7;
	s21 =	simm.s32 $0x9;
	s22 =	simm.s32 $0x100  }
0x16: {  	s25 =	simm.s32 $0x50;
	s26 =	simm.s32 $0x200;
	s11 =	simm.s32 @!p0 $0x35600  }
0x17: {  	s9 =	simm.s32 $0x4;
	s11 =	sadd.s32 s11, s0;
	s0 =	sadd.s32 s2, s19  }
0x18: {  	v0 =	vimm.f32 $0.0e+00;
	s2 =	simm.s32 $0x7;
	[dreg:$0x9] =	wrdreg s0;
	s0 =	simm.s32 $0x3  }
.LBB2_1:
0x19: {  	s7 =	simm.s32 $0x0;
	s16 =	simm.s32 $0x200  }
.LBB2_2:
0x1a: {  	p0 =	sne.s32 s16, $0x9E00;
	[tilespmem:s7+$0x5270] =	vst v0  }
0x1b: {  	[tilespmem:s7+$0x5200] =	vst v0  }
0x1c: {  	[tilespmem:s7+$0x5210] =	vst v0  }
.Ltmp0:
0x1d: {  	[tilespmem:s7+$0x5220] =	vst v0;
	(pc) =	sbr.rel @p0 .LBB2_2-.Ltmp0, $4  }
0x1e: {  	[tilespmem:s7+$0x5230] =	vst v0  }
0x1f: {  	[tilespmem:s7+$0x5240] =	vst v0  }
0x20: {  	[tilespmem:s7+$0x5250] =	vst v0  }
0x21: {  	[tilespmem:s7+$0x5260] =	vst v0;
	s7 =	sshra.s32 s16, $0x2;
	s16 =	sadd.s32 $0x200, s16  }
0x22: {  	[tilespmem:s7+$0x5270] =	vst v0  }
0x23: {  	[tilespmem:s7+$0x5200] =	vst v0  }
0x24: {  	[tilespmem:s7+$0x5210] =	vst v0  }
0x25: {  	[tilespmem:s7+$0x5220] =	vst v0  }
0x26: {  	[tilespmem:s7+$0x5230] =	vst v0  }
0x27: {  	[tilespmem:s7+$0x5240] =	vst v0;
	p0 =	sne.s32 s6, $0x1  }
.Ltmp1:
0x28: {  	[tilespmem:s7+$0x5250] =	vst v0;
	(pc) =	sbr.rel @!p0 .LBB2_5-.Ltmp1, $4  }
0x29: {  	[tilespmem:s7+$0x5260] =	vst v0  }
0x2a: {  	[spmem:s12] =	stream.linear.scatter [tilespmem:s20], [sflag:$0x9], $0x2800, $0x38;
	[tilespmem:$0x1B280] =	vst v63  }
0x2b: {  	_ =	swait.ge [sflag:s21], $0x2800  }
0x2c: {  	s7 =	sadd.s32 $0xFFFFFFFF, s6;
	s16 =	smov.u32 s12;
	[sflag:s21] =	ssyncset.done $0x0  }
.LBB2_4:
0x2d: {  	p1 =	sne.s32 s7, $0x1;
	[sflag:s21] =	ssyncadd.s32 $0xFFFFD800;
	s16 =	sadd.s32 $0x28000, s16  }
.Ltmp2:
0x2e: {  	s7 =	sadd.s32 $0xFFFFFFFF, s7;
	(pc) =	sbr.rel @p1 .LBB2_4-.Ltmp2, $4  }
0x2f: {  	_ = 	snop  }
0x30: {  	[spmem:s16] =	stream.linear.scatter [tilespmem:s20], [sflag:$0x9], $0x2800, $0x38;
	[tilespmem:$0x1B280] =	vst v63  }
0x31: {  	_ =	swait.ge [sflag:s21], $0x2800  }
0x32: {  	[sflag:s21] =	ssyncset.done $0x0  }
.LBB2_5:
0x33: {  	[sflag:s21] =	ssyncadd.s32 $0xFFFFD800  }
0x34: {  	[bflag:$0x0] =	sbarrier.arrive $0xFFFF  }
0x35: {  	[tilespmem:s3], [sflag:$0x1] =	stream.linear.gather [hbm4b:s15+s3], $0x50, $0x38;
	[tilespmem:$0x1B280] =	vst v63  }
0x36: {  	s7 =	rddreg [dreg:$0x4]  }
0x37: {  	[tilespmem:s22], [sflag:$0x2] =	stream.linear.gather [hbm4b:s7+s3], $0x50, $0x38;
	[tilespmem:$0x1B280] =	vst v63  }
0x38: {  	s16 =	rddreg [dreg:$0x5]  }
0x39: {  	[tilespmem:s23], [sflag:$0x3] =	stream.linear.gather [hbm4b:s16+s3], $0x50, $0x38;
	[tilespmem:$0x1B280] =	vst v63  }
0x3a: {  	_ =	swait.ge [sflag:s24], $0x50  }
0x3b: {  	[sflag:s24] =	ssyncset.done $0x0  }
0x3c: {  	[sflag:s24] =	ssyncadd.s32 $0xFFFFFFB0  }
0x3d: {  	[tilespmem:s26], [sflag:$0x5] =	stream.indirect.gather [hbm4b:s11+s25], $0x80, s3, s25, $0xb8;
	[tilespmem:$0x1B280] =	vst v63  }
0x3e: {  	_ =	swait.ge [sflag:s28], $0x50  }
0x3f: {  	[sflag:s28] =	ssyncset.done $0x0  }
0x40: {  	[sflag:s28] =	ssyncadd.s32 $0xFFFFFFB0  }
0x41: {  	[tilespmem:s29], [sflag:$0x6] =	stream.indirect.gather [hbm4b:s11+s25], $0x80, s22, s25, $0xb8;
	[tilespmem:$0x1B280] =	vst v63  }
0x42: {  	s19 =	rddreg [dreg:$0x7]  }
0x43: {  	[tilespmem:s30], [sflag:$0x4] =	stream.linear.gather [hbm4b:s19+s3], $0x50, $0x38;
	[tilespmem:$0x1B280] =	vst v63  }
0x44: {  	_ =	swait.ge [sflag:s31], $0x2800  }
0x45: {  	[sflag:s31] =	ssyncset.done $0x0  }
0x46: {  	[sflag:s31] =	ssyncadd.s32 $0xFFFFD800  }
0x47: {  	_ =	swait.ge [sflag:s0], $0x50  }
0x48: {  	[sflag:s0] =	ssyncset.done $0x0  }
0x49: {  	[sflag:s0] =	ssyncadd.s32 $0xFFFFFFB0  }
0x4a: {  	[spmem:s1] =	stream.indirect.scatter.add.f32 [tilespmem:s26], [sflag:$0x7], $0x80, s23, s25, $0xb8;
	[tilespmem:$0x1B280] =	vst v63  }
0x4b: {  	s14 =	rddreg [dreg:$0x8]  }
0x4c: {  	[tilespmem:s3], [sflag:$0x1] =	stream.linear.gather [hbm4b:s14+s3], $0x50, $0x38;
	[tilespmem:$0x1B280] =	vst v63  }
0x4d: {  	_ =	swait.ge [sflag:s2], $0x2800  }
0x4e: {  	[sflag:s2] =	ssyncset.done $0x0  }
0x4f: {  	[sflag:s2] =	ssyncadd.s32 $0xFFFFD800  }
0x50: {  	_ =	swait.ge [sflag:s24], $0x50  }
0x51: {  	[sflag:s24] =	ssyncset.done $0x0  }
0x52: {  	[sflag:s24] =	ssyncadd.s32 $0xFFFFFFB0  }
0x53: {  	[tilespmem:s26], [sflag:$0x5] =	stream.indirect.gather [hbm4b:s11+s25], $0x80, s3, s25, $0xb8;
	[tilespmem:$0x1B280] =	vst v63  }
0x54: {  	s16 =	rddreg [dreg:$0x9]  }
0x55: {  	[tilespmem:s23], [sflag:$0x3] =	stream.linear.gather [hbm4b:s16+s3], $0x50, $0x38;
	[tilespmem:$0x1B280] =	vst v63  }
0x56: {  	_ =	swait.ge [sflag:s8], $0x2800  }
0x57: {  	[sflag:s8] =	ssyncset.done $0x0  }
0x58: {  	[sflag:s8] =	ssyncadd.s32 $0xFFFFD800  }
0x59: {  	_ =	swait.ge [sflag:s9], $0x50  }
0x5a: {  	[sflag:s9] =	ssyncset.done $0x0  }
0x5b: {  	[sflag:s9] =	ssyncadd.s32 $0xFFFFFFB0  }
0x5c: {  	[spmem:s1] =	stream.indirect.scatter.add.f32 [tilespmem:s29], [sflag:$0x8], $0x80, s30, s25, $0xb8;
	[tilespmem:$0x1B280] =	vst v63  }
0x5d: {  	s7 =	simm.s32 $0xFFFFF664;
	s19 =	rddreg [dreg:$0xa]  }
0x5e: {  	[tilespmem:s22], [sflag:$0x2] =	stream.linear.gather [hbm4b:s19+s3], $0x50, $0x38;
	[tilespmem:$0x1B280] =	vst v63  }
.LBB2_6:
0x5f: {  	_ =	swait.ge [sflag:s5], $0x2800  }
0x60: {  	[sflag:s5] =	ssyncset.done $0x0  }
0x61: {  	[sflag:s5] =	ssyncadd.s32 $0xFFFFD800  }
0x62: {  	_ =	swait.ge [sflag:s28], $0x50  }
0x63: {  	[sflag:s28] =	ssyncset.done $0x0  }
0x64: {  	s16 =	sadd.s32 s7, s17;
	[sflag:s28] =	ssyncadd.s32 $0xFFFFFFB0  }
0x65: {  	[tilespmem:s29], [sflag:$0x6] =	stream.indirect.gather [hbm4b:s11+s25], $0x80, s22, s25, $0xb8;
	[tilespmem:$0x1B280] =	vst v63  }
0x66: {  	s16 =	sadd.s32 $0x9BA, s16  }
0x67: {  	[tilespmem:s30], [sflag:$0x4] =	stream.linear.gather [hbm4b:s16+s3], $0x50, $0x38;
	[tilespmem:$0x1B280] =	vst v63  }
0x68: {  	_ =	swait.ge [sflag:s31], $0x2800  }
0x69: {  	[sflag:s31] =	ssyncset.done $0x0  }
0x6a: {  	[sflag:s31] =	ssyncadd.s32 $0xFFFFD800  }
0x6b: {  	_ =	swait.ge [sflag:s0], $0x50  }
0x6c: {  	p1 =	seq.s32 s7, $0x0;
	[sflag:s0] =	ssyncset.done $0x0  }
0x6d: {  	s16 =	simm.s32 @p1 $0x7;
	[sflag:s0] =	ssyncadd.s32 $0xFFFFFFB0  }
0x6e: {  	[spmem:s1] =	stream.indirect.scatter.add.f32 [tilespmem:s26], [sflag:$0x7], $0x80, s23, s25, $0xb8;
	[tilespmem:$0x1B280] =	vst v63  }
0x6f: {  	_ =	swait.ge @p1 [sflag:s16], $0x2800  }
0x70: {  	s19 =	sadd.s32 @!p1 s7, s18;
	[sflag:s16] =	ssyncset.done @p1 $0x0  }
0x71: {  	[sflag:s16] =	ssyncadd.s32 @p1 $0xFFFFD800;
	s16 =	sadd.s32 @!p1 $0x9C4, s19;
	s19 =	simm.s32 @!p1 $0x0  }
0x72: {  	[tilespmem:s19], [sflag:$0x1] =	stream.linear.gather @!p1 [hbm4b:s16+s19], $0x50, $0x38;
	[tilespmem:$0x1B280] =	vst v63  }
0x73: {  	s16 =	simm.s32 @!p1 $0x7  }
0x74: {  	_ =	swait.ge @!p1 [sflag:s16], $0x2800  }
0x75: {  	[sflag:s16] =	ssyncset.done @!p1 $0x0  }
0x76: {  	[sflag:s16] =	ssyncadd.s32 @!p1 $0xFFFFD800;
	s16 =	simm.s32 @!p1 $0x1  }
0x77: {  	_ =	swait.ge @!p1 [sflag:s16], $0x50  }
0x78: {  	[sflag:s16] =	ssyncset.done @!p1 $0x0  }
0x79: {  	s14 =	simm.s32 @!p1 $0x200;
	[sflag:s16] =	ssyncadd.s32 @!p1 $0xFFFFFFB0;
	s16 =	simm.s32 @!p1 $0x50  }
0x7a: {  	[tilespmem:s14], [sflag:$0x5] =	stream.indirect.gather @!p1 [hbm4b:s11+s16], $0x80, s19, s16, $0xb8;
	[tilespmem:$0x1B280] =	vst v63  }
0x7b: {  	s14 =	sadd.s32 @!p1 s7, s17  }
0x7c: {  	s16 =	simm.s32 @!p1 $0x80;
	s14 =	sadd.s32 @!p1 $0x9C4, s14  }
0x7d: {  	[tilespmem:s16], [sflag:$0x3] =	stream.linear.gather @!p1 [hbm4b:s14+s19], $0x50, $0x38;
	[tilespmem:$0x1B280] =	vst v63  }
0x7e: {  	_ =	swait.ge [sflag:s8], $0x2800  }
0x7f: {  	[sflag:s8] =	ssyncset.done $0x0  }
.Ltmp3:
0x80: {  	[sflag:s8] =	ssyncadd.s32 $0xFFFFD800;
	(pc) =	sbr.rel @p1 .LBB2_8-.Ltmp3, $4  }
0x81: {  	_ =	swait.ge [sflag:s9], $0x50  }
0x82: {  	[sflag:s9] =	ssyncset.done $0x0  }
0x83: {  	[sflag:s9] =	ssyncadd.s32 $0xFFFFFFB0  }
0x84: {  	[spmem:s1] =	stream.indirect.scatter.add.f32 [tilespmem:s29], [sflag:$0x8], $0x80, s30, s25, $0xb8;
	[tilespmem:$0x1B280] =	vst v63  }
.Ltmp4:
0x85: {  	(pc) =	sbr.rel .LBB2_6-.Ltmp4, $4  }
0x86: {  	_ = 	snop  }
0x87: {  	s14 =	sadd.s32 s7, s18  }
0x88: {  	s7 =	sadd.s32 $0x14, s7;
	s14 =	sadd.s32 $0x9CE, s14  }
0x89: {  	[tilespmem:s22], [sflag:$0x2] =	stream.linear.gather [hbm4b:s14+s3], $0x50, $0x38;
	[tilespmem:$0x1B280] =	vst v63  }
.LBB2_8:
0x8a: {  	_ =	swait.ge [sflag:s5], $0x2800  }
0x8b: {  	[sflag:s5] =	ssyncset.done $0x0  }
0x8c: {  	[sflag:s5] =	ssyncadd.s32 $0xFFFFD800  }
0x8d: {  	[bflag:$0x0] =	sbarrier.arrive $0xFFFF  }
0x8e: {  	[tilespmem:s20], [sflag:$0x9] =	stream.linear.gather [spmem:s12], $0x2800, $0x38;
	[tilespmem:$0x1B280] =	vst v63  }
0x8f: {  	_ =	swait.ge [sflag:s21], $0x2800  }
.Ltmp5:
0x90: {  	s7 =	sshrl.u32 s13, $0x3;
	[sflag:s21] =	ssyncset.done $0x0;
	(pc) =	sbr.rel @!p0 .LBB2_10-.Ltmp5, $4  }
0x91: {  	s7 =	sadd.s32 s4, s7;
	[sflag:s21] =	ssyncadd.s32 $0xFFFFD800  }
0x92: {  	[hbm4b:s7+s3] =	stream.linear.scatter [tilespmem:s20], [sflag:$0x9], $0x2800, $0x38;
	[tilespmem:$0x1B280] =	vst v63  }
0x93: {  	s16 =	smov.u32 s12;
	_ =	swait.ge [sflag:s21], $0x2800  }
0x94: {  	s19 =	smov.u32 s13;
	s7 =	sadd.s32 $0xFFFFFFFF, s6;
	[sflag:s21] =	ssyncset.done $0x0  }
.LBB2_9:
0x95: {  	[sflag:s21] =	ssyncadd.s32 $0xFFFFD800;
	s16 =	sadd.s32 $0x28000, s16;
	s19 =	sadd.s32 $0x28000, s19  }
0x96: {  	[tilespmem:s20], [sflag:$0x9] =	stream.linear.gather [spmem:s16], $0x2800, $0x38;
	[tilespmem:$0x1B280] =	vst v63  }
0x97: {  	p0 =	sne.s32 s7, $0x1;
	s7 =	sadd.s32 $0xFFFFFFFF, s7;
	_ =	swait.ge [sflag:s21], $0x2800  }
.Ltmp6:
0x98: {  	s14 =	sshrl.u32 s19, $0x3;
	[sflag:s21] =	ssyncset.done $0x0;
	(pc) =	sbr.rel @p0 .LBB2_9-.Ltmp6, $4  }
0x99: {  	s14 =	sadd.s32 s4, s14;
	[sflag:s21] =	ssyncadd.s32 $0xFFFFD800  }
0x9a: {  	[hbm4b:s14+s3] =	stream.linear.scatter [tilespmem:s20], [sflag:$0x9], $0x2800, $0x38;
	[tilespmem:$0x1B280] =	vst v63  }
0x9b: {  	_ =	swait.ge [sflag:s21], $0x2800  }
0x9c: {  	[sflag:s21] =	ssyncset.done $0x0  }
.LBB2_10:
0x9d: {  	s10 =	sadd.s32 $0x1, s10;
	s7 =	rddreg [dreg:$0x6]  }
0x9e: {  	p0 =	sne.s32 s10, s7  }
.Ltmp7:
0x9f: {  	_ = 	snop;
	(pc) =	sbr.rel @p0 .LBB2_1-.Ltmp7, $2  }
0xa0: {  	_ =	sdelay $0x2  }
0xa1: {  	[sflag:s21] =	ssyncadd.s32 $0xFFFFD800  }
0xa2: {  	_ =	sfence.sel $0x180000  }
0xa3: {  	[bflag:$0x0] =	sbarrier.arrive $0xFFFF  }
0xa4: {  	_ =	strace $0x9000004A  }
0xa5: {  	s0 =	stileid.u32;
	[bflag:$0x2] =	sbarrier.arrive $0xFFFF  }
0xa6: {  	p0 =	sne.s32 s0, $0x0;
	s0 =	rddreg [dreg:$0x3]  }
0xa7: {  	s0 =	sadd.s32 @!p0 $0x100000, s0  }
0xa8: {  	[sflag:s0] =	ssyncadd.tile.s32 @!p0 $0x1;
	_ =	shalt  }
.Lfunc_end2:
_tile_overlayer_lowered:
.L_overlay_start_2:
0xa9: {  	(tag) =	ssettag $0x2  }
0xaa: {  	s0 =	rddreg [dreg:$0x0];
	s2 =	stileid.u32  }
0xab: {  	s1 =	rddreg [dreg:$0x1];
	p0 =	sne.s32 s2, $0x0  }
0xac: {  	s3 =	rddreg [dreg:$0x2];
	[bflag:$0x3] =	sbarrier.arrive $0xFFFF;
	s2 =	simm.s32 @!p0 $0x1C09  }
0xad: {  	[timem:s3], [sflag:s2] =	dma.local @!p0 [hbm:s0], s1  }
0xae: {  	s0 =	simm.s32 @!p0 $0x9  }
0xaf: {  	_ =	swait.ge @!p0 [sflag:s0], s1  }
0xb0: {  	s1 =	ssub.s32 @!p0 $0x0, s1;
	[sflag:s0] =	ssyncset.done @!p0 $0x0  }
0xb1: {  	[sflag:s0] =	ssyncadd.s32 @!p0 s1  }
0xb2: {  	[bflag:$0x3] =	sbarrier.arrive $0xFFFF  }
0xb3: {  	_ =	shalt  }

// kernel: kernel.14.cloned.1.call-start
scs
__scs_entry_jumppad:
0x0: {  	(pc) =	sbr.rel $0x88, $3  }
0x1: {  	(tag) =	ssettag $0x0;
	lr =	simm.s32 $0x1  }
0x2: {  	[smem:$0x3F94] =	sst lr;
	_ =	strace $0xD0000000  }
0x3: {  	_ = 	snop  }
0x4: {  	_ = 	snop  }
0x5: {  	_ = 	snop  }
0x6: {  	_ = 	snop  }
0x7: {  	_ = 	snop  }
__scs_overlays_trampoline_lowered:
0x8: {  	[smem:$0x3FA3] =	sst s0  }
0x9: {  	[smem:$0x3FA4] =	sst s1  }
0xa: {  	[smem:$0x3FA5] =	sst s2  }
0xb: {  	[smem:$0x3FA6] =	sst s3  }
0xc: {  	[smem:$0x3FA7] =	sst s4  }
0xd: {  	[smem:$0x3FA8] =	sst s5  }
0xe: {  	[smem:$0x3FA9] =	sst s6  }
0xf: {  	[smem:$0x3FAA] =	sst s7  }
0x10: {  	[smem:$0x3FAB] =	sst s8  }
0x11: {  	[smem:$0x3FAC] =	sst s9;
	s0 =	simm.s32 @!p0 $0x0  }
0x12: {  	s1 =	sld [smem:$0x3F92];
	s0 =	simm.s32 @p0 $0x1  }
0x13: {  	[smem:$0x3FAD] =	sst s0;
	s0 =	simm.s32 @!p1 $0x0  }
0x14: {  	s2 =	sld [smem:$0x3F91];
	s0 =	simm.s32 @p1 $0x1  }
0x15: {  	[smem:$0x3FAE] =	sst s0;
	s0 =	simm.s32 @!p2 $0x0  }
0x16: {  	s3 =	sld [smem:$0x3FDB];
	s0 =	simm.s32 @p2 $0x1  }
0x17: {  	s4 =	simm.s32 $0x1BF5;
	[smem:$0x3FB0] =	sst s0  }
0x18: {  	s0 =	sld [smem:$0x3F93];
	_ =	swait.ge [sflag:s4], $0x0  }
0x19: {  	s7 =	sld [smem:$0x3F94]  }
0x1a: {  	s8 =	sadd.s32 $0xFFFFE003, lr  }
0x1b: {  	s9 =	sadd.s32 $0xFFFFFEF7, lr;
	s5 =	simm.s32 $0xFFFFFFFF;
	p2 =	slt.u32 s8, $0xFFFFF086  }
0x1c: {  	p1 =	slt.u32 s9, $0xF7A;
	s5 =	simm.s32 @!p2 $0x0  }
0x1d: {  	s5 =	simm.s32 @p1 $0x1;
	p0 =	seq.s32 s7, s2  }
0x1e: {  	s7 =	smul.u32 @!p0 $0xF7A, s2;
	p2 =	seq.s32 @!p0 s5, $0x0  }
0x1f: {  	s9 =	smul.u32 $0xF7A, s1;
	s8 =	simm.s32 @!p0 $0x1BF5;
	p2 =	por !p2, p0  }
0x20: {  	[sflag:s8] =	ssyncset.s32 @!p0 $0xFFFFF086;
	s6 =	sadd.s32 @!p0 s3, s7;
	s7 =	simm.s32 @!p0 $0x108  }
0x21: {  	s3 =	sadd.s32 s3, s9;
	s6 =	sadd.s32 @!p0 $0x88, s6;
	s7 =	simm.s32 @p2 $0x1082  }
0x22: {  	[simem:s7], [sflag:s8] =	dma.local @!p0 [hbm:s6], $0xF7A  }
0x23: {  	s9 =	sor.u32 $0xD0000000, s2;
	s6 =	simm.s32 $0x108;
	_ =	swait.ge @!p0 [sflag:s8], $0x0  }
0x24: {  	s3 =	sadd.s32 $0x88, s3;
	s6 =	simm.s32 @!p1 $0x1082;
	[sflag:s4] =	ssyncset.s32 $0xFFFFF086  }
0x25: {  	[simem:s6], [sflag:s4] =	dma.local [hbm:s3], $0xF7A  }
0x26: {  	[smem:$0x3F94] =	sst s1;
	(tag) =	ssettag s2;
	_ =	strace s9  }
0x27: {  	s1 =	sld [smem:$0x3FA4]  }
0x28: {  	s2 =	sld [smem:$0x3FA5]  }
0x29: {  	s4 =	sld [smem:$0x3FA7]  }
0x2a: {  	p0 =	seq.s32 s5, $0x0;
	s5 =	sld [smem:$0x3FA8]  }
0x2b: {  	s6 =	sld [smem:$0x3FA9]  }
0x2c: {  	s7 =	sld [smem:$0x3FAA]  }
0x2d: {  	s3 =	simm.s32 $0x108;
	s8 =	sld [smem:$0x3FAB]  }
0x2e: {  	s3 =	simm.s32 @!p0 $0x1082;
	s9 =	sld [smem:$0x3FAC]  }
0x2f: {  	lr =	sadd.s32 s0, s3;
	s0 =	sld [smem:$0x3FA3]  }
0x30: {  	s3 =	sld [smem:$0x3FA6]  }
0x31: {  	[smem:$0x3FAF] =	sst s10  }
0x32: {  	s10 =	sld [smem:$0x3FAD];
	_ =	sdelay $0x3  }
0x33: {  	p0 =	seq.s32 s10, $0x1;
	s10 =	sld [smem:$0x3FAF];
	_ =	sdelay $0x3  }
0x34: {  	[smem:$0x3FAF] =	sst s10  }
0x35: {  	s10 =	sld [smem:$0x3FAE];
	_ =	sdelay $0x3  }
0x36: {  	p1 =	seq.s32 s10, $0x1;
	s10 =	sld [smem:$0x3FAF];
	_ =	sdelay $0x3  }
0x37: {  	[smem:$0x3FAF] =	sst s10  }
0x38: {  	s10 =	sld [smem:$0x3FB0]  }
0x39: {  	_ = 	snop;
	(pc) =	sbr.ind lr, $3  }
0x3a: {  	_ = 	snop  }
0x3b: {  	_ = 	snop  }
0x3c: {  	p2 =	seq.s32 s10, $0x1;
	s10 =	sld [smem:$0x3FAF]  }
0x3d: {  	_ =	shalt  }
0x3e: {  	_ =	shalt  }
0x3f: {  	_ =	shalt  }
0x40: {  	_ =	shalt  }
0x41: {  	_ =	shalt  }
0x42: {  	_ =	shalt  }
0x43: {  	_ =	shalt  }
0x44: {  	_ =	shalt  }
0x45: {  	_ =	shalt  }
0x46: {  	_ =	shalt  }
0x47: {  	_ =	shalt  }
0x48: {  	_ =	shalt  }
0x49: {  	_ =	shalt  }
0x4a: {  	_ =	shalt  }
0x4b: {  	_ =	shalt  }
0x4c: {  	_ =	shalt  }
0x4d: {  	_ =	shalt  }
0x4e: {  	_ =	shalt  }
0x4f: {  	_ =	shalt  }
0x50: {  	_ =	shalt  }
0x51: {  	_ =	shalt  }
0x52: {  	_ =	shalt  }
0x53: {  	_ =	shalt  }
0x54: {  	_ =	shalt  }
0x55: {  	_ =	shalt  }
0x56: {  	_ =	shalt  }
0x57: {  	_ =	shalt  }
0x58: {  	_ =	shalt  }
0x59: {  	_ =	shalt  }
0x5a: {  	_ =	shalt  }
0x5b: {  	_ =	shalt  }
0x5c: {  	_ =	shalt  }
0x5d: {  	_ =	shalt  }
0x5e: {  	_ =	shalt  }
0x5f: {  	_ =	shalt  }
0x60: {  	_ =	shalt  }
0x61: {  	_ =	shalt  }
0x62: {  	_ =	shalt  }
0x63: {  	_ =	shalt  }
0x64: {  	_ =	shalt  }
0x65: {  	_ =	shalt  }
0x66: {  	_ =	shalt  }
0x67: {  	_ =	shalt  }
0x68: {  	_ =	shalt  }
0x69: {  	_ =	shalt  }
0x6a: {  	_ =	shalt  }
0x6b: {  	_ =	shalt  }
0x6c: {  	_ =	shalt  }
0x6d: {  	_ =	shalt  }
0x6e: {  	_ =	shalt  }
0x6f: {  	_ =	shalt  }
0x70: {  	_ =	shalt  }
0x71: {  	_ =	shalt  }
0x72: {  	_ =	shalt  }
0x73: {  	_ =	shalt  }
0x74: {  	_ =	shalt  }
0x75: {  	_ =	shalt  }
0x76: {  	_ =	shalt  }
0x77: {  	_ =	shalt  }
0x78: {  	_ =	shalt  }
0x79: {  	_ =	shalt  }
0x7a: {  	_ =	shalt  }
0x7b: {  	_ =	shalt  }
0x7c: {  	_ =	shalt  }
0x7d: {  	_ =	shalt  }
0x7e: {  	_ =	shalt  }
0x7f: {  	_ =	shalt  }
0x80: {  	_ =	shalt  }
0x81: {  	_ =	shalt  }
0x82: {  	_ =	shalt  }
0x83: {  	_ =	shalt  }
0x84: {  	_ =	shalt  }
0x85: {  	_ =	shalt  }
0x86: {  	_ =	shalt  }
0x87: {  	_ =	shalt  }
.Lfunc_end0:
.L_simem_size_0:
called_computation.3_lowered:
.L_overlay_start_0:
0x88: {  	s2 =	sld [smem:$0x3FD9]  }
0x89: {  	s3 =	sld [smem:$0x3FFE];
	_ =	sdelay $0x1  }
0x8a: {  	s1 =	srdreg.scid  }
0x8b: {  	s0 =	sand.u32 $0x1, s1  }
0x8c: {  	s17 =	sshll.u32 s0, $0xA;
	s2 =	sadd.s32 s3, s2  }
0x8d: {  	s2 =	sadd.s32 s2, s17  }
0x8e: {  	[smem:$0x3FBB] =	sst s2  }
0x8f: {  	_ = 	snop  }
0x90: {  	s2 =	sld [smem:$0x3FD0];
	(tm) =	ssettm $0x1  }
0x91: {  	s18 =	sld [smem:$0x3FFB];
	_ =	sdelay $0x3  }
0x92: {  	_ =	strace s18  }
0x93: {  	s3 =	sld [smem:$0x3FFC];
	_ =	sdelay $0x3  }
0x94: {  	_ =	strace s3  }
0x95: {  	s3 =	sld [smem:$0x3FFD];
	_ =	sdelay $0x3  }
0x96: {  	_ =	strace s3  }
0x97: {  	_ =	strace $0x8FFFFFFF  }
0x98: {  	s19 =	sld [smem:$0x3FDB];
	_ =	sdelay $0x1  }
0x99: {  	s4 =	simm.s32 $_scs_section_size  }
0x9a: {  	s5 =	simm.s32 $_size__tile_overlayer_lowered;
	s6 =	simm.s32 $_tile_overlayer_lowered  }
0x9b: {  	s22 =	simm.s32 $0x1BFF;
	s21 =	sshll.u32 s6, $0x1;
	s3 =	sadd.s32 s4, s19  }
0x9c: {  	s7 =	simm.s32 $0x0;
	s20 =	sshll.u32 s5, $0x1;
	s5 =	sadd.s32 s21, s3  }
0x9d: {  	[timem:s7], [sflag:s22] =	dma.local [hbm:s5], s20  }
0x9e: {  	_ =	swait.ge [sflag:s22], s20  }
0x9f: {  	s4 =	ssub.s32 $0x0, s20;
	[sflag:s22] =	ssyncset.done $0x0  }
0xa0: {  	[sflag:s22] =	ssyncadd.s32 s4;
	_ =	sdelay $0x1  }
0xa1: {  	s23 =	simm.s32 $0x1B8B  }
0xa2: {  	_ =	swait.ge [sflag:s23], $0x1  }
0xa3: {  	[sflag:s23] =	ssyncset.done $0x0  }
0xa4: {  	s25 =	simm.s32 $0x1B8E;
	s24 =	sld [smem:$0x3FFE];
	[sflag:s23] =	ssyncadd.s32 $0xFFFFFFFF  }
0xa5: {  	s26 =	simm.s32 $execute0_lowered;
	[smem:$0x3FD2] =	sst s25  }
0xa6: {  	s5 =	sshll.u32 s26, $0x1;
	_ =	strace $0x8000004C;
	[dreg:$0x1] =	wrdreg $0xFFFFFFFF  }
0xa7: {  	s28 =	simm.s32 $_size_execute0_lowered;
	s3 =	sadd.s32 s3, s5;
	[dreg:$0x0] =	wrdreg $0x0  }
0xa8: {  	s5 =	sshll.u32 s28, $0x1;
	[dreg:$0x2] =	wrdreg s3  }
0xa9: {  	[dreg:$0x3] =	wrdreg s5  }
0xaa: {  	[dreg:$0x4] =	wrdreg $0xC0  }
0xab: {  	_ =	task [dreg:s7], $0x5FFFF  }
0xac: {  	[dreg:$0x1] =	wrdreg $0xFFFFFFFF  }
0xad: {  	[dreg:$0x0] =	wrdreg $0x60  }
0xae: {  	[dreg:$0x2] =	wrdreg s24  }
0xaf: {  	[dreg:$0x3] =	wrdreg s2  }
0xb0: {  	[dreg:$0x4] =	wrdreg $0xA  }
0xb1: {  	_ =	task.clear_ibuf [dreg:s7], $0x5FFFF;
	_ =	strace $0x9000004C  }
0xb2: {  	s29 =	simm.s32 $0xA;
	_ =	strace $0x8000004E  }
0xb3: {  	_ =	swait.ge [sflag:s29], $0x1  }
0xb4: {  	[sflag:s29] =	ssyncadd.s32 $0xFFFFFFFF  }
0xb5: {  	_ =	strace $0x9000004E  }
0xb6: {  	_ =	sfence  }
0xb7: {  	s30 =	sld [smem:$0x0];
	_ =	sdelay $0x2  }
0xb8: {  	s31 =	sshll.u32 s1, $0xD;
	s1 =	sshrl.u32 s1, $0x2  }
0xb9: {  	s3 =	sand.u32 $0x4000, s31;
	s1 =	sadd.s32 s1, s30  }
0xba: {  	s0 =	sor.u32 s3, s0;
	s1 =	sshll.u32 s1, $0x11  }
0xbb: {  	s0 =	sor.u32 s1, s0  }
0xbc: {  	s0 =	sadd.s32 $0x8F2B, s0  }
0xbd: {  	[sflag:s0] =	ssyncadd.remote.s32 $0x1  }
0xbe: {  	_ =	sfence.sel $0xFFFF  }
0xbf: {  	[dreg:$0x0] =	wrdreg $0xFFFFFFFF;
	(pc) =	sbr.abs _section_cstart, $3  }
0xc0: {  	[dreg:$0x1] =	wrdreg $0xFFFFFFFF  }
0xc1: {  	_ =	task.clear_ibuf [dreg:s7], $0x2FFFF;
	_ =	strace $0x9FFFFFFF  }
0xc2: {  	(tm) =	ssettm $0x7FFFFFFF  }
0xc3: {  	_ =	shalt  }
tec
execute0_lowered:
.L_overlay_start_1:
0x0: {  	(tag) =	ssettag $0x1  }
0x1: {  	s0 =	rddreg [dreg:$0x0]  }
0x2: {  	s2 =	rddreg [dreg:$0x1]  }
0x3: {  	s1 =	srdreg.scid;
	s4 =	stileid.u32;
	s3 =	simm.s32 $0x0  }
0x4: {  	s16 =	simm.s32 $0x80;
	s19 =	simm.s32 $0x1;
	s20 =	simm.s32 $0x50  }
0x5: {  	s21 =	simm.s32 $0x200;
	s22 =	simm.s32 $0x2A00;
	s23 =	simm.s32 $0x3  }
0x6: {  	s24 =	simm.s32 $0x5200;
	s28 =	simm.s32 $0x4;
	s29 =	simm.s32 $0xCA00  }
0x7: {  	s30 =	simm.s32 $0x0;
	s1 =	sand.u32 $0x1, s1;
	s4 =	sshll.u32 s4, $0x1  }
0x8: {  	[smem:$0x7FF] =	sst s3;
	s5 =	sadd.s32 $0x4600, s0;
	s6 =	sadd.s32 $0xE400, s0  }
0x9: {  	s7 =	sadd.s32 $0x35600, s0;
	s4 =	sor.u32 s1, s4;
	s1 =	ssub.s32 $0x2, s1  }
0xa: {  	s8 =	sadd.s32 $0x5C800, s0;
	s4 =	smul.u32 $0x2710, s4;
	s9 =	sshrl.u32 s1, $0x1  }
.Ltmp0:
0xb: {  	_ =	strace $0x8000004D;
	s25 =	ssub.s32 s1, s9;
	(pc) =	sbr.rel .LBB2_1-.Ltmp0, $4  }
0xc: {  	s10 =	sshrl.u32 s4, $0x3;
	s13 =	sadd.s32 $0xA0, s4;
	s14 =	sadd.s32 $0xF0, s4  }
0xd: {  	s15 =	smax.u32 s25, $0x1;
	s25 =	simm.s32 $0x5;
	s31 =	sadd.s32 s5, s10  }
0xe: {  	s26 =	sadd.s32 $0xA, s10;
	s10 =	sadd.s32 s2, s10;
	[dreg:$0x3] =	wrdreg s31  }
0xf: {  	s11 =	sadd.s32 s5, s26;
	s12 =	sadd.s32 s2, s26;
	s26 =	simm.s32 $0x6  }
.LBB2_10:
0x10: {  	s30 =	sadd.s32 $0x1, s30  }
0x11: {  	_ =	swait.ge [sflag:s25], $0x2800;
	p0 =	sne.s32 s30, s15  }
.Ltmp1:
0x12: {  	[sflag:s25] =	ssyncset.done $0x0;
	(pc) =	sbr.rel @!p0 .LBB2_11-.Ltmp1, $4  }
0x13: {  	[sflag:s25] =	ssyncadd.s32 $0xFFFFD800  }
0x14: {  	_ =	swait.ge [sflag:s26], $0x2800  }
0x15: {  	[sflag:s26] =	ssyncset.done $0x0  }
0x16: {  	[sflag:s26] =	ssyncadd.s32 $0xFFFFD800  }
.LBB2_1:
0x17: {  	s0 =	rddreg [dreg:$0x3]  }
0x18: {  	[tilespmem:s3], [sflag:$0x1] =	stream.linear.gather [hbm4b:s0+s3], $0x50, $0x38;
	[tilespmem:$0xF200] =	vst v63  }
0x19: {  	_ = 	snop  }
0x1a: {  	[tilespmem:s16], [sflag:$0x1] =	stream.linear.gather [hbm4b:s10+s3], $0x50, $0x38;
	[tilespmem:$0xF200] =	vst v63  }
0x1b: {  	s17 =	simm.s32 $0x100  }
0x1c: {  	[tilespmem:s17], [sflag:$0x2] =	stream.linear.gather [hbm4b:s11+s3], $0x50, $0x38;
	[tilespmem:$0xF200] =	vst v63  }
0x1d: {  	s18 =	simm.s32 $0x180  }
0x1e: {  	[tilespmem:s18], [sflag:$0x2] =	stream.linear.gather [hbm4b:s12+s3], $0x50, $0x38;
	[tilespmem:$0xF200] =	vst v63  }
0x1f: {  	_ =	swait.ge [sflag:s19], $0x50  }
0x20: {  	[sflag:s19] =	ssyncset.done $0x0  }
0x21: {  	[sflag:s19] =	ssyncadd.s32 $0xFFFFFFB0  }
0x22: {  	_ =	swait.ge [sflag:s19], $0x50  }
.Ltmp2:
0x23: {  	[sflag:s19] =	ssyncset.done $0x0;
	(pc) =	sbr.rel .LBB2_2-.Ltmp2, $4  }
0x24: {  	[sflag:s19] =	ssyncadd.s32 $0xFFFFFFB0  }
0x25: {  	[tilespmem:s21], [sflag:$0x3] =	stream.indirect.gather [hbm4b:s6+s20], $0x80, s3, s20, $0xb8;
	[tilespmem:$0xF200] =	vst v63  }
0x26: {  	s31 =	simm.s32 $0x0  }
0x27: {  	[tilespmem:s22], [sflag:$0x3] =	stream.indirect.gather [hbm4b:s7+s20], $0x80, s16, s20, $0xb8;
	[tilespmem:$0xF200] =	vst v63  }
.LBB2_9:
0x28: {  	s31 =	sadd.s32 $0x1, s31  }
0x29: {  	p0 =	sne.s32 s31, $0x3F  }
.Ltmp3:
0x2a: {  	_ = 	snop;
	(pc) =	sbr.rel @!p0 .LBB2_10-.Ltmp3, $1  }
0x2b: {  	_ =	sdelay $0x3  }
.LBB2_2:
0x2c: {  	s0 =	sshllo.u32 s31, $0x1  }
0x2d: {  	p0 =	sgt.u32 s0, $0x7C  }
0x2e: {  	s1 =	simm.s32 @!p0 $0x2  }
0x2f: {  	_ =	swait.ge @!p0 [sflag:s1], $0x50  }
0x30: {  	[sflag:s1] =	ssyncset.done @!p0 $0x0  }
0x31: {  	[sflag:s1] =	ssyncadd.s32 @!p0 $0xFFFFFFB0  }
0x32: {  	_ =	swait.ge @!p0 [sflag:s1], $0x50  }
0x33: {  	s9 =	simm.s32 @!p0 $0x100;
	[sflag:s1] =	ssyncset.done @!p0 $0x0  }
0x34: {  	s17 =	simm.s32 @!p0 $0x7A00;
	[sflag:s1] =	ssyncadd.s32 @!p0 $0xFFFFFFB0;
	s1 =	simm.s32 @!p0 $0x50  }
0x35: {  	[tilespmem:s17], [sflag:$0x4] =	stream.indirect.gather @!p0 [hbm4b:s6+s1], $0x80, s9, s1, $0xb8;
	[tilespmem:$0xF200] =	vst v63  }
0x36: {  	s9 =	simm.s32 @!p0 $0x180;
	s17 =	simm.s32 @!p0 $0xA200  }
0x37: {  	[tilespmem:s17], [sflag:$0x4] =	stream.indirect.gather @!p0 [hbm4b:s7+s1], $0x80, s9, s1, $0xb8;
	[tilespmem:$0xF200] =	vst v63  }
0x38: {  	_ =	swait.ge [sflag:s23], $0x2800  }
0x39: {  	[sflag:s23] =	ssyncset.done $0x0  }
0x3a: {  	[sflag:s23] =	ssyncadd.s32 $0xFFFFD800  }
0x3b: {  	_ =	swait.ge [sflag:s23], $0x2800  }
0x3c: {  	p1 =	seq.s32 s31, $0x0;
	[sflag:s23] =	ssyncset.done $0x0  }
0x3d: {  	s1 =	simm.s32 @!p1 $0x5;
	[sflag:s23] =	ssyncadd.s32 $0xFFFFD800  }
0x3e: {  	_ =	swait.ge @!p1 [sflag:s1], $0x2800  }
0x3f: {  	[sflag:s1] =	ssyncset.done @!p1 $0x0  }
0x40: {  	[sflag:s1] =	ssyncadd.s32 @!p1 $0xFFFFD800;
	s1 =	simm.s32 $0x0  }
0x41: {  	v0 =	vld [tilespmem:s1+$0x270]  }
0x42: {  	v1 =	vld [tilespmem:s1+$0x2A70]  }
0x43: {  	v2 =	vld [tilespmem:s1+$0x200]  }
0x44: {  	v3 =	vld [tilespmem:s1+$0x2A00]  }
0x45: {  	v4 =	vld [tilespmem:s1+$0x210]  }
0x46: {  	v5 =	vld [tilespmem:s1+$0x2A10]  }
0x47: {  	v6 =	vld [tilespmem:s1+$0x220]  }
0x48: {  	v7 =	vld [tilespmem:s1+$0x230]  }
0x49: {  	v0 =	vadd.bf16 v1, v0;
	v1 =	vld [tilespmem:s1+$0x2A20]  }
0x4a: {  	v8 =	vld [tilespmem:s1+$0x2A30]  }
0x4b: {  	v9 =	vld [tilespmem:s1+$0x2A40];
	v2 =	vadd.bf16 v3, v2  }
0x4c: {  	[tilespmem:s1+$0x5270] =	vst v0;
	v0 =	vadd.bf16 v5, v4;
	v5 =	vld [tilespmem:s1+$0x240]  }
0x4d: {  	v3 =	vld [tilespmem:s1+$0x2A50];
	[tilespmem:s1+$0x5200] =	vst v2  }
0x4e: {  	v2 =	vld [tilespmem:s1+$0x250];
	[tilespmem:s1+$0x5210] =	vst v0;
	v0 =	vadd.bf16 v1, v6  }
0x4f: {  	v4 =	vld [tilespmem:s1+$0x2A60];
	v6 =	vadd.bf16 v8, v7  }
0x50: {  	s17 =	simm.s32 $0x80;
	[tilespmem:s1+$0x5220] =	vst v0;
	v0 =	vld [tilespmem:s1+$0x260]  }
0x51: {  	s18 =	simm.s32 $0x400;
	v5 =	vadd.bf16 v9, v5;
	v1 =	vld [tilespmem:s17+$0x270];
	[tilespmem:s1+$0x5230] =	vst v6  }
.LBB2_3:
0x52: {  	p2 =	sne.s32 s18, $0x9E00;
	v6 =	vld [tilespmem:s17+$0x2A70]  }
0x53: {  	v7 =	vld [tilespmem:s17+$0x200];
	[tilespmem:s1+$0x5240] =	vst v5;
	v2 =	vadd.bf16 v3, v2  }
0x54: {  	v3 =	vld [tilespmem:s17+$0x2A00]  }
0x55: {  	v5 =	vld [tilespmem:s17+$0x210];
	[tilespmem:s1+$0x5250] =	vst v2;
	v0 =	vadd.bf16 v4, v0  }
0x56: {  	v2 =	vld [tilespmem:s17+$0x2A10]  }
0x57: {  	v4 =	vld [tilespmem:s17+$0x220];
	v1 =	vadd.bf16 v6, v1;
	[tilespmem:s1+$0x5260] =	vst v0;
	s1 =	smov.u32 s17  }
0x58: {  	v0 =	vld [tilespmem:s1+$0x2A20]  }
0x59: {  	v3 =	vadd.bf16 v3, v7;
	v6 =	vld [tilespmem:s1+$0x230];
	[tilespmem:s1+$0x5270] =	vst v1  }
0x5a: {  	v1 =	vld [tilespmem:s1+$0x2A30]  }
0x5b: {  	[tilespmem:s1+$0x5200] =	vst v3;
	v2 =	vadd.bf16 v2, v5;
	v5 =	vld [tilespmem:s1+$0x240]  }
0x5c: {  	v7 =	vld [tilespmem:s1+$0x2A40]  }
.Ltmp4:
0x5d: {  	[tilespmem:s1+$0x5210] =	vst v2;
	v0 =	vadd.bf16 v0, v4;
	v2 =	vld [tilespmem:s1+$0x250];
	(pc) =	sbr.rel @p2 .LBB2_3-.Ltmp4, $4  }
0x5e: {  	v3 =	vld [tilespmem:s1+$0x2A50]  }
0x5f: {  	[tilespmem:s1+$0x5220] =	vst v0;
	v6 =	vadd.bf16 v1, v6;
	v0 =	vld [tilespmem:s1+$0x260]  }
0x60: {  	s17 =	sshra.s32 s18, $0x2;
	v4 =	vld [tilespmem:s1+$0x2A60]  }
0x61: {  	s18 =	sadd.s32 $0x200, s18;
	v1 =	vld [tilespmem:s17+$0x270];
	[tilespmem:s1+$0x5230] =	vst v6;
	v5 =	vadd.bf16 v7, v5  }
0x62: {  	v6 =	vld [tilespmem:s17+$0x2A70]  }
0x63: {  	v7 =	vld [tilespmem:s17+$0x200];
	[tilespmem:s1+$0x5240] =	vst v5;
	v2 =	vadd.bf16 v3, v2  }
0x64: {  	v51 =	vld [tilespmem:s17+$0x2A00]  }
0x65: {  	v5 =	vld [tilespmem:s17+$0x210];
	[tilespmem:s1+$0x5250] =	vst v2;
	v0 =	vadd.bf16 v4, v0  }
0x66: {  	v2 =	vld [tilespmem:s17+$0x2A10]  }
0x67: {  	v52 =	vld [tilespmem:s17+$0x220];
	[tilespmem:s1+$0x5260] =	vst v0  }
0x68: {  	v54 =	vld [tilespmem:s17+$0x2A20]  }
0x69: {  	v55 =	vld [tilespmem:s17+$0x230]  }
0x6a: {  	v56 =	vld [tilespmem:s17+$0x2A30]  }
0x6b: {  	v57 =	vld [tilespmem:s17+$0x240]  }
0x6c: {  	v58 =	vld [tilespmem:s17+$0x2A40]  }
0x6d: {  	v59 =	vld [tilespmem:s17+$0x250]  }
0x6e: {  	v53 =	vadd.bf16 v6, v1;
	v60 =	vld [tilespmem:s17+$0x2A50]  }
0x6f: {  	v61 =	vld [tilespmem:s17+$0x260];
	v3 =	vadd.bf16 v51, v7  }
0x70: {  	v62 =	vld [tilespmem:s17+$0x2A60];
	[tilespmem:s17+$0x5270] =	vst v53;
	v2 =	vadd.bf16 v2, v5  }
0x71: {  	[tilespmem:s17+$0x5200] =	vst v3;
	v1 =	vadd.bf16 v54, v52  }
0x72: {  	[tilespmem:s17+$0x5210] =	vst v2;
	v0 =	vadd.bf16 v56, v55  }
0x73: {  	p2 =	seq.s32 s31, $0x3E;
	s1 =	smul.u32 $0xA0, s31;
	v3 =	vadd.bf16 v58, v57;
	[tilespmem:s17+$0x5220] =	vst v1  }
.Ltmp5:
0x74: {  	v63 =	vadd.bf16 v60, v59;
	[tilespmem:s17+$0x5230] =	vst v0;
	(pc) =	sbr.rel @p2 .LBB2_10-.Ltmp5, $4  }
0x75: {  	s9 =	sadd.s32 s4, s1;
	[tilespmem:s17+$0x5240] =	vst v3;
	v1 =	vadd.bf16 v62, v61  }
0x76: {  	s9 =	sshll.u32 s9, $0x4;
	[tilespmem:s17+$0x5250] =	vst v63  }
0x77: {  	s9 =	sadd.s32 s8, s9;
	[tilespmem:s17+$0x5260] =	vst v1  }
0x78: {  	[hbm4b:s9+s3] =	stream.linear.scatter [tilespmem:s24], [sflag:$0x5], $0x2800, $0x38;
	[tilespmem:$0xF200] =	vst v63  }
0x79: {  	s9 =	sadd.s32 s1, s13  }
.Ltmp6:
0x7a: {  	s9 =	sshrl.u32 s9, $0x3;
	(pc) =	sbr.rel @p0 .LBB2_9-.Ltmp6, $4  }
0x7b: {  	s17 =	sadd.s32 s5, s9  }
0x7c: {  	[tilespmem:s3], [sflag:$0x1] =	stream.linear.gather [hbm4b:s17+s3], $0x50, $0x38;
	[tilespmem:$0xF200] =	vst v63  }
0x7d: {  	s9 =	sadd.s32 s2, s9  }
0x7e: {  	[tilespmem:s16], [sflag:$0x1] =	stream.linear.gather [hbm4b:s9+s3], $0x50, $0x38;
	[tilespmem:$0xF200] =	vst v63  }
0x7f: {  	_ =	swait.ge [sflag:s19], $0x50  }
0x80: {  	[sflag:s19] =	ssyncset.done $0x0  }
0x81: {  	[sflag:s19] =	ssyncadd.s32 $0xFFFFFFB0  }
0x82: {  	_ =	swait.ge [sflag:s19], $0x50  }
0x83: {  	[sflag:s19] =	ssyncset.done $0x0  }
0x84: {  	[sflag:s19] =	ssyncadd.s32 $0xFFFFFFB0  }
0x85: {  	[tilespmem:s21], [sflag:$0x3] =	stream.indirect.gather [hbm4b:s6+s20], $0x80, s3, s20, $0xb8;
	[tilespmem:$0xF200] =	vst v63  }
0x86: {  	_ = 	snop  }
0x87: {  	[tilespmem:s22], [sflag:$0x3] =	stream.indirect.gather [hbm4b:s7+s20], $0x80, s16, s20, $0xb8;
	[tilespmem:$0xF200] =	vst v63  }
0x88: {  	_ =	swait.ge [sflag:s28], $0x2800  }
0x89: {  	[sflag:s28] =	ssyncset.done $0x0  }
0x8a: {  	[sflag:s28] =	ssyncadd.s32 $0xFFFFD800  }
0x8b: {  	_ =	swait.ge [sflag:s28], $0x2800  }
0x8c: {  	[sflag:s28] =	ssyncset.done $0x0  }
0x8d: {  	s9 =	simm.s32 @!p1 $0x6;
	[sflag:s28] =	ssyncadd.s32 $0xFFFFD800  }
0x8e: {  	_ =	swait.ge @!p1 [sflag:s9], $0x2800  }
0x8f: {  	[sflag:s9] =	ssyncset.done @!p1 $0x0  }
0x90: {  	s17 =	simm.s32 $0x0;
	[sflag:s9] =	ssyncadd.s32 @!p1 $0xFFFFD800  }
0x91: {  	v0 =	vld [tilespmem:s17+$0x7A70]  }
0x92: {  	v1 =	vld [tilespmem:s17+$0xA270]  }
0x93: {  	v2 =	vld [tilespmem:s17+$0x7A00]  }
0x94: {  	v3 =	vld [tilespmem:s17+$0xA200]  }
0x95: {  	v4 =	vld [tilespmem:s17+$0x7A10]  }
0x96: {  	v5 =	vld [tilespmem:s17+$0xA210]  }
0x97: {  	v6 =	vld [tilespmem:s17+$0x7A20]  }
0x98: {  	v7 =	vld [tilespmem:s17+$0x7A30]  }
0x99: {  	v0 =	vadd.bf16 v1, v0;
	v1 =	vld [tilespmem:s17+$0xA220]  }
0x9a: {  	v8 =	vld [tilespmem:s17+$0xA230]  }
0x9b: {  	v9 =	vld [tilespmem:s17+$0xA240];
	v2 =	vadd.bf16 v3, v2  }
0x9c: {  	[tilespmem:s17+$0xCA70] =	vst v0;
	v0 =	vadd.bf16 v5, v4;
	v5 =	vld [tilespmem:s17+$0x7A40]  }
0x9d: {  	v3 =	vld [tilespmem:s17+$0xA250];
	[tilespmem:s17+$0xCA00] =	vst v2  }
0x9e: {  	v2 =	vld [tilespmem:s17+$0x7A50];
	[tilespmem:s17+$0xCA10] =	vst v0;
	v0 =	vadd.bf16 v1, v6  }
0x9f: {  	v4 =	vld [tilespmem:s17+$0xA260];
	v6 =	vadd.bf16 v8, v7  }
0xa0: {  	s18 =	simm.s32 $0x80;
	[tilespmem:s17+$0xCA20] =	vst v0;
	v0 =	vld [tilespmem:s17+$0x7A60]  }
0xa1: {  	s9 =	simm.s32 $0x400;
	v5 =	vadd.bf16 v9, v5;
	v1 =	vld [tilespmem:s18+$0x7A70];
	[tilespmem:s17+$0xCA30] =	vst v6  }
.LBB2_7:
0xa2: {  	p0 =	sne.s32 s9, $0x9E00;
	v6 =	vld [tilespmem:s18+$0xA270]  }
0xa3: {  	v7 =	vld [tilespmem:s18+$0x7A00];
	[tilespmem:s17+$0xCA40] =	vst v5;
	v2 =	vadd.bf16 v3, v2  }
0xa4: {  	v3 =	vld [tilespmem:s18+$0xA200]  }
0xa5: {  	v5 =	vld [tilespmem:s18+$0x7A10];
	[tilespmem:s17+$0xCA50] =	vst v2;
	v0 =	vadd.bf16 v4, v0  }
0xa6: {  	v2 =	vld [tilespmem:s18+$0xA210]  }
0xa7: {  	v4 =	vld [tilespmem:s18+$0x7A20];
	v1 =	vadd.bf16 v6, v1;
	[tilespmem:s17+$0xCA60] =	vst v0;
	s17 =	smov.u32 s18  }
0xa8: {  	v0 =	vld [tilespmem:s17+$0xA220]  }
0xa9: {  	v3 =	vadd.bf16 v3, v7;
	v6 =	vld [tilespmem:s17+$0x7A30];
	[tilespmem:s17+$0xCA70] =	vst v1  }
0xaa: {  	v1 =	vld [tilespmem:s17+$0xA230]  }
0xab: {  	[tilespmem:s17+$0xCA00] =	vst v3;
	v2 =	vadd.bf16 v2, v5;
	v5 =	vld [tilespmem:s17+$0x7A40]  }
0xac: {  	v7 =	vld [tilespmem:s17+$0xA240]  }
.Ltmp7:
0xad: {  	[tilespmem:s17+$0xCA10] =	vst v2;
	v0 =	vadd.bf16 v0, v4;
	v2 =	vld [tilespmem:s17+$0x7A50];
	(pc) =	sbr.rel @p0 .LBB2_7-.Ltmp7, $4  }
0xae: {  	v3 =	vld [tilespmem:s17+$0xA250]  }
0xaf: {  	[tilespmem:s17+$0xCA20] =	vst v0;
	v6 =	vadd.bf16 v1, v6;
	v0 =	vld [tilespmem:s17+$0x7A60]  }
0xb0: {  	s18 =	sshra.s32 s9, $0x2;
	v4 =	vld [tilespmem:s17+$0xA260]  }
0xb1: {  	s9 =	sadd.s32 $0x200, s9;
	v1 =	vld [tilespmem:s18+$0x7A70];
	[tilespmem:s17+$0xCA30] =	vst v6;
	v5 =	vadd.bf16 v7, v5  }
0xb2: {  	v6 =	vld [tilespmem:s18+$0xA270]  }
0xb3: {  	v7 =	vld [tilespmem:s18+$0x7A00];
	[tilespmem:s17+$0xCA40] =	vst v5;
	v2 =	vadd.bf16 v3, v2  }
0xb4: {  	v51 =	vld [tilespmem:s18+$0xA200]  }
0xb5: {  	v5 =	vld [tilespmem:s18+$0x7A10];
	[tilespmem:s17+$0xCA50] =	vst v2;
	v0 =	vadd.bf16 v4, v0  }
0xb6: {  	v2 =	vld [tilespmem:s18+$0xA210]  }
0xb7: {  	v52 =	vld [tilespmem:s18+$0x7A20];
	[tilespmem:s17+$0xCA60] =	vst v0  }
0xb8: {  	v54 =	vld [tilespmem:s18+$0xA220]  }
0xb9: {  	v55 =	vld [tilespmem:s18+$0x7A30]  }
0xba: {  	v56 =	vld [tilespmem:s18+$0xA230]  }
0xbb: {  	v57 =	vld [tilespmem:s18+$0x7A40]  }
0xbc: {  	v58 =	vld [tilespmem:s18+$0xA240]  }
0xbd: {  	v59 =	vld [tilespmem:s18+$0x7A50]  }
0xbe: {  	v53 =	vadd.bf16 v6, v1;
	v60 =	vld [tilespmem:s18+$0xA250]  }
0xbf: {  	v61 =	vld [tilespmem:s18+$0x7A60];
	v3 =	vadd.bf16 v51, v7  }
0xc0: {  	v62 =	vld [tilespmem:s18+$0xA260];
	[tilespmem:s18+$0xCA70] =	vst v53;
	v2 =	vadd.bf16 v2, v5  }
0xc1: {  	[tilespmem:s18+$0xCA00] =	vst v3;
	v1 =	vadd.bf16 v54, v52  }
0xc2: {  	[tilespmem:s18+$0xCA10] =	vst v2;
	v0 =	vadd.bf16 v56, v55  }
0xc3: {  	s0 =	smul.u32 $0x50, s0;
	v3 =	vadd.bf16 v58, v57;
	[tilespmem:s18+$0xCA20] =	vst v1  }
0xc4: {  	v63 =	vadd.bf16 v60, v59;
	[tilespmem:s18+$0xCA30] =	vst v0  }
0xc5: {  	s0 =	sadd.s32 s4, s0;
	[tilespmem:s18+$0xCA40] =	vst v3;
	v1 =	vadd.bf16 v62, v61  }
0xc6: {  	s0 =	sshll.u32 s0, $0x4;
	[tilespmem:s18+$0xCA50] =	vst v63  }
0xc7: {  	p0 =	sgt.u32 s31, $0x3C;
	s0 =	sadd.s32 s8, s0;
	[tilespmem:s18+$0xCA60] =	vst v1  }
0xc8: {  	[hbm4b:s0+s3] =	stream.linear.scatter [tilespmem:s29], [sflag:$0x6], $0x2800, $0x38;
	[tilespmem:$0xF200] =	vst v63  }
0xc9: {  	s0 =	sadd.s32 @!p0 s1, s14  }
.Ltmp8:
0xca: {  	s0 =	sshrl.u32 @!p0 s0, $0x3;
	(pc) =	sbr.rel .LBB2_9-.Ltmp8, $4  }
0xcb: {  	s9 =	simm.s32 @!p0 $0x0;
	s17 =	simm.s32 @!p0 $0x100;
	s1 =	sadd.s32 @!p0 s5, s0  }
0xcc: {  	[tilespmem:s17], [sflag:$0x2] =	stream.linear.gather @!p0 [hbm4b:s1+s9], $0x50, $0x38;
	[tilespmem:$0xF200] =	vst v63  }
0xcd: {  	s0 =	sadd.s32 @!p0 s2, s0;
	s1 =	simm.s32 @!p0 $0x180  }
0xce: {  	[tilespmem:s1], [sflag:$0x2] =	stream.linear.gather @!p0 [hbm4b:s0+s9], $0x50, $0x38;
	[tilespmem:$0xF200] =	vst v63  }
.LBB2_11:
0xcf: {  	_ =	sfence.sel $0x180000  }
0xd0: {  	[bflag:$0x0] =	sbarrier.arrive $0xFFFF  }
0xd1: {  	_ =	strace $0x9000004D  }
0xd2: {  	s0 =	stileid.u32;
	[bflag:$0x2] =	sbarrier.arrive $0xFFFF  }
0xd3: {  	p0 =	sne.s32 s0, $0x0;
	s0 =	rddreg [dreg:$0x2]  }
0xd4: {  	s0 =	sadd.s32 @!p0 $0x100000, s0  }
0xd5: {  	[sflag:s0] =	ssyncadd.tile.s32 @!p0 $0x1;
	_ =	shalt  }
.Lfunc_end2:
_tile_overlayer_lowered:
.L_overlay_start_2:
0xd6: {  	(tag) =	ssettag $0x2  }
0xd7: {  	s0 =	rddreg [dreg:$0x0];
	s2 =	stileid.u32  }
0xd8: {  	s1 =	rddreg [dreg:$0x1];
	p0 =	sne.s32 s2, $0x0  }
0xd9: {  	s3 =	rddreg [dreg:$0x2];
	[bflag:$0x3] =	sbarrier.arrive $0xFFFF;
	s2 =	simm.s32 @!p0 $0x1C07  }
0xda: {  	[timem:s3], [sflag:s2] =	dma.local @!p0 [hbm:s0], s1  }
0xdb: {  	s0 =	simm.s32 @!p0 $0x7  }
0xdc: {  	_ =	swait.ge @!p0 [sflag:s0], s1  }
0xdd: {  	s1 =	ssub.s32 @!p0 $0x0, s1;
	[sflag:s0] =	ssyncset.done @!p0 $0x0  }
0xde: {  	[sflag:s0] =	ssyncadd.s32 @!p0 s1  }
0xdf: {  	[bflag:$0x3] =	sbarrier.arrive $0xFFFF  }
0xe0: {  	_ =	shalt  }

// kernel: kernel.8.cloned.1.call-start
scs
__scs_entry_jumppad:
0x0: {  	(pc) =	sbr.rel $0x88, $3  }
0x1: {  	(tag) =	ssettag $0x0;
	lr =	simm.s32 $0x1  }
0x2: {  	[smem:$0x3F94] =	sst lr;
	_ =	strace $0xD0000000  }
0x3: {  	_ = 	snop  }
0x4: {  	_ = 	snop  }
0x5: {  	_ = 	snop  }
0x6: {  	_ = 	snop  }
0x7: {  	_ = 	snop  }
__scs_overlays_trampoline_lowered:
0x8: {  	[smem:$0x3FA3] =	sst s0  }
0x9: {  	[smem:$0x3FA4] =	sst s1  }
0xa: {  	[smem:$0x3FA5] =	sst s2  }
0xb: {  	[smem:$0x3FA6] =	sst s3  }
0xc: {  	[smem:$0x3FA7] =	sst s4  }
0xd: {  	[smem:$0x3FA8] =	sst s5  }
0xe: {  	[smem:$0x3FA9] =	sst s6  }
0xf: {  	[smem:$0x3FAA] =	sst s7  }
0x10: {  	[smem:$0x3FAB] =	sst s8  }
0x11: {  	[smem:$0x3FAC] =	sst s9;
	s0 =	simm.s32 @!p0 $0x0  }
0x12: {  	s1 =	sld [smem:$0x3F92];
	s0 =	simm.s32 @p0 $0x1  }
0x13: {  	[smem:$0x3FAD] =	sst s0;
	s0 =	simm.s32 @!p1 $0x0  }
0x14: {  	s2 =	sld [smem:$0x3F91];
	s0 =	simm.s32 @p1 $0x1  }
0x15: {  	[smem:$0x3FAE] =	sst s0;
	s0 =	simm.s32 @!p2 $0x0  }
0x16: {  	s3 =	sld [smem:$0x3FDB];
	s0 =	simm.s32 @p2 $0x1  }
0x17: {  	s4 =	simm.s32 $0x1BF5;
	[smem:$0x3FB0] =	sst s0  }
0x18: {  	s0 =	sld [smem:$0x3F93];
	_ =	swait.ge [sflag:s4], $0x0  }
0x19: {  	s7 =	sld [smem:$0x3F94]  }
0x1a: {  	s8 =	sadd.s32 $0xFFFFE003, lr  }
0x1b: {  	s9 =	sadd.s32 $0xFFFFFEF7, lr;
	s5 =	simm.s32 $0xFFFFFFFF;
	p2 =	slt.u32 s8, $0xFFFFF086  }
0x1c: {  	p1 =	slt.u32 s9, $0xF7A;
	s5 =	simm.s32 @!p2 $0x0  }
0x1d: {  	s5 =	simm.s32 @p1 $0x1;
	p0 =	seq.s32 s7, s2  }
0x1e: {  	s7 =	smul.u32 @!p0 $0xF7A, s2;
	p2 =	seq.s32 @!p0 s5, $0x0  }
0x1f: {  	s9 =	smul.u32 $0xF7A, s1;
	s8 =	simm.s32 @!p0 $0x1BF5;
	p2 =	por !p2, p0  }
0x20: {  	[sflag:s8] =	ssyncset.s32 @!p0 $0xFFFFF086;
	s6 =	sadd.s32 @!p0 s3, s7;
	s7 =	simm.s32 @!p0 $0x108  }
0x21: {  	s3 =	sadd.s32 s3, s9;
	s6 =	sadd.s32 @!p0 $0x88, s6;
	s7 =	simm.s32 @p2 $0x1082  }
0x22: {  	[simem:s7], [sflag:s8] =	dma.local @!p0 [hbm:s6], $0xF7A  }
0x23: {  	s9 =	sor.u32 $0xD0000000, s2;
	s6 =	simm.s32 $0x108;
	_ =	swait.ge @!p0 [sflag:s8], $0x0  }
0x24: {  	s3 =	sadd.s32 $0x88, s3;
	s6 =	simm.s32 @!p1 $0x1082;
	[sflag:s4] =	ssyncset.s32 $0xFFFFF086  }
0x25: {  	[simem:s6], [sflag:s4] =	dma.local [hbm:s3], $0xF7A  }
0x26: {  	[smem:$0x3F94] =	sst s1;
	(tag) =	ssettag s2;
	_ =	strace s9  }
0x27: {  	s1 =	sld [smem:$0x3FA4]  }
0x28: {  	s2 =	sld [smem:$0x3FA5]  }
0x29: {  	s4 =	sld [smem:$0x3FA7]  }
0x2a: {  	p0 =	seq.s32 s5, $0x0;
	s5 =	sld [smem:$0x3FA8]  }
0x2b: {  	s6 =	sld [smem:$0x3FA9]  }
0x2c: {  	s7 =	sld [smem:$0x3FAA]  }
0x2d: {  	s3 =	simm.s32 $0x108;
	s8 =	sld [smem:$0x3FAB]  }
0x2e: {  	s3 =	simm.s32 @!p0 $0x1082;
	s9 =	sld [smem:$0x3FAC]  }
0x2f: {  	lr =	sadd.s32 s0, s3;
	s0 =	sld [smem:$0x3FA3]  }
0x30: {  	s3 =	sld [smem:$0x3FA6]  }
0x31: {  	[smem:$0x3FAF] =	sst s10  }
0x32: {  	s10 =	sld [smem:$0x3FAD];
	_ =	sdelay $0x3  }
0x33: {  	p0 =	seq.s32 s10, $0x1;
	s10 =	sld [smem:$0x3FAF];
	_ =	sdelay $0x3  }
0x34: {  	[smem:$0x3FAF] =	sst s10  }
0x35: {  	s10 =	sld [smem:$0x3FAE];
	_ =	sdelay $0x3  }
0x36: {  	p1 =	seq.s32 s10, $0x1;
	s10 =	sld [smem:$0x3FAF];
	_ =	sdelay $0x3  }
0x37: {  	[smem:$0x3FAF] =	sst s10  }
0x38: {  	s10 =	sld [smem:$0x3FB0]  }
0x39: {  	_ = 	snop;
	(pc) =	sbr.ind lr, $3  }
0x3a: {  	_ = 	snop  }
0x3b: {  	_ = 	snop  }
0x3c: {  	p2 =	seq.s32 s10, $0x1;
	s10 =	sld [smem:$0x3FAF]  }
0x3d: {  	_ =	shalt  }
0x3e: {  	_ =	shalt  }
0x3f: {  	_ =	shalt  }
0x40: {  	_ =	shalt  }
0x41: {  	_ =	shalt  }
0x42: {  	_ =	shalt  }
0x43: {  	_ =	shalt  }
0x44: {  	_ =	shalt  }
0x45: {  	_ =	shalt  }
0x46: {  	_ =	shalt  }
0x47: {  	_ =	shalt  }
0x48: {  	_ =	shalt  }
0x49: {  	_ =	shalt  }
0x4a: {  	_ =	shalt  }
0x4b: {  	_ =	shalt  }
0x4c: {  	_ =	shalt  }
0x4d: {  	_ =	shalt  }
0x4e: {  	_ =	shalt  }
0x4f: {  	_ =	shalt  }
0x50: {  	_ =	shalt  }
0x51: {  	_ =	shalt  }
0x52: {  	_ =	shalt  }
0x53: {  	_ =	shalt  }
0x54: {  	_ =	shalt  }
0x55: {  	_ =	shalt  }
0x56: {  	_ =	shalt  }
0x57: {  	_ =	shalt  }
0x58: {  	_ =	shalt  }
0x59: {  	_ =	shalt  }
0x5a: {  	_ =	shalt  }
0x5b: {  	_ =	shalt  }
0x5c: {  	_ =	shalt  }
0x5d: {  	_ =	shalt  }
0x5e: {  	_ =	shalt  }
0x5f: {  	_ =	shalt  }
0x60: {  	_ =	shalt  }
0x61: {  	_ =	shalt  }
0x62: {  	_ =	shalt  }
0x63: {  	_ =	shalt  }
0x64: {  	_ =	shalt  }
0x65: {  	_ =	shalt  }
0x66: {  	_ =	shalt  }
0x67: {  	_ =	shalt  }
0x68: {  	_ =	shalt  }
0x69: {  	_ =	shalt  }
0x6a: {  	_ =	shalt  }
0x6b: {  	_ =	shalt  }
0x6c: {  	_ =	shalt  }
0x6d: {  	_ =	shalt  }
0x6e: {  	_ =	shalt  }
0x6f: {  	_ =	shalt  }
0x70: {  	_ =	shalt  }
0x71: {  	_ =	shalt  }
0x72: {  	_ =	shalt  }
0x73: {  	_ =	shalt  }
0x74: {  	_ =	shalt  }
0x75: {  	_ =	shalt  }
0x76: {  	_ =	shalt  }
0x77: {  	_ =	shalt  }
0x78: {  	_ =	shalt  }
0x79: {  	_ =	shalt  }
0x7a: {  	_ =	shalt  }
0x7b: {  	_ =	shalt  }
0x7c: {  	_ =	shalt  }
0x7d: {  	_ =	shalt  }
0x7e: {  	_ =	shalt  }
0x7f: {  	_ =	shalt  }
0x80: {  	_ =	shalt  }
0x81: {  	_ =	shalt  }
0x82: {  	_ =	shalt  }
0x83: {  	_ =	shalt  }
0x84: {  	_ =	shalt  }
0x85: {  	_ =	shalt  }
0x86: {  	_ =	shalt  }
0x87: {  	_ =	shalt  }
.Lfunc_end0:
.L_simem_size_0:
called_computation.1_lowered:
.L_overlay_start_0:
0x88: {  	s2 =	sld [smem:$0x3FD9]  }
0x89: {  	s3 =	sld [smem:$0x3FFE];
	_ =	sdelay $0x1  }
0x8a: {  	s1 =	srdreg.scid  }
0x8b: {  	s0 =	sand.u32 $0x1, s1  }
0x8c: {  	s17 =	sshll.u32 s0, $0xA;
	s2 =	sadd.s32 s3, s2  }
0x8d: {  	s2 =	sadd.s32 s2, s17  }
0x8e: {  	[smem:$0x3FBB] =	sst s2  }
0x8f: {  	_ = 	snop  }
0x90: {  	s2 =	sld [smem:$0x3FC9]  }
0x91: {  	s18 =	sld [smem:$0x3FD0];
	(tm) =	ssettm $0x1  }
0x92: {  	s4 =	sld [smem:$0x3FFB];
	_ =	sdelay $0x3  }
0x93: {  	_ =	strace s4  }
0x94: {  	s4 =	sld [smem:$0x3FFC];
	_ =	sdelay $0x3  }
0x95: {  	_ =	strace s4  }
0x96: {  	s4 =	sld [smem:$0x3FFD];
	_ =	sdelay $0x3  }
0x97: {  	_ =	strace s4  }
0x98: {  	_ =	strace $0x8FFFFFFF  }
0x99: {  	s19 =	sld [smem:$0x3FDB];
	_ =	sdelay $0x1  }
0x9a: {  	s5 =	simm.s32 $_scs_section_size  }
0x9b: {  	s6 =	simm.s32 $_size__tile_overlayer_lowered;
	s7 =	simm.s32 $_tile_overlayer_lowered  }
0x9c: {  	s22 =	simm.s32 $0x1BFF;
	s21 =	sshll.u32 s7, $0x1;
	s4 =	sadd.s32 s5, s19  }
0x9d: {  	s8 =	simm.s32 $0x0;
	s20 =	sshll.u32 s6, $0x1;
	s6 =	sadd.s32 s21, s4  }
0x9e: {  	[timem:s8], [sflag:s22] =	dma.local [hbm:s6], s20  }
0x9f: {  	_ =	swait.ge [sflag:s22], s20  }
0xa0: {  	s5 =	ssub.s32 $0x0, s20;
	[sflag:s22] =	ssyncset.done $0x0  }
0xa1: {  	[sflag:s22] =	ssyncadd.s32 s5;
	_ =	sdelay $0x1  }
0xa2: {  	s23 =	simm.s32 $0x1B8B  }
0xa3: {  	_ =	swait.ge [sflag:s23], $0x1  }
0xa4: {  	[sflag:s23] =	ssyncset.done $0x0  }
0xa5: {  	s25 =	simm.s32 $0x1B8E;
	s24 =	sld [smem:$0x3FFE];
	[sflag:s23] =	ssyncadd.s32 $0xFFFFFFFF  }
0xa6: {  	s26 =	simm.s32 $execute0_lowered;
	[smem:$0x3FD2] =	sst s25  }
0xa7: {  	s6 =	sshll.u32 s26, $0x1;
	_ =	strace $0x80000046;
	[dreg:$0x1] =	wrdreg $0xFFFFFFFF  }
0xa8: {  	s28 =	simm.s32 $_size_execute0_lowered;
	s4 =	sadd.s32 s4, s6;
	[dreg:$0x0] =	wrdreg $0x0  }
0xa9: {  	s6 =	sshll.u32 s28, $0x1;
	[dreg:$0x2] =	wrdreg s4  }
0xaa: {  	[dreg:$0x3] =	wrdreg s6  }
0xab: {  	[dreg:$0x4] =	wrdreg $0xC0  }
0xac: {  	_ =	task [dreg:s8], $0x5FFFF  }
0xad: {  	[dreg:$0x1] =	wrdreg $0xFFFFFFFF  }
0xae: {  	[dreg:$0x0] =	wrdreg $0x60  }
0xaf: {  	[dreg:$0x2] =	wrdreg s24  }
0xb0: {  	[dreg:$0x3] =	wrdreg s18  }
0xb1: {  	[dreg:$0x4] =	wrdreg s2  }
0xb2: {  	[dreg:$0x5] =	wrdreg $0xA1800  }
0xb3: {  	[dreg:$0x6] =	wrdreg $0x9  }
0xb4: {  	_ =	task.clear_ibuf [dreg:s8], $0x7FFFF;
	_ =	strace $0x90000046  }
0xb5: {  	s29 =	simm.s32 $0x9;
	_ =	strace $0x80000048  }
0xb6: {  	_ =	swait.ge [sflag:s29], $0x1  }
0xb7: {  	[sflag:s29] =	ssyncadd.s32 $0xFFFFFFFF  }
0xb8: {  	_ =	strace $0x90000048  }
0xb9: {  	_ =	sfence  }
0xba: {  	s30 =	sld [smem:$0x0];
	_ =	sdelay $0x2  }
0xbb: {  	s31 =	sshll.u32 s1, $0xD;
	s1 =	sshrl.u32 s1, $0x2  }
0xbc: {  	s3 =	sand.u32 $0x4000, s31;
	s1 =	sadd.s32 s1, s30  }
0xbd: {  	s0 =	sor.u32 s3, s0;
	s1 =	sshll.u32 s1, $0x11  }
0xbe: {  	s0 =	sor.u32 s1, s0  }
0xbf: {  	s0 =	sadd.s32 $0x8F2B, s0  }
0xc0: {  	[sflag:s0] =	ssyncadd.remote.s32 $0x1  }
0xc1: {  	_ =	sfence.sel $0xFFFF  }
0xc2: {  	[dreg:$0x0] =	wrdreg $0xFFFFFFFF;
	(pc) =	sbr.abs _section_cstart, $3  }
0xc3: {  	[dreg:$0x1] =	wrdreg $0xFFFFFFFF  }
0xc4: {  	_ =	task.clear_ibuf [dreg:s8], $0x2FFFF;
	_ =	strace $0x9FFFFFFF  }
0xc5: {  	(tm) =	ssettm $0x7FFFFFFF  }
tec
execute0_lowered:
.L_overlay_start_1:
0x0: {  	(tag) =	ssettag $0x1  }
0x1: {  	s0 =	rddreg [dreg:$0x0]  }
0x2: {  	s1 =	rddreg [dreg:$0x1]  }
0x3: {  	s2 =	rddreg [dreg:$0x2]  }
0x4: {  	s4 =	rddreg [dreg:$0x3];
	s5 =	simm.s32 $0x0;
	s14 =	stileid.u32  }
0x5: {  	s3 =	srdreg.scid;
	s17 =	simm.s32 $0x8;
	s28 =	simm.s32 $0x2A00  }
0x6: {  	s29 =	simm.s32 $0x180;
	s30 =	simm.s32 $0x5;
	s31 =	simm.s32 $0x3  }
0x7: {  	[smem:$0x7FF] =	sst s5;
	s6 =	sshrl.u32 s14, $0x2;
	s11 =	smul.u32 $0x2710, s14  }
0x8: {  	s3 =	sand.u32 $0x1, s3;
	s25 =	sshll.u32 s14, $0x8;
	s18 =	smul.u32 $0xA000, s14  }
0x9: {  	p0 =	slt.u32 s14, $0xD;
	s22 =	smul.u32 $0x2800, s14;
	_ =	strace $0x80000047  }
0xa: {  	s8 =	smul.u32 $0x13C00, s6;
	s7 =	sshll.u32 s3, $0x7;
	s9 =	sand.u32 $0x300, s25  }
0xb: {  	s10 =	smul.u32 $0x27100, s3;
	s6 =	sadd.s32 $0x4600, s0;
	s26 =	ssub.s32 $0x2, s3  }
0xc: {  	s17 =	simm.s32 @!p0 $0x7;
	s3 =	smul.u32 $0x138800, s3;
	s9 =	sor.u32 s7, s9  }
0xd: {  	s7 =	sadd.s32 $0x18200, s0;
	s13 =	sshrl.u32 s26, $0x1;
	s20 =	sshrl.u32 s18, $0x2  }
0xe: {  	[dreg:$0x5] =	wrdreg s17;
	s8 =	sor.u32 s8, s9;
	s15 =	ssub.s32 s26, s13  }
0xf: {  	s26 =	sadd.s32 s22, s3;
	s22 =	simm.s32 $0x80;
	s3 =	simm.s32 $0x7  }
0x10: {  	s13 =	simm.s32 $0x0;
	s12 =	sshrl.u32 s8, $0x3;
	s8 =	sadd.s32 s11, s10  }
0x11: {  	s23 =	smax.u32 s15, $0x1;
	s15 =	sadd.s32 s20, s4;
	[dreg:$0xd] =	wrdreg s26  }
0x12: {  	s20 =	simm.s32 $0x9;
	s26 =	simm.s32 $0x2;
	s0 =	sadd.s32 s12, s0  }
0x13: {  	s11 =	sshrl.u32 s8, $0x3;
	s21 =	sadd.s32 $0xF0, s8;
	[dreg:$0xa] =	wrdreg s23  }
0x14: {  	s25 =	sadd.s32 $0xA0, s8;
	s23 =	simm.s32 $0x50;
	s12 =	simm.s32 $0x4  }
0x15: {  	s16 =	sadd.s32 s6, s11;
	s19 =	sadd.s32 s1, s11;
	[dreg:$0xc] =	wrdreg s25  }
0x16: {  	s0 =	sadd.s32 $0xE400, s0;
	s24 =	sshrl.u32 s21, $0x3;
	[dreg:$0x6] =	wrdreg s16  }
0x17: {  	s21 =	simm.s32 $0x100;
	s25 =	simm.s32 $0x1;
	[dreg:$0x8] =	wrdreg s19  }
0x18: {  	s11 =	simm.s32 $0x6;
	s9 =	sadd.s32 $0xA, s16;
	[dreg:$0x9] =	wrdreg s0  }
0x19: {  	s0 =	sadd.s32 s24, s6;
	s19 =	simm.s32 $0x5200;
	[dreg:$0x7] =	wrdreg s9  }
0x1a: {  	v0 =	vimm.f32 $0.0e+00;
	v1 =	vimm.f32 $1.000000000e+00;
	s24 =	simm.s32 $0x200;
	[dreg:$0xb] =	wrdreg s0;
	s0 =	simm.s32 $0x7A00  }
.LBB2_1:
0x1b: {  	s10 =	simm.s32 $0x0;
	s14 =	simm.s32 $0x200  }
.LBB2_2:
0x1c: {  	p0 =	sne.s32 s14, $0x9E00;
	[tilespmem:s10+$0x5270] =	vst v0  }
0x1d: {  	[tilespmem:s10+$0x5200] =	vst v0  }
0x1e: {  	[tilespmem:s10+$0x5210] =	vst v0  }
.Ltmp0:
0x1f: {  	[tilespmem:s10+$0x5220] =	vst v0;
	(pc) =	sbr.rel @p0 .LBB2_2-.Ltmp0, $4  }
0x20: {  	[tilespmem:s10+$0x5230] =	vst v0  }
0x21: {  	[tilespmem:s10+$0x5240] =	vst v0  }
0x22: {  	[tilespmem:s10+$0x5250] =	vst v0  }
0x23: {  	[tilespmem:s10+$0x5260] =	vst v0;
	s10 =	sshra.s32 s14, $0x2;
	s14 =	sadd.s32 $0x200, s14  }
0x24: {  	[tilespmem:s10+$0x5270] =	vst v0  }
0x25: {  	[tilespmem:s10+$0x5200] =	vst v0  }
0x26: {  	[tilespmem:s10+$0x5210] =	vst v0  }
0x27: {  	[tilespmem:s10+$0x5220] =	vst v0  }
0x28: {  	[tilespmem:s10+$0x5230] =	vst v0  }
0x29: {  	[tilespmem:s10+$0x5240] =	vst v0  }
0x2a: {  	[tilespmem:s10+$0x5250] =	vst v0  }
0x2b: {  	[tilespmem:s10+$0x5260] =	vst v0;
	s10 =	simm.s32 $0x40;
	s14 =	simm.s32 $0x0  }
.LBB2_4:
0x2c: {  	p0 =	sne.s32 s10, $0x9C00;
	[tilespmem:s14+$0x7A00] =	vst v0;
	s14 =	smov.u32 s10;
	s10 =	sadd.s32 $0x40, s10  }
.Ltmp1:
0x2d: {  	(pc) =	sbr.rel @p0 .LBB2_4-.Ltmp1, $2  }
0x2e: {  	_ =	sdelay $0x2  }
0x2f: {  	s14 =	sshra.s32 s14, $0x2  }
0x30: {  	p0 =	sne.s32 s17, $0x1  }
.Ltmp2:
0x31: {  	_ = 	snop;
	(pc) =	sbr.rel @!p0 .LBB2_7-.Ltmp2, $4  }
0x32: {  	[tilespmem:s14+$0x7A00] =	vst v0  }
0x33: {  	[spmem:s15] =	stream.linear.scatter [tilespmem:s19], [sflag:$0x9], $0x2800, $0x38;
	[tilespmem:$0x1DA00] =	vst v63  }
0x34: {  	_ =	swait.ge [sflag:s20], $0x2800  }
0x35: {  	s10 =	sadd.s32 $0xFFFFFFFF, s17;
	s14 =	smov.u32 s15;
	[sflag:s20] =	ssyncset.done $0x0  }
.LBB2_6:
0x36: {  	p1 =	sne.s32 s10, $0x1;
	[sflag:s20] =	ssyncadd.s32 $0xFFFFD800;
	s14 =	sadd.s32 $0x28000, s14  }
.Ltmp3:
0x37: {  	s10 =	sadd.s32 $0xFFFFFFFF, s10;
	(pc) =	sbr.rel @p1 .LBB2_6-.Ltmp3, $4  }
0x38: {  	_ = 	snop  }
0x39: {  	[spmem:s14] =	stream.linear.scatter [tilespmem:s19], [sflag:$0x9], $0x2800, $0x38;
	[tilespmem:$0x1DA00] =	vst v63  }
0x3a: {  	_ =	swait.ge [sflag:s20], $0x2800  }
0x3b: {  	[sflag:s20] =	ssyncset.done $0x0  }
.LBB2_7:
0x3c: {  	[sflag:s20] =	ssyncadd.s32 $0xFFFFD800  }
0x3d: {  	[bflag:$0x0] =	sbarrier.arrive $0xFFFF  }
0x3e: {  	s10 =	simm.s32 $0x0;
	s9 =	rddreg [dreg:$0x6]  }
0x3f: {  	[tilespmem:s10], [sflag:$0x1] =	stream.linear.gather [hbm4b:s9+s10], $0x50, $0x38;
	[tilespmem:$0x1DA00] =	vst v63  }
0x40: {  	s17 =	rddreg [dreg:$0x7]  }
0x41: {  	[tilespmem:s21], [sflag:$0x2] =	stream.linear.gather [hbm4b:s17+s10], $0x50, $0x38;
	[tilespmem:$0x1DA00] =	vst v63  }
0x42: {  	s18 =	rddreg [dreg:$0x8]  }
0x43: {  	[tilespmem:s22], [sflag:$0x3] =	stream.linear.gather [hbm4b:s18+s10], $0x50, $0x38;
	[tilespmem:$0x1DA00] =	vst v63  }
.Ltmp4:
0x44: {  	s14 =	simm.s32 $0x1;
	(pc) =	sbr.rel .LBB2_8-.Ltmp4, $4  }
0x45: {  	_ =	swait.ge [sflag:s14], $0x50  }
0x46: {  	[sflag:s14] =	ssyncset.done $0x0;
	s17 =	rddreg [dreg:$0xc]  }
0x47: {  	s16 =	rddreg [dreg:$0xb];
	[sflag:s14] =	ssyncadd.s32 $0xFFFFFFB0  }
0x48: {  	[tilespmem:s24], [sflag:$0x5] =	stream.indirect.gather [hbm4b:s2+s23], $0x80, s10, s23, $0xb8;
	[tilespmem:$0x1DA00] =	vst v63  }
.LBB2_15:
0x49: {  	_ =	swait.ge [sflag:s11], $0x2800  }
0x4a: {  	[sflag:s11] =	ssyncset.done $0x0  }
0x4b: {  	[sflag:s11] =	ssyncadd.s32 $0xFFFFD800  }
0x4c: {  	_ =	swait.ge [sflag:s12], $0x50  }
0x4d: {  	[sflag:s12] =	ssyncset.done $0x0  }
0x4e: {  	[sflag:s12] =	ssyncadd.s32 $0xFFFFFFB0  }
0x4f: {  	[spmem:s4] =	stream.indirect.scatter.add.f32 [tilespmem:s28], [sflag:$0x8], $0x80, s29, s23, $0xb8;
	[tilespmem:$0x1DA00] =	vst v63  }
0x50: {  	v2 =	vld [tilespmem:$0x180];
	_ =	sdelay $0x7  }
0x51: {  	[tilespmem:v2+s0+$0x0] =	vst.idx.add.f32.msk $0xffff, v1  }
0x52: {  	v2 =	vld [tilespmem:$0x190];
	_ =	sdelay $0x7  }
0x53: {  	[tilespmem:v2+s0+$0x0] =	vst.idx.add.f32.msk $0xffff, v1  }
0x54: {  	v2 =	vld [tilespmem:$0x1A0];
	_ =	sdelay $0x7  }
0x55: {  	[tilespmem:v2+s0+$0x0] =	vst.idx.add.f32.msk $0xffff, v1  }
0x56: {  	v2 =	vld [tilespmem:$0x1B0];
	_ =	sdelay $0x7  }
0x57: {  	[tilespmem:v2+s0+$0x0] =	vst.idx.add.f32.msk $0xffff, v1  }
0x58: {  	v2 =	vld [tilespmem:$0x1C0];
	_ =	sdelay $0x6  }
0x59: {  	p1 =	sgt.u32 s10, $0x3C  }
0x5a: {  	s9 =	simm.s32 @!p1 $0x0;
	s18 =	simm.s32 @!p1 $0x100;
	[tilespmem:v2+s0+$0x0] =	vst.idx.add.f32.msk $0xffff, v1  }
0x5b: {  	[tilespmem:s18], [sflag:$0x2] =	stream.linear.gather @!p1 [hbm4b:s16+s9], $0x50, $0x38;
	[tilespmem:$0x1DA00] =	vst v63  }
.LBB2_16:
0x5c: {  	s14 =	sadd.s32 $0x2, s14  }
0x5d: {  	p1 =	sne.s32 s14, $0x7F  }
.Ltmp5:
0x5e: {  	_ = 	snop;
	(pc) =	sbr.rel @!p1 .LBB2_17-.Ltmp5, $2  }
0x5f: {  	_ =	sdelay $0x2  }
0x60: {  	s10 =	sadd.s32 $0x1, s10;
	s16 =	sadd.s32 $0x14, s16;
	s17 =	sadd.s32 $0xA0, s17  }
.LBB2_8:
0x61: {  	p2 =	seq.s32 s14, $0x1  }
0x62: {  	p1 =	sgt.u32 @!p2 s14, $0x7C  }
0x63: {  	p3 =	por p2, !p1  }
.Ltmp6:
0x64: {  	_ = 	snop;
	(pc) =	sbr.rel @!p3 .LBB2_10-.Ltmp6, $4  }
0x65: {  	s18 =	simm.s32 @!p2 $0x8  }
0x66: {  	_ =	swait.ge @!p2 [sflag:s18], $0x2800  }
0x67: {  	[sflag:s18] =	ssyncset.done @!p2 $0x0  }
0x68: {  	p1 =	por @!p2 $0x0, $0x0;
	[sflag:s18] =	ssyncadd.s32 @!p2 $0xFFFFD800  }
0x69: {  	s18 =	smov.u32 s14;
	_ =	swait.ge [sflag:s26], $0x50  }
0x6a: {  	s18 =	simm.s32 @p2 $0x1;
	[sflag:s26] =	ssyncset.done $0x0  }
0x6b: {  	[sflag:s26] =	ssyncadd.s32 $0xFFFFFFB0;
	s18 =	smul.u32 $0x50, s18  }
0x6c: {  	[tilespmem:s28], [sflag:$0x6] =	stream.indirect.gather [hbm4b:s2+s23], $0x80, s21, s23, $0xb8;
	[tilespmem:$0x1DA00] =	vst v63  }
0x6d: {  	s18 =	sadd.s32 s8, s18  }
0x6e: {  	s18 =	sshrl.u32 s18, $0x3  }
0x6f: {  	p1 =	por $0x1, $0x1;
	s18 =	sadd.s32 s1, s18  }
0x70: {  	[tilespmem:s29], [sflag:$0x4] =	stream.linear.gather [hbm4b:s18+s5], $0x50, $0x38;
	[tilespmem:$0x1DA00] =	vst v63  }
.LBB2_10:
0x71: {  	_ =	swait.ge [sflag:s30], $0x2800  }
0x72: {  	[sflag:s30] =	ssyncset.done $0x0  }
0x73: {  	[sflag:s30] =	ssyncadd.s32 $0xFFFFD800  }
0x74: {  	_ =	swait.ge [sflag:s31], $0x50  }
0x75: {  	[sflag:s31] =	ssyncset.done $0x0  }
0x76: {  	[sflag:s31] =	ssyncadd.s32 $0xFFFFFFB0  }
0x77: {  	[spmem:s4] =	stream.indirect.scatter.add.f32 [tilespmem:s24], [sflag:$0x7], $0x80, s22, s23, $0xb8;
	[tilespmem:$0x1DA00] =	vst v63  }
0x78: {  	v2 =	vld [tilespmem:$0x80];
	_ =	sdelay $0x7  }
0x79: {  	[tilespmem:v2+s0+$0x0] =	vst.idx.add.f32.msk $0xffff, v1  }
0x7a: {  	v2 =	vld [tilespmem:$0x90];
	_ =	sdelay $0x7  }
0x7b: {  	[tilespmem:v2+s0+$0x0] =	vst.idx.add.f32.msk $0xffff, v1  }
0x7c: {  	v2 =	vld [tilespmem:$0xA0];
	_ =	sdelay $0x7  }
0x7d: {  	[tilespmem:v2+s0+$0x0] =	vst.idx.add.f32.msk $0xffff, v1  }
0x7e: {  	v2 =	vld [tilespmem:$0xB0];
	_ =	sdelay $0x7  }
0x7f: {  	[tilespmem:v2+s0+$0x0] =	vst.idx.add.f32.msk $0xffff, v1  }
0x80: {  	v2 =	vld [tilespmem:$0xC0];
	_ =	sdelay $0x2  }
0x81: {  	p2 =	sne.s32 s14, $0x7D  }
.Ltmp7:
0x82: {  	_ = 	snop;
	(pc) =	sbr.rel @p2 .LBB2_13-.Ltmp7, $2  }
0x83: {  	_ =	sdelay $0x2  }
0x84: {  	[tilespmem:v2+s0+$0x0] =	vst.idx.add.f32.msk $0xffff, v1  }
.Ltmp8:
0x85: {  	(pc) =	sbr.rel @!p1 .LBB2_17-.Ltmp8, $1  }
0x86: {  	_ =	sdelay $0x3  }
.Ltmp9:
0x87: {  	(pc) =	sbr.rel .LBB2_15-.Ltmp9, $4  }
0x88: {  	_ = 	snop  }
0x89: {  	_ =	swait.ge [sflag:s3], $0x2800  }
0x8a: {  	[sflag:s3] =	ssyncset.done $0x0  }
0x8b: {  	[sflag:s3] =	ssyncadd.s32 $0xFFFFD800  }
.LBB2_13:
.Ltmp10:
0x8c: {  	(pc) =	sbr.rel @!p1 .LBB2_16-.Ltmp10, $4  }
0x8d: {  	_ = 	snop  }
0x8e: {  	s18 =	sshrl.u32 s17, $0x3  }
0x8f: {  	s9 =	sadd.s32 s6, s18  }
0x90: {  	[tilespmem:s5], [sflag:$0x1] =	stream.linear.gather [hbm4b:s9+s5], $0x50, $0x38;
	[tilespmem:$0x1DA00] =	vst v63  }
0x91: {  	_ =	swait.ge [sflag:s3], $0x2800  }
0x92: {  	[sflag:s3] =	ssyncset.done $0x0  }
0x93: {  	[sflag:s3] =	ssyncadd.s32 $0xFFFFD800  }
0x94: {  	_ =	swait.ge [sflag:s25], $0x50  }
.Ltmp11:
0x95: {  	[sflag:s25] =	ssyncset.done $0x0;
	(pc) =	sbr.rel .LBB2_15-.Ltmp11, $4  }
0x96: {  	[sflag:s25] =	ssyncadd.s32 $0xFFFFFFB0  }
0x97: {  	[tilespmem:s24], [sflag:$0x5] =	stream.indirect.gather [hbm4b:s2+s23], $0x80, s5, s23, $0xb8;
	[tilespmem:$0x1DA00] =	vst v63  }
0x98: {  	s9 =	sadd.s32 s1, s18  }
0x99: {  	[tilespmem:s22], [sflag:$0x3] =	stream.linear.gather [hbm4b:s9+s5], $0x50, $0x38;
	[tilespmem:$0x1DA00] =	vst v63  }
.LBB2_17:
0x9a: {  	_ =	swait.ge [sflag:s3], $0x2800  }
0x9b: {  	[sflag:s3] =	ssyncset.done $0x0  }
0x9c: {  	[sflag:s3] =	ssyncadd.s32 $0xFFFFD800  }
0x9d: {  	[bflag:$0x0] =	sbarrier.arrive $0xFFFF  }
0x9e: {  	[tilespmem:s19], [sflag:$0x9] =	stream.linear.gather [spmem:s15], $0x2800, $0x38;
	[tilespmem:$0x1DA00] =	vst v63  }
0x9f: {  	_ =	swait.ge [sflag:s20], $0x2800  }
0xa0: {  	s16 =	rddreg [dreg:$0xd]  }
0xa1: {  	[sflag:s20] =	ssyncset.done $0x0;
	s9 =	sshrl.u32 s16, $0x3  }
.Ltmp12:
0xa2: {  	[sflag:s20] =	ssyncadd.s32 $0xFFFFD800;
	s9 =	sadd.s32 s7, s9;
	(pc) =	sbr.rel @!p0 .LBB2_19-.Ltmp12, $4  }
0xa3: {  	[hbm4b:s9+s5] =	stream.linear.scatter [tilespmem:s19], [sflag:$0x9], $0x2800, $0x38;
	[tilespmem:$0x1DA00] =	vst v63  }
0xa4: {  	_ =	swait.ge [sflag:s20], $0x2800  }
0xa5: {  	s17 =	rddreg [dreg:$0x5]  }
0xa6: {  	s14 =	smov.u32 s15;
	[sflag:s20] =	ssyncset.done $0x0;
	s10 =	sadd.s32 $0xFFFFFFFF, s17  }
.LBB2_18:
0xa7: {  	[sflag:s20] =	ssyncadd.s32 $0xFFFFD800;
	s14 =	sadd.s32 $0x28000, s14;
	s16 =	sadd.s32 $0x28000, s16  }
0xa8: {  	[tilespmem:s19], [sflag:$0x9] =	stream.linear.gather [spmem:s14], $0x2800, $0x38;
	[tilespmem:$0x1DA00] =	vst v63  }
0xa9: {  	p0 =	sne.s32 s10, $0x1;
	s10 =	sadd.s32 $0xFFFFFFFF, s10;
	_ =	swait.ge [sflag:s20], $0x2800  }
.Ltmp13:
0xaa: {  	s9 =	sshrl.u32 s16, $0x3;
	[sflag:s20] =	ssyncset.done $0x0;
	(pc) =	sbr.rel @p0 .LBB2_18-.Ltmp13, $4  }
0xab: {  	s9 =	sadd.s32 s7, s9;
	[sflag:s20] =	ssyncadd.s32 $0xFFFFD800  }
0xac: {  	[hbm4b:s9+s5] =	stream.linear.scatter [tilespmem:s19], [sflag:$0x9], $0x2800, $0x38;
	[tilespmem:$0x1DA00] =	vst v63  }
0xad: {  	_ =	swait.ge [sflag:s20], $0x2800  }
0xae: {  	[sflag:s20] =	ssyncset.done $0x0  }
.LBB2_19:
0xaf: {  	[sflag:s20] =	ssyncadd.s32 $0xFFFFD800;
	s9 =	rddreg [dreg:$0x9];
	s10 =	simm.s32 $0x400  }
0xb0: {  	[hbm4b:s9+s22] =	stream.strided.scatter [tilespmem:s0], [sflag:$0x9], $0x2780, s10, s22, $0x38;
	[tilespmem:$0x1DA00] =	vst v63  }
0xb1: {  	_ =	swait.ge [sflag:s20], $0x2780  }
0xb2: {  	s13 =	sadd.s32 $0x1, s13;
	s18 =	rddreg [dreg:$0xa]  }
0xb3: {  	p0 =	sne.s32 s13, s18  }
.Ltmp14:
0xb4: {  	_ = 	snop;
	(pc) =	sbr.rel @p0 .LBB2_1-.Ltmp14, $3  }
0xb5: {  	_ =	sdelay $0x1  }
0xb6: {  	[sflag:s20] =	ssyncset.done $0x0  }
0xb7: {  	[sflag:s20] =	ssyncadd.s32 $0xFFFFD880  }
0xb8: {  	_ =	sfence.sel $0x180000  }
0xb9: {  	[bflag:$0x0] =	sbarrier.arrive $0xFFFF  }
0xba: {  	_ =	strace $0x90000047  }
0xbb: {  	s0 =	stileid.u32;
	[bflag:$0x2] =	sbarrier.arrive $0xFFFF  }
0xbc: {  	p0 =	sne.s32 s0, $0x0;
	s0 =	rddreg [dreg:$0x4]  }
0xbd: {  	s0 =	sadd.s32 @!p0 $0x100000, s0  }
0xbe: {  	[sflag:s0] =	ssyncadd.tile.s32 @!p0 $0x1;
	_ =	shalt  }
.Lfunc_end2:
_tile_overlayer_lowered:
.L_overlay_start_2:
0xbf: {  	(tag) =	ssettag $0x2  }
0xc0: {  	s0 =	rddreg [dreg:$0x0];
	s2 =	stileid.u32  }
0xc1: {  	s1 =	rddreg [dreg:$0x1];
	p0 =	sne.s32 s2, $0x0  }
0xc2: {  	s3 =	rddreg [dreg:$0x2];
	[bflag:$0x3] =	sbarrier.arrive $0xFFFF;
	s2 =	simm.s32 @!p0 $0x1C09  }
0xc3: {  	[timem:s3], [sflag:s2] =	dma.local @!p0 [hbm:s0], s1  }
0xc4: {  	s0 =	simm.s32 @!p0 $0x9  }
0xc5: {  	_ =	swait.ge @!p0 [sflag:s0], s1  }
0xc6: {  	s1 =	ssub.s32 @!p0 $0x0, s1;
	[sflag:s0] =	ssyncset.done @!p0 $0x0  }
0xc7: {  	[sflag:s0] =	ssyncadd.s32 @!p0 s1  }
0xc8: {  	[bflag:$0x3] =	sbarrier.arrive $0xFFFF  }
0xc9: {  	_ =	shalt  }

</sc_bundles>
